<compile_context>
chip_gen: v7x
topology: tpu7x:2x2x1
jax: 0.10.2.dev20260603
libtpu: 0.0.44.dev20260713+nightly
codegen_flags: <defaults>
</compile_context>

<pallas_src>
import functools

import jax
import jax.numpy as jnp
from jax import lax
from jax.experimental import pallas as pl
from jax.experimental.pallas import tpu as pltpu
from jax.experimental.pallas import tpu_sc as plsc

N = 10000
E = 320000
F_IN = 128
H1 = 64
H2 = 32
C = 3
G = 64

NCORE = 2
NSUB = 16
K = 128
TCH = E // K
FCH = 85
SCH = 71
DCH = 78
NP = 10240
RPT = NP // NSUB


def _sc_mesh():
    return plsc.VectorSubcoreMesh(core_axis_name="c", subcore_axis_name="s")


def _zero_rows_buf(rows, h):
    def body(r, carry):
        for i in range(h // 16):
            rows[r, pl.ds(i * 16, 16)] = jnp.zeros((16,), jnp.float32)
        return carry
    lax.fori_loop(0, K, body, 0)


def _zero_acc_slice(rows, acc, base):
    nfull = RPT // K
    rem = RPT % K
    for b in range(nfull):
        pltpu.sync_copy(rows, acc.at[pl.ds(base + b * K, K)])
    if rem:
        pltpu.sync_copy(rows.at[pl.ds(0, rem)],
                        acc.at[pl.ds(base + nfull * K, rem)])


def _make_deg():
    @functools.partial(
        pl.kernel,
        out_type=jax.ShapeDtypeStruct((NCORE, NP, 16), jnp.float32),
        mesh=_sc_mesh(),
        scratch_types=[
            pltpu.VMEM((DCH + 1, K), jnp.int32),
            pltpu.VMEM((K, 16), jnp.float32),
            pltpu.VMEM_SHARED((NP, 16), jnp.float32),
            pltpu.SemaphoreType.DMA,
        ],
        compiler_params=pltpu.CompilerParams(use_tc_tiling_on_sc=False),
    )
    def deg(dst_hbm, out_hbm, didx, rows, acc, sem):
        c = lax.axis_index("c")
        s = lax.axis_index("s")
        w = s * NCORE + c
        base = s * RPT
        _zero_rows_buf(rows, 16)
        _zero_acc_slice(rows, acc, base)
        start = w * DCH + jnp.maximum(0, w - 28)
        count = DCH + jnp.where(w >= 28, 1, 0)
        pltpu.sync_copy(dst_hbm.at[pl.ds(start, DCH + 1)], didx)

        def fill_ones(r, carry):
            rows[r, :] = jnp.ones((16,), jnp.float32)
            return carry
        lax.fori_loop(0, K, fill_ones, 0)
        plsc.subcore_barrier()

        def chunk(j, carry):
            pltpu.async_copy(rows, acc.at[didx.at[j]], sem, add=True).wait()
            return carry
        lax.fori_loop(0, count, chunk, 0)
        plsc.subcore_barrier()
        pltpu.sync_copy(acc.at[pl.ds(base, RPT)],
                        out_hbm.at[c, pl.ds(base, RPT)])

    return deg


NBUF = 4


def _make_agg(h):
    @functools.partial(
        pl.kernel,
        out_type=jax.ShapeDtypeStruct((NCORE, NP, h), jnp.float32),
        mesh=_sc_mesh(),
        scratch_types=[
            pltpu.VMEM((FCH + 1, K), jnp.int32),
            pltpu.VMEM((FCH + 1, K), jnp.int32),
            [pltpu.VMEM((K, h), jnp.float32) for _ in range(NBUF)],
            pltpu.VMEM_SHARED((NP, h), jnp.float32),
            [pltpu.SemaphoreType.DMA for _ in range(NBUF)],
            pltpu.SemaphoreType.DMA,
        ],
        compiler_params=pltpu.CompilerParams(use_tc_tiling_on_sc=False),
    )
    def agg(table_hbm, src_hbm, dst_hbm, out_hbm, sidx, didx, rows, acc,
            sem_g, sem_s):
        c = lax.axis_index("c")
        s = lax.axis_index("s")
        base = s * RPT
        is_fast = c == 0
        start = jnp.where(is_fast, s * FCH,
                          16 * FCH + s * SCH + jnp.maximum(0, s - 12))
        count = jnp.where(is_fast, FCH, SCH + jnp.where(s >= 12, 1, 0))
        _zero_rows_buf(rows[0], h)
        _zero_acc_slice(rows[0], acc, base)

        @pl.when(is_fast)
        def _():
            pltpu.sync_copy(src_hbm.at[pl.ds(start, FCH)],
                            sidx.at[pl.ds(0, FCH)])
            pltpu.sync_copy(dst_hbm.at[pl.ds(start, FCH)],
                            didx.at[pl.ds(0, FCH)])

        @pl.when(jnp.logical_not(is_fast))
        def _():
            pltpu.sync_copy(src_hbm.at[pl.ds(start, SCH + 1)],
                            sidx.at[pl.ds(0, SCH + 1)])
            pltpu.sync_copy(dst_hbm.at[pl.ds(start, SCH + 1)],
                            didx.at[pl.ds(0, SCH + 1)])
        plsc.subcore_barrier()

        rounds = count // NBUF

        def round_body(i, carry):
            j0 = i * NBUF
            descs = [
                pltpu.async_copy(table_hbm.at[sidx.at[j0 + b]], rows[b],
                                 sem_g[b])
                for b in range(NBUF)
            ]
            prev = None
            for b in range(NBUF):
                descs[b].wait()
                if prev is not None:
                    prev.wait()
                prev = pltpu.async_copy(rows[b], acc.at[didx.at[j0 + b]],
                                        sem_s, add=True)
            prev.wait()
            return carry
        lax.fori_loop(0, rounds, round_body, 0)

        def tail_body(j, carry):
            pltpu.async_copy(table_hbm.at[sidx.at[j]], rows[0],
                             sem_g[0]).wait()
            pltpu.async_copy(rows[0], acc.at[didx.at[j]], sem_s,
                             add=True).wait()
            return carry
        lax.fori_loop(rounds * NBUF, count, tail_body, 0)
        plsc.subcore_barrier()
        pltpu.sync_copy(acc.at[pl.ds(base, RPT)],
                        out_hbm.at[c, pl.ds(base, RPT)])

    return agg


def _mm1(x, w1):
    def body(x_ref, w_ref, o_ref):
        o_ref[...] = jnp.dot(x_ref[...], w_ref[...],
                             preferred_element_type=jnp.float32)
    return pl.pallas_call(
        body, out_shape=jax.ShapeDtypeStruct((N, H1), jnp.float32))(x, w1)


def _scale(hw1, deg16):
    def body(hw_ref, deg_ref, hwp_ref, dinv_ref):
        deg = deg_ref[0, :N, 0] + deg_ref[1, :N, 0] + 1.0
        dinv = lax.rsqrt(deg)[:, None]
        dinv_ref[...] = dinv
        hwp_ref[...] = hw_ref[...] * dinv
    return pl.pallas_call(
        body,
        out_shape=[jax.ShapeDtypeStruct((N, H1), jnp.float32),
                   jax.ShapeDtypeStruct((N, 1), jnp.float32)])(hw1, deg16)


def _layer2(agg1, hw1p, dinv, b1, w2):
    def body(agg_ref, hwp_ref, dinv_ref, b_ref, w_ref, o_ref):
        aggsum = agg_ref[0, :N, :] + agg_ref[1, :N, :] + hwp_ref[...]
        hcur = jnp.maximum(aggsum * dinv_ref[...] + b_ref[...], 0.0)
        hw2 = jnp.dot(hcur, w_ref[...], preferred_element_type=jnp.float32)
        o_ref[...] = hw2 * dinv_ref[...]
    return pl.pallas_call(
        body, out_shape=jax.ShapeDtypeStruct((N, H2), jnp.float32))(
            agg1, hw1p, dinv, b1, w2)


def _final(agg2, hw2p, dinv, b2, batch2d, fc_w, fc_b):
    def body(agg_ref, hwp_ref, dinv_ref, b_ref, bat_ref, fw_ref, fb_ref,
             o_ref):
        aggsum = agg_ref[0, :N, :] + agg_ref[1, :N, :] + hwp_ref[...]
        hcur = jnp.maximum(aggsum * dinv_ref[...] + b_ref[...], 0.0)
        onehot = (bat_ref[...] == lax.broadcasted_iota(
            jnp.int32, (N, G), 1)).astype(jnp.float32)
        sums = lax.dot_general(onehot, hcur, (((0,), (0,)), ((), ())),
                               preferred_element_type=jnp.float32)
        cnt = jnp.sum(onehot, axis=0)[:, None]
        pooled = sums / jnp.maximum(cnt, 1.0)
        o_ref[...] = jnp.dot(pooled, fw_ref[...],
                             preferred_element_type=jnp.float32) + fb_ref[...]
    return pl.pallas_call(
        body, out_shape=jax.ShapeDtypeStruct((G, C), jnp.float32))(
            agg2, hw2p, dinv, b2, batch2d, fc_w, fc_b)


def kernel(x, edge_index, batch, W1, b1, W2, b2, fc_w, fc_b):
    src_r = edge_index[0].reshape(TCH, K)
    dst_r = edge_index[1].reshape(TCH, K)

    deg16 = _make_deg()(dst_r)
    hw1 = _mm1(x, W1)
    hw1p, dinv = _scale(hw1, deg16)
    agg1 = _make_agg(H1)(hw1p, src_r, dst_r)
    hw2p = _layer2(agg1, hw1p, dinv, b1.reshape(1, H1), W2)
    agg2 = _make_agg(H2)(hw2p, src_r, dst_r)
    return _final(agg2, hw2p, dinv, b2.reshape(1, H2),
                  batch.reshape(N, 1), fc_w, fc_b)

# --- scband reference (transcript-rebuilt; emitter-appended) ---
"""Pipeline reference for scband-lob-gnn-22995254903284 (READ-ONLY COPY).

The authoritative reference and input builder live on the scoring server;
editing this copy changes nothing except your own understanding.
"""

import jax, jax.numpy as jnp
import numpy as np

N = 10000
E = 320000
F_IN = 128
H1 = 64
H2 = 32
C = 3
G = 64


def setup_inputs(seed: int = 0) -> dict:
    key = jax.random.key(seed)
    ks = jax.random.split(key, 8)
    x = jax.random.normal(ks[0], (N, F_IN), dtype=jnp.float32)
    edge_index = jax.random.randint(ks[1], (2, E), 0, N, dtype=jnp.int32)
    batch = jnp.sort(jax.random.randint(ks[2], (N,), 0, G, dtype=jnp.int32))
    W1 = jax.random.normal(ks[3], (F_IN, H1), dtype=jnp.float32) * (1.0 / np.sqrt(F_IN))
    b1 = jnp.zeros((H1,), dtype=jnp.float32)
    W2 = jax.random.normal(ks[4], (H1, H2), dtype=jnp.float32) * (1.0 / np.sqrt(H1))
    b2 = jnp.zeros((H2,), dtype=jnp.float32)
    fc_w = jax.random.normal(ks[5], (H2, C), dtype=jnp.float32) * (1.0 / np.sqrt(H2))
    fc_b = jnp.zeros((C,), dtype=jnp.float32)
    return {"x": x, "edge_index": edge_index, "batch": batch, "W1": W1, "b1": b1, "W2": W2, "b2": b2, "fc_w": fc_w, "fc_b": fc_b}


def reference(x, edge_index, batch, W1, b1, W2, b2, fc_w, fc_b):
    n = x.shape[0]
    # GCNConv: add self-loops, symmetric normalization D^-1/2 (A+I) D^-1/2
    loop = jnp.arange(n, dtype=edge_index.dtype)
    src = jnp.concatenate([edge_index[0], loop])
    dst = jnp.concatenate([edge_index[1], loop])
    deg = jnp.zeros((n,), x.dtype).at[dst].add(1.0)
    dinv = jnp.where(deg > 0, deg ** -0.5, 0.0)
    norm = dinv[src] * dinv[dst]

    def gcn_conv(h, W, b):
        hw = h @ W
        msg = hw[src] * norm[:, None]
        out = jnp.zeros((n, W.shape[1]), h.dtype).at[dst].add(msg)
        return out + b

    h = jax.nn.relu(gcn_conv(x, W1, b1))
    h = jax.nn.relu(gcn_conv(h, W2, b2))
    # global_mean_pool over batch assignment
    sums = jax.ops.segment_sum(h, batch, num_segments=G)
    cnt = jax.ops.segment_sum(jnp.ones((n,), h.dtype), batch, num_segments=G)
    pooled = sums / jnp.maximum(cnt, 1.0)[:, None]
    return pooled @ fc_w + fc_b

if __name__ == "__main__":
    import jax
    _d = setup_inputs()
    print(jax.jit(kernel)(*tuple(_d.values())))

</pallas_src>

<mosaic_0001>
#map = affine_map<(d0, d1) -> (0, 0)>
#map1 = affine_map<(d0, d1) -> (0, 0, 0)>
module attributes {stable_mosaic.version = 14 : i64} {
  func.func @deg(%arg0: i32, %arg1: i32, %arg2: memref<2500x128xi32, #tpu.memory_space<hbm>>, %arg3: memref<2x10240x16xf32, #tpu.memory_space<hbm>>, %arg4: memref<79x128xi32, #tpu.memory_space<vmem>>, %arg5: memref<128x16xf32, #tpu.memory_space<vmem>>, %arg6: memref<10240x16xf32, #tpu.memory_space<vmem_shared>>, %arg7: memref<!tpu.dma_semaphore, #tpu.memory_space<semaphore_mem>>) attributes {dimension_semantics = [#tpu.dimension_semantics<core_parallel>, #tpu.dimension_semantics<subcore_parallel>], iteration_bounds = array<i64: 2, 16>, scalar_prefetch = 0 : i64, scratch_operands = 4 : i64, tpu.core_type = #tpu.core_type<sc_vector_subcore>, window_params = [{transform_indices = #map}, {transform_indices = #map1}]} {
    %mul3A = arith.constant 2 : i32
    %mul3A_0 = arith.muli %arg1, %mul3A : i32
    %add3A = arith.addi %mul3A_0, %arg0 : i32
    %mul3A_1 = arith.constant 640 : i32
    %mul3A_2 = arith.muli %arg1, %mul3A_1 : i32
    %scan3A = arith.constant 0 : i32
    %scan3A_3 = arith.constant 0 : i32
    %scan3A_4 = arith.constant 128 : i32
    %scan3A_5 = arith.addi %scan3A_3, %scan3A_4 : i32
    %scan3A_6 = arith.constant 1 : i32
    scf.for %scan3A_43 = %scan3A_3 to %scan3A_5 step %scan3A_6  : i32 {
      %broadcast_in_dim3A = arith.constant 0.000000e+00 : f32
      %broadcast_in_dim3A_44 = vector.broadcast %broadcast_in_dim3A : f32 to vector<16xf32>
      %swap3A = arith.index_cast %scan3A_43 : i32 to index
      %swap3A_45 = arith.constant 0 : index
      %swap3A_46 = tpu.vector_load %arg5[%swap3A, %swap3A_45] {strides = array<i32>} : memref<128x16xf32, #tpu.memory_space<vmem>>, vector<1x16xf32>,
      %swap3A_47 = vector.shape_cast %swap3A_46 : vector<1x16xf32> to vector<16xf32>
      %swap3A_48 = vector.shape_cast %broadcast_in_dim3A_44 : vector<16xf32> to vector<1x16xf32>
      tpu.vector_store %arg5[%swap3A, %swap3A_45], %swap3A_48 {strides = array<i32>} : memref<128x16xf32, #tpu.memory_space<vmem>>, vector<1x16xf32>,
    }
    %scan3A_7 = arith.constant 128 : i32
    %add3A_8 = arith.constant 0 : i32
    %add3A_9 = arith.addi %mul3A_2, %add3A_8 : i32
    "tpu.region"() ({
      %run_scoped3A = tpu.sem_alloc : memref<!tpu.dma_semaphore, #tpu.memory_space<semaphore_mem>>
      %dma_start3A = arith.constant 0 : i32
      %dma_start3A_43 = tpu.memref_slice %arg6[%add3A_9, %dma_start3A] : memref<10240x16xf32, #tpu.memory_space<vmem_shared>> -> memref<128x16xf32, #tpu.memory_space<vmem_shared>>
      %dma_start3A_44 = arith.constant 0 : i32
      %dma_start3A_45 = tpu.memref_slice %arg6[%add3A_9, %dma_start3A_44] : memref<10240x16xf32, #tpu.memory_space<vmem_shared>> -> memref<128x16xf32, #tpu.memory_space<vmem_shared>>
      tpu.enqueue_dma source(%arg5 : memref<128x16xf32, #tpu.memory_space<vmem>>) target(%dma_start3A_45 : memref<128x16xf32, #tpu.memory_space<vmem_shared>>) target_semaphore(%run_scoped3A : memref<!tpu.dma_semaphore, #tpu.memory_space<semaphore_mem>>)
      %dma_wait3A = arith.constant 0 : i32
      %dma_wait3A_46 = tpu.memref_slice %arg6[%add3A_9, %dma_wait3A] : memref<10240x16xf32, #tpu.memory_space<vmem_shared>> -> memref<128x16xf32, #tpu.memory_space<vmem_shared>>
      %dma_wait3A_47 = arith.constant 0 : i32
      %dma_wait3A_48 = tpu.memref_slice %arg6[%add3A_9, %dma_wait3A_47] : memref<10240x16xf32, #tpu.memory_space<vmem_shared>> -> memref<128x16xf32, #tpu.memory_space<vmem_shared>>
      tpu.wait_dma2 semaphore(%run_scoped3A : memref<!tpu.dma_semaphore, #tpu.memory_space<semaphore_mem>>) src(%arg5 : memref<128x16xf32, #tpu.memory_space<vmem>>) dst(%dma_wait3A_48 : memref<128x16xf32, #tpu.memory_space<vmem_shared>>)
      tpu.yield
    }) : () -> ()
    %add3A_10 = arith.constant 128 : i32
    %add3A_11 = arith.addi %mul3A_2, %add3A_10 : i32
    "tpu.region"() ({
      %run_scoped3A = tpu.sem_alloc : memref<!tpu.dma_semaphore, #tpu.memory_space<semaphore_mem>>
      %dma_start3A = arith.constant 0 : i32
      %dma_start3A_43 = tpu.memref_slice %arg6[%add3A_11, %dma_start3A] : memref<10240x16xf32, #tpu.memory_space<vmem_shared>> -> memref<128x16xf32, #tpu.memory_space<vmem_shared>>
      %dma_start3A_44 = arith.constant 0 : i32
      %dma_start3A_45 = tpu.memref_slice %arg6[%add3A_11, %dma_start3A_44] : memref<10240x16xf32, #tpu.memory_space<vmem_shared>> -> memref<128x16xf32, #tpu.memory_space<vmem_shared>>
      tpu.enqueue_dma source(%arg5 : memref<128x16xf32, #tpu.memory_space<vmem>>) target(%dma_start3A_45 : memref<128x16xf32, #tpu.memory_space<vmem_shared>>) target_semaphore(%run_scoped3A : memref<!tpu.dma_semaphore, #tpu.memory_space<semaphore_mem>>)
      %dma_wait3A = arith.constant 0 : i32
      %dma_wait3A_46 = tpu.memref_slice %arg6[%add3A_11, %dma_wait3A] : memref<10240x16xf32, #tpu.memory_space<vmem_shared>> -> memref<128x16xf32, #tpu.memory_space<vmem_shared>>
      %dma_wait3A_47 = arith.constant 0 : i32
      %dma_wait3A_48 = tpu.memref_slice %arg6[%add3A_11, %dma_wait3A_47] : memref<10240x16xf32, #tpu.memory_space<vmem_shared>> -> memref<128x16xf32, #tpu.memory_space<vmem_shared>>
      tpu.wait_dma2 semaphore(%run_scoped3A : memref<!tpu.dma_semaphore, #tpu.memory_space<semaphore_mem>>) src(%arg5 : memref<128x16xf32, #tpu.memory_space<vmem>>) dst(%dma_wait3A_48 : memref<128x16xf32, #tpu.memory_space<vmem_shared>>)
      tpu.yield
    }) : () -> ()
    %add3A_12 = arith.constant 256 : i32
    %add3A_13 = arith.addi %mul3A_2, %add3A_12 : i32
    "tpu.region"() ({
      %run_scoped3A = tpu.sem_alloc : memref<!tpu.dma_semaphore, #tpu.memory_space<semaphore_mem>>
      %dma_start3A = arith.constant 0 : i32
      %dma_start3A_43 = tpu.memref_slice %arg6[%add3A_13, %dma_start3A] : memref<10240x16xf32, #tpu.memory_space<vmem_shared>> -> memref<128x16xf32, #tpu.memory_space<vmem_shared>>
      %dma_start3A_44 = arith.constant 0 : i32
      %dma_start3A_45 = tpu.memref_slice %arg6[%add3A_13, %dma_start3A_44] : memref<10240x16xf32, #tpu.memory_space<vmem_shared>> -> memref<128x16xf32, #tpu.memory_space<vmem_shared>>
      tpu.enqueue_dma source(%arg5 : memref<128x16xf32, #tpu.memory_space<vmem>>) target(%dma_start3A_45 : memref<128x16xf32, #tpu.memory_space<vmem_shared>>) target_semaphore(%run_scoped3A : memref<!tpu.dma_semaphore, #tpu.memory_space<semaphore_mem>>)
      %dma_wait3A = arith.constant 0 : i32
      %dma_wait3A_46 = tpu.memref_slice %arg6[%add3A_13, %dma_wait3A] : memref<10240x16xf32, #tpu.memory_space<vmem_shared>> -> memref<128x16xf32, #tpu.memory_space<vmem_shared>>
      %dma_wait3A_47 = arith.constant 0 : i32
      %dma_wait3A_48 = tpu.memref_slice %arg6[%add3A_13, %dma_wait3A_47] : memref<10240x16xf32, #tpu.memory_space<vmem_shared>> -> memref<128x16xf32, #tpu.memory_space<vmem_shared>>
      tpu.wait_dma2 semaphore(%run_scoped3A : memref<!tpu.dma_semaphore, #tpu.memory_space<semaphore_mem>>) src(%arg5 : memref<128x16xf32, #tpu.memory_space<vmem>>) dst(%dma_wait3A_48 : memref<128x16xf32, #tpu.memory_space<vmem_shared>>)
      tpu.yield
    }) : () -> ()
    %add3A_14 = arith.constant 384 : i32
    %add3A_15 = arith.addi %mul3A_2, %add3A_14 : i32
    "tpu.region"() ({
      %run_scoped3A = tpu.sem_alloc : memref<!tpu.dma_semaphore, #tpu.memory_space<semaphore_mem>>
      %dma_start3A = arith.constant 0 : i32
      %dma_start3A_43 = tpu.memref_slice %arg6[%add3A_15, %dma_start3A] : memref<10240x16xf32, #tpu.memory_space<vmem_shared>> -> memref<128x16xf32, #tpu.memory_space<vmem_shared>>
      %dma_start3A_44 = arith.constant 0 : i32
      %dma_start3A_45 = tpu.memref_slice %arg6[%add3A_15, %dma_start3A_44] : memref<10240x16xf32, #tpu.memory_space<vmem_shared>> -> memref<128x16xf32, #tpu.memory_space<vmem_shared>>
      tpu.enqueue_dma source(%arg5 : memref<128x16xf32, #tpu.memory_space<vmem>>) target(%dma_start3A_45 : memref<128x16xf32, #tpu.memory_space<vmem_shared>>) target_semaphore(%run_scoped3A : memref<!tpu.dma_semaphore, #tpu.memory_space<semaphore_mem>>)
      %dma_wait3A = arith.constant 0 : i32
      %dma_wait3A_46 = tpu.memref_slice %arg6[%add3A_15, %dma_wait3A] : memref<10240x16xf32, #tpu.memory_space<vmem_shared>> -> memref<128x16xf32, #tpu.memory_space<vmem_shared>>
      %dma_wait3A_47 = arith.constant 0 : i32
      %dma_wait3A_48 = tpu.memref_slice %arg6[%add3A_15, %dma_wait3A_47] : memref<10240x16xf32, #tpu.memory_space<vmem_shared>> -> memref<128x16xf32, #tpu.memory_space<vmem_shared>>
      tpu.wait_dma2 semaphore(%run_scoped3A : memref<!tpu.dma_semaphore, #tpu.memory_space<semaphore_mem>>) src(%arg5 : memref<128x16xf32, #tpu.memory_space<vmem>>) dst(%dma_wait3A_48 : memref<128x16xf32, #tpu.memory_space<vmem_shared>>)
      tpu.yield
    }) : () -> ()
    %add3A_16 = arith.constant 512 : i32
    %add3A_17 = arith.addi %mul3A_2, %add3A_16 : i32
    "tpu.region"() ({
      %run_scoped3A = tpu.sem_alloc : memref<!tpu.dma_semaphore, #tpu.memory_space<semaphore_mem>>
      %dma_start3A = arith.constant 0 : i32
      %dma_start3A_43 = tpu.memref_slice %arg6[%add3A_17, %dma_start3A] : memref<10240x16xf32, #tpu.memory_space<vmem_shared>> -> memref<128x16xf32, #tpu.memory_space<vmem_shared>>
      %dma_start3A_44 = arith.constant 0 : i32
      %dma_start3A_45 = tpu.memref_slice %arg6[%add3A_17, %dma_start3A_44] : memref<10240x16xf32, #tpu.memory_space<vmem_shared>> -> memref<128x16xf32, #tpu.memory_space<vmem_shared>>
      tpu.enqueue_dma source(%arg5 : memref<128x16xf32, #tpu.memory_space<vmem>>) target(%dma_start3A_45 : memref<128x16xf32, #tpu.memory_space<vmem_shared>>) target_semaphore(%run_scoped3A : memref<!tpu.dma_semaphore, #tpu.memory_space<semaphore_mem>>)
      %dma_wait3A = arith.constant 0 : i32
      %dma_wait3A_46 = tpu.memref_slice %arg6[%add3A_17, %dma_wait3A] : memref<10240x16xf32, #tpu.memory_space<vmem_shared>> -> memref<128x16xf32, #tpu.memory_space<vmem_shared>>
      %dma_wait3A_47 = arith.constant 0 : i32
      %dma_wait3A_48 = tpu.memref_slice %arg6[%add3A_17, %dma_wait3A_47] : memref<10240x16xf32, #tpu.memory_space<vmem_shared>> -> memref<128x16xf32, #tpu.memory_space<vmem_shared>>
      tpu.wait_dma2 semaphore(%run_scoped3A : memref<!tpu.dma_semaphore, #tpu.memory_space<semaphore_mem>>) src(%arg5 : memref<128x16xf32, #tpu.memory_space<vmem>>) dst(%dma_wait3A_48 : memref<128x16xf32, #tpu.memory_space<vmem_shared>>)
      tpu.yield
    }) : () -> ()
    %mul3A_18 = arith.constant 78 : i32
    %mul3A_19 = arith.muli %add3A, %mul3A_18 : i32
    %sub3A = arith.constant 28 : i32
    %sub3A_20 = arith.subi %add3A, %sub3A : i32
    %max3A = arith.constant 0 : i32
    %max3A_21 = arith.maxsi %max3A, %sub3A_20 : i32
    %add3A_22 = arith.addi %mul3A_19, %max3A_21 : i32
    %ge3A = arith.constant 28 : i32
    %ge3A_23 = arith.cmpi sge, %add3A, %ge3A : i32
    %jit3A = arith.constant 1 : i32
    %jit3A_24 = arith.constant 0 : i32
    %select_n3A = arith.select %ge3A_23, %jit3A, %jit3A_24 : i32
    %add3A_25 = arith.constant 78 : i32
    %add3A_26 = arith.addi %add3A_25, %select_n3A : i32
    "tpu.region"() ({
      %run_scoped3A = tpu.sem_alloc : memref<!tpu.dma_semaphore, #tpu.memory_space<semaphore_mem>>
      %dma_start3A = arith.constant 0 : i32
      %dma_start3A_43 = tpu.memref_slice %arg2[%add3A_22, %dma_start3A] : memref<2500x128xi32, #tpu.memory_space<hbm>> -> memref<79x128xi32, #tpu.memory_space<hbm>>
      %dma_start3A_44 = arith.constant 0 : i32
      %dma_start3A_45 = tpu.memref_slice %arg2[%add3A_22, %dma_start3A_44] : memref<2500x128xi32, #tpu.memory_space<hbm>> -> memref<79x128xi32, #tpu.memory_space<hbm>>
      tpu.enqueue_dma source(%dma_start3A_45 : memref<79x128xi32, #tpu.memory_space<hbm>>) target(%arg4 : memref<79x128xi32, #tpu.memory_space<vmem>>) target_semaphore(%run_scoped3A : memref<!tpu.dma_semaphore, #tpu.memory_space<semaphore_mem>>)
      %dma_wait3A = arith.constant 0 : i32
      %dma_wait3A_46 = tpu.memref_slice %arg2[%add3A_22, %dma_wait3A] : memref<2500x128xi32, #tpu.memory_space<hbm>> -> memref<79x128xi32, #tpu.memory_space<hbm>>
      %dma_wait3A_47 = arith.constant 0 : i32
      %dma_wait3A_48 = tpu.memref_slice %arg2[%add3A_22, %dma_wait3A_47] : memref<2500x128xi32, #tpu.memory_space<hbm>> -> memref<79x128xi32, #tpu.memory_space<hbm>>
      tpu.wait_dma2 semaphore(%run_scoped3A : memref<!tpu.dma_semaphore, #tpu.memory_space<semaphore_mem>>) src(%dma_wait3A_48 : memref<79x128xi32, #tpu.memory_space<hbm>>) dst(%arg4 : memref<79x128xi32, #tpu.memory_space<vmem>>)
      tpu.yield
    }) : () -> ()
    %scan3A_27 = arith.constant 0 : i32
    %scan3A_28 = arith.constant 0 : i32
    %scan3A_29 = arith.constant 128 : i32
    %scan3A_30 = arith.addi %scan3A_28, %scan3A_29 : i32
    %scan3A_31 = arith.constant 1 : i32
    scf.for %scan3A_43 = %scan3A_28 to %scan3A_30 step %scan3A_31  : i32 {
      %broadcast_in_dim3A = arith.constant 1.000000e+00 : f32
      %broadcast_in_dim3A_44 = vector.broadcast %broadcast_in_dim3A : f32 to vector<16xf32>
      %swap3A = arith.index_cast %scan3A_43 : i32 to index
      %swap3A_45 = arith.constant 0 : index
      %swap3A_46 = tpu.vector_load %arg5[%swap3A, %swap3A_45] {strides = array<i32>} : memref<128x16xf32, #tpu.memory_space<vmem>>, vector<1x16xf32>,
      %swap3A_47 = vector.shape_cast %swap3A_46 : vector<1x16xf32> to vector<16xf32>
      %swap3A_48 = vector.shape_cast %broadcast_in_dim3A_44 : vector<16xf32> to vector<1x16xf32>
      tpu.vector_store %arg5[%swap3A, %swap3A_45], %swap3A_48 {strides = array<i32>} : memref<128x16xf32, #tpu.memory_space<vmem>>, vector<1x16xf32>,
    }
    %scan3A_32 = arith.constant 128 : i32
    %barrier3A = arith.constant 0 : index
    tpu.barrier barrier_id(%barrier3A)
    %while3A = arith.constant 0 : i32
    %while3A_33 = arith.constant 0 : i32
    %while3A_34 = arith.subi %add3A_26, %while3A_33 : i32
    %while3A_35 = arith.addi %while3A_33, %while3A_34 : i32
    %while3A_36 = arith.constant 1 : i32
    %while3A_37 = arith.divsi %while3A_34, %while3A_36 : i32
    %while3A_38 = arith.muli %while3A_37, %while3A_36 : i32
    %while3A_39 = arith.addi %while3A_33, %while3A_38 : i32
    %while3A_40 = arith.constant 1 : i32
    scf.for %while3A_43 = %while3A_33 to %while3A_39 step %while3A_40  : i32 {
      %dma_start3A = arith.constant 0 : i32
      %dma_start3A_44 = tpu.memref_slice %arg4[%while3A_43, %dma_start3A] : memref<79x128xi32, #tpu.memory_space<vmem>> -> memref<1x128xi32, #tpu.memory_space<vmem>>
      %dma_start3A_45 = tpu.memref_squeeze %dma_start3A_44 : memref<1x128xi32, #tpu.memory_space<vmem>> -> memref<128xi32, #tpu.memory_space<vmem>>
      %dma_start3A_46 = arith.constant 0 : i32
      %dma_start3A_47 = arith.constant 0 : i32
      %dma_start3A_48 = tpu.memref_slice %arg6[%dma_start3A_46, %dma_start3A_47] : memref<10240x16xf32, #tpu.memory_space<vmem_shared>> -> memref<10240x16xf32, #tpu.memory_space<vmem_shared>>
      tpu.enqueue_indirect_dma source(%arg5 : memref<128x16xf32, #tpu.memory_space<vmem>>) target(%dma_start3A_48 : memref<10240x16xf32, #tpu.memory_space<vmem_shared>>) offsets(%dma_start3A_45 : memref<128xi32, #tpu.memory_space<vmem>>) semaphore(%arg7 : memref<!tpu.dma_semaphore, #tpu.memory_space<semaphore_mem>>) {add = true}
      %dma_wait3A = arith.constant 0 : i32
      %dma_wait3A_49 = tpu.memref_slice %arg4[%while3A_43, %dma_wait3A] : memref<79x128xi32, #tpu.memory_space<vmem>> -> memref<1x128xi32, #tpu.memory_space<vmem>>
      %dma_wait3A_50 = tpu.memref_squeeze %dma_wait3A_49 : memref<1x128xi32, #tpu.memory_space<vmem>> -> memref<128xi32, #tpu.memory_space<vmem>>
      %dma_wait3A_51 = arith.constant 0 : i32
      %dma_wait3A_52 = arith.constant 0 : i32
      %dma_wait3A_53 = tpu.memref_slice %arg6[%dma_wait3A_51, %dma_wait3A_52] : memref<10240x16xf32, #tpu.memory_space<vmem_shared>> -> memref<10240x16xf32, #tpu.memory_space<vmem_shared>>
      tpu.wait_indirect_dma semaphore(%arg7 : memref<!tpu.dma_semaphore, #tpu.memory_space<semaphore_mem>>) src(%arg5 : memref<128x16xf32, #tpu.memory_space<vmem>>) dst(%dma_wait3A_53 : memref<10240x16xf32, #tpu.memory_space<vmem_shared>>)
    }
    %while3A_41 = arith.constant 1 : i32
    scf.for %while3A_43 = %while3A_39 to %while3A_35 step %while3A_41  : i32 {
      %dma_start3A = arith.constant 0 : i32
      %dma_start3A_44 = tpu.memref_slice %arg4[%while3A_43, %dma_start3A] : memref<79x128xi32, #tpu.memory_space<vmem>> -> memref<1x128xi32, #tpu.memory_space<vmem>>
      %dma_start3A_45 = tpu.memref_squeeze %dma_start3A_44 : memref<1x128xi32, #tpu.memory_space<vmem>> -> memref<128xi32, #tpu.memory_space<vmem>>
      %dma_start3A_46 = arith.constant 0 : i32
      %dma_start3A_47 = arith.constant 0 : i32
      %dma_start3A_48 = tpu.memref_slice %arg6[%dma_start3A_46, %dma_start3A_47] : memref<10240x16xf32, #tpu.memory_space<vmem_shared>> -> memref<10240x16xf32, #tpu.memory_space<vmem_shared>>
      tpu.enqueue_indirect_dma source(%arg5 : memref<128x16xf32, #tpu.memory_space<vmem>>) target(%dma_start3A_48 : memref<10240x16xf32, #tpu.memory_space<vmem_shared>>) offsets(%dma_start3A_45 : memref<128xi32, #tpu.memory_space<vmem>>) semaphore(%arg7 : memref<!tpu.dma_semaphore, #tpu.memory_space<semaphore_mem>>) {add = true}
      %dma_wait3A = arith.constant 0 : i32
      %dma_wait3A_49 = tpu.memref_slice %arg4[%while3A_43, %dma_wait3A] : memref<79x128xi32, #tpu.memory_space<vmem>> -> memref<1x128xi32, #tpu.memory_space<vmem>>
      %dma_wait3A_50 = tpu.memref_squeeze %dma_wait3A_49 : memref<1x128xi32, #tpu.memory_space<vmem>> -> memref<128xi32, #tpu.memory_space<vmem>>
      %dma_wait3A_51 = arith.constant 0 : i32
      %dma_wait3A_52 = arith.constant 0 : i32
      %dma_wait3A_53 = tpu.memref_slice %arg6[%dma_wait3A_51, %dma_wait3A_52] : memref<10240x16xf32, #tpu.memory_space<vmem_shared>> -> memref<10240x16xf32, #tpu.memory_space<vmem_shared>>
      tpu.wait_indirect_dma semaphore(%arg7 : memref<!tpu.dma_semaphore, #tpu.memory_space<semaphore_mem>>) src(%arg5 : memref<128x16xf32, #tpu.memory_space<vmem>>) dst(%dma_wait3A_53 : memref<10240x16xf32, #tpu.memory_space<vmem_shared>>)
    }
    %barrier3A_42 = arith.constant 0 : index
    tpu.barrier barrier_id(%barrier3A_42)
    "tpu.region"() ({
      %run_scoped3A = tpu.sem_alloc : memref<!tpu.dma_semaphore, #tpu.memory_space<semaphore_mem>>
      %dma_start3A = arith.constant 0 : i32
      %dma_start3A_43 = tpu.memref_slice %arg3[%arg0, %mul3A_2, %dma_start3A] : memref<2x10240x16xf32, #tpu.memory_space<hbm>> -> memref<1x640x16xf32, #tpu.memory_space<hbm>>
      %dma_start3A_44 = tpu.memref_squeeze %dma_start3A_43 : memref<1x640x16xf32, #tpu.memory_space<hbm>> -> memref<640x16xf32, #tpu.memory_space<hbm>>
      %dma_start3A_45 = arith.constant 0 : i32
      %dma_start3A_46 = tpu.memref_slice %arg6[%mul3A_2, %dma_start3A_45] : memref<10240x16xf32, #tpu.memory_space<vmem_shared>> -> memref<640x16xf32, #tpu.memory_space<vmem_shared>>
      tpu.enqueue_dma source(%dma_start3A_46 : memref<640x16xf32, #tpu.memory_space<vmem_shared>>) target(%dma_start3A_44 : memref<640x16xf32, #tpu.memory_space<hbm>>) target_semaphore(%run_scoped3A : memref<!tpu.dma_semaphore, #tpu.memory_space<semaphore_mem>>)
      %dma_wait3A = arith.constant 0 : i32
      %dma_wait3A_47 = tpu.memref_slice %arg3[%arg0, %mul3A_2, %dma_wait3A] : memref<2x10240x16xf32, #tpu.memory_space<hbm>> -> memref<1x640x16xf32, #tpu.memory_space<hbm>>
      %dma_wait3A_48 = tpu.memref_squeeze %dma_wait3A_47 : memref<1x640x16xf32, #tpu.memory_space<hbm>> -> memref<640x16xf32, #tpu.memory_space<hbm>>
      %dma_wait3A_49 = arith.constant 0 : i32
      %dma_wait3A_50 = tpu.memref_slice %arg6[%mul3A_2, %dma_wait3A_49] : memref<10240x16xf32, #tpu.memory_space<vmem_shared>> -> memref<640x16xf32, #tpu.memory_space<vmem_shared>>
      tpu.wait_dma2 semaphore(%run_scoped3A : memref<!tpu.dma_semaphore, #tpu.memory_space<semaphore_mem>>) src(%dma_wait3A_50 : memref<640x16xf32, #tpu.memory_space<vmem_shared>>) dst(%dma_wait3A_48 : memref<640x16xf32, #tpu.memory_space<hbm>>)
      tpu.yield
    }) : () -> ()
    return
  }
}

#map = affine_map<(d0, d1) -> (0, 0)>
#map1 = affine_map<(d0, d1) -> (0, 0, 0)>
module attributes {stable_mosaic.version = 14 : i64} {
  func.func @agg(%arg0: i32, %arg1: i32, %arg2: memref<10000x64xf32, #tpu.memory_space<hbm>>, %arg3: memref<2500x128xi32, #tpu.memory_space<hbm>>, %arg4: memref<2500x128xi32, #tpu.memory_space<hbm>>, %arg5: memref<2x10240x64xf32, #tpu.memory_space<hbm>>, %arg6: memref<86x128xi32, #tpu.memory_space<vmem>>, %arg7: memref<86x128xi32, #tpu.memory_space<vmem>>, %arg8: memref<128x64xf32, #tpu.memory_space<vmem>>, %arg9: memref<128x64xf32, #tpu.memory_space<vmem>>, %arg10: memref<128x64xf32, #tpu.memory_space<vmem>>, %arg11: memref<128x64xf32, #tpu.memory_space<vmem>>, %arg12: memref<10240x64xf32, #tpu.memory_space<vmem_shared>>, %arg13: memref<!tpu.dma_semaphore, #tpu.memory_space<semaphore_mem>>, %arg14: memref<!tpu.dma_semaphore, #tpu.memory_space<semaphore_mem>>, %arg15: memref<!tpu.dma_semaphore, #tpu.memory_space<semaphore_mem>>, %arg16: memref<!tpu.dma_semaphore, #tpu.memory_space<semaphore_mem>>, %arg17: memref<!tpu.dma_semaphore, #tpu.memory_space<semaphore_mem>>) attributes {dimension_semantics = [#tpu.dimension_semantics<core_parallel>, #tpu.dimension_semantics<subcore_parallel>], iteration_bounds = array<i64: 2, 16>, scalar_prefetch = 0 : i64, scratch_operands = 12 : i64, tpu.core_type = #tpu.core_type<sc_vector_subcore>, window_params = [{transform_indices = #map}, {transform_indices = #map}, {transform_indices = #map}, {transform_indices = #map1}]} {
    %mul3A = arith.constant 640 : i32
    %mul3A_0 = arith.muli %arg1, %mul3A : i32
    %eq3A = arith.constant 0 : i32
    %eq3A_1 = arith.cmpi eq, %arg0, %eq3A : i32
    %mul3A_2 = arith.constant 85 : i32
    %mul3A_3 = arith.muli %arg1, %mul3A_2 : i32
    %mul3A_4 = arith.constant 71 : i32
    %mul3A_5 = arith.muli %arg1, %mul3A_4 : i32
    %add3A = arith.constant 1360 : i32
    %add3A_6 = arith.addi %add3A, %mul3A_5 : i32
    %sub3A = arith.constant 12 : i32
    %sub3A_7 = arith.subi %arg1, %sub3A : i32
    %max3A = arith.constant 0 : i32
    %max3A_8 = arith.maxsi %max3A, %sub3A_7 : i32
    %add3A_9 = arith.addi %add3A_6, %max3A_8 : i32
    %select_n3A = arith.select %eq3A_1, %mul3A_3, %add3A_9 : i32
    %ge3A = arith.constant 12 : i32
    %ge3A_10 = arith.cmpi sge, %arg1, %ge3A : i32
    %jit3A = arith.constant 1 : i32
    %jit3A_11 = arith.constant 0 : i32
    %select_n3A_12 = arith.select %ge3A_10, %jit3A, %jit3A_11 : i32
    %add3A_13 = arith.constant 71 : i32
    %add3A_14 = arith.addi %add3A_13, %select_n3A_12 : i32
    %jit3A_15 = arith.constant 85 : i32
    %select_n3A_16 = arith.select %eq3A_1, %jit3A_15, %add3A_14 : i32
    %scan3A = arith.constant 0 : i32
    %scan3A_17 = arith.constant 0 : i32
    %scan3A_18 = arith.constant 128 : i32
    %scan3A_19 = arith.addi %scan3A_17, %scan3A_18 : i32
    %scan3A_20 = arith.constant 1 : i32
    scf.for %scan3A_77 = %scan3A_17 to %scan3A_19 step %scan3A_20  : i32 {
      %broadcast_in_dim3A = arith.constant 0.000000e+00 : f32
      %broadcast_in_dim3A_78 = vector.broadcast %broadcast_in_dim3A : f32 to vector<16xf32>
      %swap3A = arith.index_cast %scan3A_77 : i32 to index
      %swap3A_79 = arith.constant 0 : index
      %swap3A_80 = tpu.vector_load %arg8[%swap3A, %swap3A_79] {strides = array<i32>} : memref<128x64xf32, #tpu.memory_space<vmem>>, vector<1x16xf32>,
      %swap3A_81 = vector.shape_cast %swap3A_80 : vector<1x16xf32> to vector<16xf32>
      %swap3A_82 = vector.shape_cast %broadcast_in_dim3A_78 : vector<16xf32> to vector<1x16xf32>
      tpu.vector_store %arg8[%swap3A, %swap3A_79], %swap3A_82 {strides = array<i32>} : memref<128x64xf32, #tpu.memory_space<vmem>>, vector<1x16xf32>,
      %broadcast_in_dim3A_83 = arith.constant 0.000000e+00 : f32
      %broadcast_in_dim3A_84 = vector.broadcast %broadcast_in_dim3A_83 : f32 to vector<16xf32>
      %swap3A_85 = arith.index_cast %scan3A_77 : i32 to index
      %swap3A_86 = arith.constant 16 : index
      %swap3A_87 = tpu.vector_load %arg8[%swap3A_85, %swap3A_86] {strides = array<i32>} : memref<128x64xf32, #tpu.memory_space<vmem>>, vector<1x16xf32>,
      %swap3A_88 = vector.shape_cast %swap3A_87 : vector<1x16xf32> to vector<16xf32>
      %swap3A_89 = vector.shape_cast %broadcast_in_dim3A_84 : vector<16xf32> to vector<1x16xf32>
      tpu.vector_store %arg8[%swap3A_85, %swap3A_86], %swap3A_89 {strides = array<i32>} : memref<128x64xf32, #tpu.memory_space<vmem>>, vector<1x16xf32>,
      %broadcast_in_dim3A_90 = arith.constant 0.000000e+00 : f32
      %broadcast_in_dim3A_91 = vector.broadcast %broadcast_in_dim3A_90 : f32 to vector<16xf32>
      %swap3A_92 = arith.index_cast %scan3A_77 : i32 to index
      %swap3A_93 = arith.constant 32 : index
      %swap3A_94 = tpu.vector_load %arg8[%swap3A_92, %swap3A_93] {strides = array<i32>} : memref<128x64xf32, #tpu.memory_space<vmem>>, vector<1x16xf32>,
      %swap3A_95 = vector.shape_cast %swap3A_94 : vector<1x16xf32> to vector<16xf32>
      %swap3A_96 = vector.shape_cast %broadcast_in_dim3A_91 : vector<16xf32> to vector<1x16xf32>
      tpu.vector_store %arg8[%swap3A_92, %swap3A_93], %swap3A_96 {strides = array<i32>} : memref<128x64xf32, #tpu.memory_space<vmem>>, vector<1x16xf32>,
      %broadcast_in_dim3A_97 = arith.constant 0.000000e+00 : f32
      %broadcast_in_dim3A_98 = vector.broadcast %broadcast_in_dim3A_97 : f32 to vector<16xf32>
      %swap3A_99 = arith.index_cast %scan3A_77 : i32 to index
      %swap3A_100 = arith.constant 48 : index
      %swap3A_101 = tpu.vector_load %arg8[%swap3A_99, %swap3A_100] {strides = array<i32>} : memref<128x64xf32, #tpu.memory_space<vmem>>, vector<1x16xf32>,
      %swap3A_102 = vector.shape_cast %swap3A_101 : vector<1x16xf32> to vector<16xf32>
      %swap3A_103 = vector.shape_cast %broadcast_in_dim3A_98 : vector<16xf32> to vector<1x16xf32>
      tpu.vector_store %arg8[%swap3A_99, %swap3A_100], %swap3A_103 {strides = array<i32>} : memref<128x64xf32, #tpu.memory_space<vmem>>, vector<1x16xf32>,
    }
    %scan3A_21 = arith.constant 128 : i32
    %add3A_22 = arith.constant 0 : i32
    %add3A_23 = arith.addi %mul3A_0, %add3A_22 : i32
    "tpu.region"() ({
      %run_scoped3A = tpu.sem_alloc : memref<!tpu.dma_semaphore, #tpu.memory_space<semaphore_mem>>
      %dma_start3A = arith.constant 0 : i32
      %dma_start3A_77 = tpu.memref_slice %arg12[%add3A_23, %dma_start3A] : memref<10240x64xf32, #tpu.memory_space<vmem_shared>> -> memref<128x64xf32, #tpu.memory_space<vmem_shared>>
      %dma_start3A_78 = arith.constant 0 : i32
      %dma_start3A_79 = tpu.memref_slice %arg12[%add3A_23, %dma_start3A_78] : memref<10240x64xf32, #tpu.memory_space<vmem_shared>> -> memref<128x64xf32, #tpu.memory_space<vmem_shared>>
      tpu.enqueue_dma source(%arg8 : memref<128x64xf32, #tpu.memory_space<vmem>>) target(%dma_start3A_79 : memref<128x64xf32, #tpu.memory_space<vmem_shared>>) target_semaphore(%run_scoped3A : memref<!tpu.dma_semaphore, #tpu.memory_space<semaphore_mem>>)
      %dma_wait3A = arith.constant 0 : i32
      %dma_wait3A_80 = tpu.memref_slice %arg12[%add3A_23, %dma_wait3A] : memref<10240x64xf32, #tpu.memory_space<vmem_shared>> -> memref<128x64xf32, #tpu.memory_space<vmem_shared>>
      %dma_wait3A_81 = arith.constant 0 : i32
      %dma_wait3A_82 = tpu.memref_slice %arg12[%add3A_23, %dma_wait3A_81] : memref<10240x64xf32, #tpu.memory_space<vmem_shared>> -> memref<128x64xf32, #tpu.memory_space<vmem_shared>>
      tpu.wait_dma2 semaphore(%run_scoped3A : memref<!tpu.dma_semaphore, #tpu.memory_space<semaphore_mem>>) src(%arg8 : memref<128x64xf32, #tpu.memory_space<vmem>>) dst(%dma_wait3A_82 : memref<128x64xf32, #tpu.memory_space<vmem_shared>>)
      tpu.yield
    }) : () -> ()
    %add3A_24 = arith.constant 128 : i32
    %add3A_25 = arith.addi %mul3A_0, %add3A_24 : i32
    "tpu.region"() ({
      %run_scoped3A = tpu.sem_alloc : memref<!tpu.dma_semaphore, #tpu.memory_space<semaphore_mem>>
      %dma_start3A = arith.constant 0 : i32
      %dma_start3A_77 = tpu.memref_slice %arg12[%add3A_25, %dma_start3A] : memref<10240x64xf32, #tpu.memory_space<vmem_shared>> -> memref<128x64xf32, #tpu.memory_space<vmem_shared>>
      %dma_start3A_78 = arith.constant 0 : i32
      %dma_start3A_79 = tpu.memref_slice %arg12[%add3A_25, %dma_start3A_78] : memref<10240x64xf32, #tpu.memory_space<vmem_shared>> -> memref<128x64xf32, #tpu.memory_space<vmem_shared>>
      tpu.enqueue_dma source(%arg8 : memref<128x64xf32, #tpu.memory_space<vmem>>) target(%dma_start3A_79 : memref<128x64xf32, #tpu.memory_space<vmem_shared>>) target_semaphore(%run_scoped3A : memref<!tpu.dma_semaphore, #tpu.memory_space<semaphore_mem>>)
      %dma_wait3A = arith.constant 0 : i32
      %dma_wait3A_80 = tpu.memref_slice %arg12[%add3A_25, %dma_wait3A] : memref<10240x64xf32, #tpu.memory_space<vmem_shared>> -> memref<128x64xf32, #tpu.memory_space<vmem_shared>>
      %dma_wait3A_81 = arith.constant 0 : i32
      %dma_wait3A_82 = tpu.memref_slice %arg12[%add3A_25, %dma_wait3A_81] : memref<10240x64xf32, #tpu.memory_space<vmem_shared>> -> memref<128x64xf32, #tpu.memory_space<vmem_shared>>
      tpu.wait_dma2 semaphore(%run_scoped3A : memref<!tpu.dma_semaphore, #tpu.memory_space<semaphore_mem>>) src(%arg8 : memref<128x64xf32, #tpu.memory_space<vmem>>) dst(%dma_wait3A_82 : memref<128x64xf32, #tpu.memory_space<vmem_shared>>)
      tpu.yield
    }) : () -> ()
    %add3A_26 = arith.constant 256 : i32
    %add3A_27 = arith.addi %mul3A_0, %add3A_26 : i32
    "tpu.region"() ({
      %run_scoped3A = tpu.sem_alloc : memref<!tpu.dma_semaphore, #tpu.memory_space<semaphore_mem>>
      %dma_start3A = arith.constant 0 : i32
      %dma_start3A_77 = tpu.memref_slice %arg12[%add3A_27, %dma_start3A] : memref<10240x64xf32, #tpu.memory_space<vmem_shared>> -> memref<128x64xf32, #tpu.memory_space<vmem_shared>>
      %dma_start3A_78 = arith.constant 0 : i32
      %dma_start3A_79 = tpu.memref_slice %arg12[%add3A_27, %dma_start3A_78] : memref<10240x64xf32, #tpu.memory_space<vmem_shared>> -> memref<128x64xf32, #tpu.memory_space<vmem_shared>>
      tpu.enqueue_dma source(%arg8 : memref<128x64xf32, #tpu.memory_space<vmem>>) target(%dma_start3A_79 : memref<128x64xf32, #tpu.memory_space<vmem_shared>>) target_semaphore(%run_scoped3A : memref<!tpu.dma_semaphore, #tpu.memory_space<semaphore_mem>>)
      %dma_wait3A = arith.constant 0 : i32
      %dma_wait3A_80 = tpu.memref_slice %arg12[%add3A_27, %dma_wait3A] : memref<10240x64xf32, #tpu.memory_space<vmem_shared>> -> memref<128x64xf32, #tpu.memory_space<vmem_shared>>
      %dma_wait3A_81 = arith.constant 0 : i32
      %dma_wait3A_82 = tpu.memref_slice %arg12[%add3A_27, %dma_wait3A_81] : memref<10240x64xf32, #tpu.memory_space<vmem_shared>> -> memref<128x64xf32, #tpu.memory_space<vmem_shared>>
      tpu.wait_dma2 semaphore(%run_scoped3A : memref<!tpu.dma_semaphore, #tpu.memory_space<semaphore_mem>>) src(%arg8 : memref<128x64xf32, #tpu.memory_space<vmem>>) dst(%dma_wait3A_82 : memref<128x64xf32, #tpu.memory_space<vmem_shared>>)
      tpu.yield
    }) : () -> ()
    %add3A_28 = arith.constant 384 : i32
    %add3A_29 = arith.addi %mul3A_0, %add3A_28 : i32
    "tpu.region"() ({
      %run_scoped3A = tpu.sem_alloc : memref<!tpu.dma_semaphore, #tpu.memory_space<semaphore_mem>>
      %dma_start3A = arith.constant 0 : i32
      %dma_start3A_77 = tpu.memref_slice %arg12[%add3A_29, %dma_start3A] : memref<10240x64xf32, #tpu.memory_space<vmem_shared>> -> memref<128x64xf32, #tpu.memory_space<vmem_shared>>
      %dma_start3A_78 = arith.constant 0 : i32
      %dma_start3A_79 = tpu.memref_slice %arg12[%add3A_29, %dma_start3A_78] : memref<10240x64xf32, #tpu.memory_space<vmem_shared>> -> memref<128x64xf32, #tpu.memory_space<vmem_shared>>
      tpu.enqueue_dma source(%arg8 : memref<128x64xf32, #tpu.memory_space<vmem>>) target(%dma_start3A_79 : memref<128x64xf32, #tpu.memory_space<vmem_shared>>) target_semaphore(%run_scoped3A : memref<!tpu.dma_semaphore, #tpu.memory_space<semaphore_mem>>)
      %dma_wait3A = arith.constant 0 : i32
      %dma_wait3A_80 = tpu.memref_slice %arg12[%add3A_29, %dma_wait3A] : memref<10240x64xf32, #tpu.memory_space<vmem_shared>> -> memref<128x64xf32, #tpu.memory_space<vmem_shared>>
      %dma_wait3A_81 = arith.constant 0 : i32
      %dma_wait3A_82 = tpu.memref_slice %arg12[%add3A_29, %dma_wait3A_81] : memref<10240x64xf32, #tpu.memory_space<vmem_shared>> -> memref<128x64xf32, #tpu.memory_space<vmem_shared>>
      tpu.wait_dma2 semaphore(%run_scoped3A : memref<!tpu.dma_semaphore, #tpu.memory_space<semaphore_mem>>) src(%arg8 : memref<128x64xf32, #tpu.memory_space<vmem>>) dst(%dma_wait3A_82 : memref<128x64xf32, #tpu.memory_space<vmem_shared>>)
      tpu.yield
    }) : () -> ()
    %add3A_30 = arith.constant 512 : i32
    %add3A_31 = arith.addi %mul3A_0, %add3A_30 : i32
    "tpu.region"() ({
      %run_scoped3A = tpu.sem_alloc : memref<!tpu.dma_semaphore, #tpu.memory_space<semaphore_mem>>
      %dma_start3A = arith.constant 0 : i32
      %dma_start3A_77 = tpu.memref_slice %arg12[%add3A_31, %dma_start3A] : memref<10240x64xf32, #tpu.memory_space<vmem_shared>> -> memref<128x64xf32, #tpu.memory_space<vmem_shared>>
      %dma_start3A_78 = arith.constant 0 : i32
      %dma_start3A_79 = tpu.memref_slice %arg12[%add3A_31, %dma_start3A_78] : memref<10240x64xf32, #tpu.memory_space<vmem_shared>> -> memref<128x64xf32, #tpu.memory_space<vmem_shared>>
      tpu.enqueue_dma source(%arg8 : memref<128x64xf32, #tpu.memory_space<vmem>>) target(%dma_start3A_79 : memref<128x64xf32, #tpu.memory_space<vmem_shared>>) target_semaphore(%run_scoped3A : memref<!tpu.dma_semaphore, #tpu.memory_space<semaphore_mem>>)
      %dma_wait3A = arith.constant 0 : i32
      %dma_wait3A_80 = tpu.memref_slice %arg12[%add3A_31, %dma_wait3A] : memref<10240x64xf32, #tpu.memory_space<vmem_shared>> -> memref<128x64xf32, #tpu.memory_space<vmem_shared>>
      %dma_wait3A_81 = arith.constant 0 : i32
      %dma_wait3A_82 = tpu.memref_slice %arg12[%add3A_31, %dma_wait3A_81] : memref<10240x64xf32, #tpu.memory_space<vmem_shared>> -> memref<128x64xf32, #tpu.memory_space<vmem_shared>>
      tpu.wait_dma2 semaphore(%run_scoped3A : memref<!tpu.dma_semaphore, #tpu.memory_space<semaphore_mem>>) src(%arg8 : memref<128x64xf32, #tpu.memory_space<vmem>>) dst(%dma_wait3A_82 : memref<128x64xf32, #tpu.memory_space<vmem_shared>>)
      tpu.yield
    }) : () -> ()
    %convert_element_type3A = arith.extui %eq3A_1 : i1 to i32
    %cond3A = arith.constant 0 : i32
    %cond3A_32 = arith.cmpi ne, %convert_element_type3A, %cond3A : i32
    scf.if %cond3A_32 {
      "tpu.region"() ({
        %run_scoped3A = tpu.sem_alloc : memref<!tpu.dma_semaphore, #tpu.memory_space<semaphore_mem>>
        %dma_start3A = arith.constant 0 : i32
        %dma_start3A_77 = arith.constant 0 : i32
        %dma_start3A_78 = tpu.memref_slice %arg6[%dma_start3A, %dma_start3A_77] : memref<86x128xi32, #tpu.memory_space<vmem>> -> memref<85x128xi32, #tpu.memory_space<vmem>>
        %dma_start3A_79 = arith.constant 0 : i32
        %dma_start3A_80 = tpu.memref_slice %arg3[%select_n3A, %dma_start3A_79] : memref<2500x128xi32, #tpu.memory_space<hbm>> -> memref<85x128xi32, #tpu.memory_space<hbm>>
        %dma_start3A_81 = arith.constant 0 : i32
        %dma_start3A_82 = arith.constant 0 : i32
        %dma_start3A_83 = tpu.memref_slice %arg6[%dma_start3A_81, %dma_start3A_82] : memref<86x128xi32, #tpu.memory_space<vmem>> -> memref<85x128xi32, #tpu.memory_space<vmem>>
        %dma_start3A_84 = arith.constant 0 : i32
        %dma_start3A_85 = tpu.memref_slice %arg3[%select_n3A, %dma_start3A_84] : memref<2500x128xi32, #tpu.memory_space<hbm>> -> memref<85x128xi32, #tpu.memory_space<hbm>>
        tpu.enqueue_dma source(%dma_start3A_85 : memref<85x128xi32, #tpu.memory_space<hbm>>) target(%dma_start3A_83 : memref<85x128xi32, #tpu.memory_space<vmem>>) target_semaphore(%run_scoped3A : memref<!tpu.dma_semaphore, #tpu.memory_space<semaphore_mem>>)
        %dma_wait3A = arith.constant 0 : i32
        %dma_wait3A_86 = arith.constant 0 : i32
        %dma_wait3A_87 = tpu.memref_slice %arg6[%dma_wait3A, %dma_wait3A_86] : memref<86x128xi32, #tpu.memory_space<vmem>> -> memref<85x128xi32, #tpu.memory_space<vmem>>
        %dma_wait3A_88 = arith.constant 0 : i32
        %dma_wait3A_89 = tpu.memref_slice %arg3[%select_n3A, %dma_wait3A_88] : memref<2500x128xi32, #tpu.memory_space<hbm>> -> memref<85x128xi32, #tpu.memory_space<hbm>>
        %dma_wait3A_90 = arith.constant 0 : i32
        %dma_wait3A_91 = arith.constant 0 : i32
        %dma_wait3A_92 = tpu.memref_slice %arg6[%dma_wait3A_90, %dma_wait3A_91] : memref<86x128xi32, #tpu.memory_space<vmem>> -> memref<85x128xi32, #tpu.memory_space<vmem>>
        %dma_wait3A_93 = arith.constant 0 : i32
        %dma_wait3A_94 = tpu.memref_slice %arg3[%select_n3A, %dma_wait3A_93] : memref<2500x128xi32, #tpu.memory_space<hbm>> -> memref<85x128xi32, #tpu.memory_space<hbm>>
        tpu.wait_dma2 semaphore(%run_scoped3A : memref<!tpu.dma_semaphore, #tpu.memory_space<semaphore_mem>>) src(%dma_wait3A_94 : memref<85x128xi32, #tpu.memory_space<hbm>>) dst(%dma_wait3A_92 : memref<85x128xi32, #tpu.memory_space<vmem>>)
        tpu.yield
      }) : () -> ()
      "tpu.region"() ({
        %run_scoped3A = tpu.sem_alloc : memref<!tpu.dma_semaphore, #tpu.memory_space<semaphore_mem>>
        %dma_start3A = arith.constant 0 : i32
        %dma_start3A_77 = arith.constant 0 : i32
        %dma_start3A_78 = tpu.memref_slice %arg7[%dma_start3A, %dma_start3A_77] : memref<86x128xi32, #tpu.memory_space<vmem>> -> memref<85x128xi32, #tpu.memory_space<vmem>>
        %dma_start3A_79 = arith.constant 0 : i32
        %dma_start3A_80 = tpu.memref_slice %arg4[%select_n3A, %dma_start3A_79] : memref<2500x128xi32, #tpu.memory_space<hbm>> -> memref<85x128xi32, #tpu.memory_space<hbm>>
        %dma_start3A_81 = arith.constant 0 : i32
        %dma_start3A_82 = arith.constant 0 : i32
        %dma_start3A_83 = tpu.memref_slice %arg7[%dma_start3A_81, %dma_start3A_82] : memref<86x128xi32, #tpu.memory_space<vmem>> -> memref<85x128xi32, #tpu.memory_space<vmem>>
        %dma_start3A_84 = arith.constant 0 : i32
        %dma_start3A_85 = tpu.memref_slice %arg4[%select_n3A, %dma_start3A_84] : memref<2500x128xi32, #tpu.memory_space<hbm>> -> memref<85x128xi32, #tpu.memory_space<hbm>>
        tpu.enqueue_dma source(%dma_start3A_85 : memref<85x128xi32, #tpu.memory_space<hbm>>) target(%dma_start3A_83 : memref<85x128xi32, #tpu.memory_space<vmem>>) target_semaphore(%run_scoped3A : memref<!tpu.dma_semaphore, #tpu.memory_space<semaphore_mem>>)
        %dma_wait3A = arith.constant 0 : i32
        %dma_wait3A_86 = arith.constant 0 : i32
        %dma_wait3A_87 = tpu.memref_slice %arg7[%dma_wait3A, %dma_wait3A_86] : memref<86x128xi32, #tpu.memory_space<vmem>> -> memref<85x128xi32, #tpu.memory_space<vmem>>
        %dma_wait3A_88 = arith.constant 0 : i32
        %dma_wait3A_89 = tpu.memref_slice %arg4[%select_n3A, %dma_wait3A_88] : memref<2500x128xi32, #tpu.memory_space<hbm>> -> memref<85x128xi32, #tpu.memory_space<hbm>>
        %dma_wait3A_90 = arith.constant 0 : i32
        %dma_wait3A_91 = arith.constant 0 : i32
        %dma_wait3A_92 = tpu.memref_slice %arg7[%dma_wait3A_90, %dma_wait3A_91] : memref<86x128xi32, #tpu.memory_space<vmem>> -> memref<85x128xi32, #tpu.memory_space<vmem>>
        %dma_wait3A_93 = arith.constant 0 : i32
        %dma_wait3A_94 = tpu.memref_slice %arg4[%select_n3A, %dma_wait3A_93] : memref<2500x128xi32, #tpu.memory_space<hbm>> -> memref<85x128xi32, #tpu.memory_space<hbm>>
        tpu.wait_dma2 semaphore(%run_scoped3A : memref<!tpu.dma_semaphore, #tpu.memory_space<semaphore_mem>>) src(%dma_wait3A_94 : memref<85x128xi32, #tpu.memory_space<hbm>>) dst(%dma_wait3A_92 : memref<85x128xi32, #tpu.memory_space<vmem>>)
        tpu.yield
      }) : () -> ()
    } else {
    }
    %not3A = arith.constant true
    %not3A_33 = arith.xori %eq3A_1, %not3A : i1
    %convert_element_type3A_34 = arith.extui %not3A_33 : i1 to i32
    %cond3A_35 = arith.constant 0 : i32
    %cond3A_36 = arith.cmpi ne, %convert_element_type3A_34, %cond3A_35 : i32
    scf.if %cond3A_36 {
      "tpu.region"() ({
        %run_scoped3A = tpu.sem_alloc : memref<!tpu.dma_semaphore, #tpu.memory_space<semaphore_mem>>
        %dma_start3A = arith.constant 0 : i32
        %dma_start3A_77 = arith.constant 0 : i32
        %dma_start3A_78 = tpu.memref_slice %arg6[%dma_start3A, %dma_start3A_77] : memref<86x128xi32, #tpu.memory_space<vmem>> -> memref<72x128xi32, #tpu.memory_space<vmem>>
        %dma_start3A_79 = arith.constant 0 : i32
        %dma_start3A_80 = tpu.memref_slice %arg3[%select_n3A, %dma_start3A_79] : memref<2500x128xi32, #tpu.memory_space<hbm>> -> memref<72x128xi32, #tpu.memory_space<hbm>>
        %dma_start3A_81 = arith.constant 0 : i32
        %dma_start3A_82 = arith.constant 0 : i32
        %dma_start3A_83 = tpu.memref_slice %arg6[%dma_start3A_81, %dma_start3A_82] : memref<86x128xi32, #tpu.memory_space<vmem>> -> memref<72x128xi32, #tpu.memory_space<vmem>>
        %dma_start3A_84 = arith.constant 0 : i32
        %dma_start3A_85 = tpu.memref_slice %arg3[%select_n3A, %dma_start3A_84] : memref<2500x128xi32, #tpu.memory_space<hbm>> -> memref<72x128xi32, #tpu.memory_space<hbm>>
        tpu.enqueue_dma source(%dma_start3A_85 : memref<72x128xi32, #tpu.memory_space<hbm>>) target(%dma_start3A_83 : memref<72x128xi32, #tpu.memory_space<vmem>>) target_semaphore(%run_scoped3A : memref<!tpu.dma_semaphore, #tpu.memory_space<semaphore_mem>>)
        %dma_wait3A = arith.constant 0 : i32
        %dma_wait3A_86 = arith.constant 0 : i32
        %dma_wait3A_87 = tpu.memref_slice %arg6[%dma_wait3A, %dma_wait3A_86] : memref<86x128xi32, #tpu.memory_space<vmem>> -> memref<72x128xi32, #tpu.memory_space<vmem>>
        %dma_wait3A_88 = arith.constant 0 : i32
        %dma_wait3A_89 = tpu.memref_slice %arg3[%select_n3A, %dma_wait3A_88] : memref<2500x128xi32, #tpu.memory_space<hbm>> -> memref<72x128xi32, #tpu.memory_space<hbm>>
        %dma_wait3A_90 = arith.constant 0 : i32
        %dma_wait3A_91 = arith.constant 0 : i32
        %dma_wait3A_92 = tpu.memref_slice %arg6[%dma_wait3A_90, %dma_wait3A_91] : memref<86x128xi32, #tpu.memory_space<vmem>> -> memref<72x128xi32, #tpu.memory_space<vmem>>
        %dma_wait3A_93 = arith.constant 0 : i32
        %dma_wait3A_94 = tpu.memref_slice %arg3[%select_n3A, %dma_wait3A_93] : memref<2500x128xi32, #tpu.memory_space<hbm>> -> memref<72x128xi32, #tpu.memory_space<hbm>>
        tpu.wait_dma2 semaphore(%run_scoped3A : memref<!tpu.dma_semaphore, #tpu.memory_space<semaphore_mem>>) src(%dma_wait3A_94 : memref<72x128xi32, #tpu.memory_space<hbm>>) dst(%dma_wait3A_92 : memref<72x128xi32, #tpu.memory_space<vmem>>)
        tpu.yield
      }) : () -> ()
      "tpu.region"() ({
        %run_scoped3A = tpu.sem_alloc : memref<!tpu.dma_semaphore, #tpu.memory_space<semaphore_mem>>
        %dma_start3A = arith.constant 0 : i32
        %dma_start3A_77 = arith.constant 0 : i32
        %dma_start3A_78 = tpu.memref_slice %arg7[%dma_start3A, %dma_start3A_77] : memref<86x128xi32, #tpu.memory_space<vmem>> -> memref<72x128xi32, #tpu.memory_space<vmem>>
        %dma_start3A_79 = arith.constant 0 : i32
        %dma_start3A_80 = tpu.memref_slice %arg4[%select_n3A, %dma_start3A_79] : memref<2500x128xi32, #tpu.memory_space<hbm>> -> memref<72x128xi32, #tpu.memory_space<hbm>>
        %dma_start3A_81 = arith.constant 0 : i32
        %dma_start3A_82 = arith.constant 0 : i32
        %dma_start3A_83 = tpu.memref_slice %arg7[%dma_start3A_81, %dma_start3A_82] : memref<86x128xi32, #tpu.memory_space<vmem>> -> memref<72x128xi32, #tpu.memory_space<vmem>>
        %dma_start3A_84 = arith.constant 0 : i32
        %dma_start3A_85 = tpu.memref_slice %arg4[%select_n3A, %dma_start3A_84] : memref<2500x128xi32, #tpu.memory_space<hbm>> -> memref<72x128xi32, #tpu.memory_space<hbm>>
        tpu.enqueue_dma source(%dma_start3A_85 : memref<72x128xi32, #tpu.memory_space<hbm>>) target(%dma_start3A_83 : memref<72x128xi32, #tpu.memory_space<vmem>>) target_semaphore(%run_scoped3A : memref<!tpu.dma_semaphore, #tpu.memory_space<semaphore_mem>>)
        %dma_wait3A = arith.constant 0 : i32
        %dma_wait3A_86 = arith.constant 0 : i32
        %dma_wait3A_87 = tpu.memref_slice %arg7[%dma_wait3A, %dma_wait3A_86] : memref<86x128xi32, #tpu.memory_space<vmem>> -> memref<72x128xi32, #tpu.memory_space<vmem>>
        %dma_wait3A_88 = arith.constant 0 : i32
        %dma_wait3A_89 = tpu.memref_slice %arg4[%select_n3A, %dma_wait3A_88] : memref<2500x128xi32, #tpu.memory_space<hbm>> -> memref<72x128xi32, #tpu.memory_space<hbm>>
        %dma_wait3A_90 = arith.constant 0 : i32
        %dma_wait3A_91 = arith.constant 0 : i32
        %dma_wait3A_92 = tpu.memref_slice %arg7[%dma_wait3A_90, %dma_wait3A_91] : memref<86x128xi32, #tpu.memory_space<vmem>> -> memref<72x128xi32, #tpu.memory_space<vmem>>
        %dma_wait3A_93 = arith.constant 0 : i32
        %dma_wait3A_94 = tpu.memref_slice %arg4[%select_n3A, %dma_wait3A_93] : memref<2500x128xi32, #tpu.memory_space<hbm>> -> memref<72x128xi32, #tpu.memory_space<hbm>>
        tpu.wait_dma2 semaphore(%run_scoped3A : memref<!tpu.dma_semaphore, #tpu.memory_space<semaphore_mem>>) src(%dma_wait3A_94 : memref<72x128xi32, #tpu.memory_space<hbm>>) dst(%dma_wait3A_92 : memref<72x128xi32, #tpu.memory_space<vmem>>)
        tpu.yield
      }) : () -> ()
    } else {
    }
    %barrier3A = arith.constant 0 : index
    tpu.barrier barrier_id(%barrier3A)
    %jit3A_37 = arith.constant 4 : i32
    %div3A = arith.divsi %select_n3A_16, %jit3A_37 : i32
    %sign3A = arith.constant 0 : i32
    %sign3A_38 = arith.cmpi sgt, %select_n3A_16, %sign3A : i32
    %sign3A_39 = arith.extui %sign3A_38 : i1 to i32
    %sign3A_40 = arith.constant 0 : i32
    %sign3A_41 = arith.cmpi slt, %select_n3A_16, %sign3A_40 : i32
    %sign3A_42 = arith.extui %sign3A_41 : i1 to i32
    %sign3A_43 = arith.subi %sign3A_39, %sign3A_42 : i32
    %sign3A_44 = arith.constant 0 : i32
    %sign3A_45 = arith.cmpi sgt, %jit3A_37, %sign3A_44 : i32
    %sign3A_46 = arith.extui %sign3A_45 : i1 to i32
    %sign3A_47 = arith.constant 0 : i32
    %sign3A_48 = arith.cmpi slt, %jit3A_37, %sign3A_47 : i32
    %sign3A_49 = arith.extui %sign3A_48 : i1 to i32
    %sign3A_50 = arith.subi %sign3A_46, %sign3A_49 : i32
    %ne3A = arith.cmpi ne, %sign3A_43, %sign3A_50 : i32
    %rem3A = arith.remsi %select_n3A_16, %jit3A_37 : i32
    %ne3A_51 = arith.constant 0 : i32
    %ne3A_52 = arith.cmpi ne, %rem3A, %ne3A_51 : i32
    %and3A = arith.andi %ne3A, %ne3A_52 : i1
    %sub3A_53 = arith.constant 1 : i32
    %sub3A_54 = arith.subi %div3A, %sub3A_53 : i32
    %select_n3A_55 = arith.select %and3A, %sub3A_54, %div3A : i32
    %while3A = arith.constant 0 : i32
    %while3A_56 = arith.constant 0 : i32
    %while3A_57 = arith.subi %select_n3A_55, %while3A_56 : i32
    %while3A_58 = arith.addi %while3A_56, %while3A_57 : i32
    %while3A_59 = arith.constant 1 : i32
    %while3A_60 = arith.divsi %while3A_57, %while3A_59 : i32
    %while3A_61 = arith.muli %while3A_60, %while3A_59 : i32
    %while3A_62 = arith.addi %while3A_56, %while3A_61 : i32
    %while3A_63 = arith.constant 1 : i32
    scf.for %while3A_77 = %while3A_56 to %while3A_62 step %while3A_63  : i32 {
      %mul3A_78 = arith.constant 4 : i32
      %mul3A_79 = arith.muli %while3A_77, %mul3A_78 : i32
      %add3A_80 = arith.constant 0 : i32
      %add3A_81 = arith.addi %mul3A_79, %add3A_80 : i32
      %dma_start3A = arith.constant 0 : i32
      %dma_start3A_82 = tpu.memref_slice %arg6[%add3A_81, %dma_start3A] : memref<86x128xi32, #tpu.memory_space<vmem>> -> memref<1x128xi32, #tpu.memory_space<vmem>>
      %dma_start3A_83 = tpu.memref_squeeze %dma_start3A_82 : memref<1x128xi32, #tpu.memory_space<vmem>> -> memref<128xi32, #tpu.memory_space<vmem>>
      %dma_start3A_84 = arith.constant 0 : i32
      %dma_start3A_85 = arith.constant 0 : i32
      %dma_start3A_86 = tpu.memref_slice %arg2[%dma_start3A_84, %dma_start3A_85] : memref<10000x64xf32, #tpu.memory_space<hbm>> -> memref<10000x64xf32, #tpu.memory_space<hbm>>
      tpu.enqueue_indirect_dma source(%dma_start3A_86 : memref<10000x64xf32, #tpu.memory_space<hbm>>) target(%arg8 : memref<128x64xf32, #tpu.memory_space<vmem>>) offsets(%dma_start3A_83 : memref<128xi32, #tpu.memory_space<vmem>>) semaphore(%arg13 : memref<!tpu.dma_semaphore, #tpu.memory_space<semaphore_mem>>)
      %add3A_87 = arith.constant 1 : i32
      %add3A_88 = arith.addi %mul3A_79, %add3A_87 : i32
      %dma_start3A_89 = arith.constant 0 : i32
      %dma_start3A_90 = tpu.memref_slice %arg6[%add3A_88, %dma_start3A_89] : memref<86x128xi32, #tpu.memory_space<vmem>> -> memref<1x128xi32, #tpu.memory_space<vmem>>
      %dma_start3A_91 = tpu.memref_squeeze %dma_start3A_90 : memref<1x128xi32, #tpu.memory_space<vmem>> -> memref<128xi32, #tpu.memory_space<vmem>>
      %dma_start3A_92 = arith.constant 0 : i32
      %dma_start3A_93 = arith.constant 0 : i32
      %dma_start3A_94 = tpu.memref_slice %arg2[%dma_start3A_92, %dma_start3A_93] : memref<10000x64xf32, #tpu.memory_space<hbm>> -> memref<10000x64xf32, #tpu.memory_space<hbm>>
      tpu.enqueue_indirect_dma source(%dma_start3A_94 : memref<10000x64xf32, #tpu.memory_space<hbm>>) target(%arg9 : memref<128x64xf32, #tpu.memory_space<vmem>>) offsets(%dma_start3A_91 : memref<128xi32, #tpu.memory_space<vmem>>) semaphore(%arg14 : memref<!tpu.dma_semaphore, #tpu.memory_space<semaphore_mem>>)
      %add3A_95 = arith.constant 2 : i32
      %add3A_96 = arith.addi %mul3A_79, %add3A_95 : i32
      %dma_start3A_97 = arith.constant 0 : i32
      %dma_start3A_98 = tpu.memref_slice %arg6[%add3A_96, %dma_start3A_97] : memref<86x128xi32, #tpu.memory_space<vmem>> -> memref<1x128xi32, #tpu.memory_space<vmem>>
      %dma_start3A_99 = tpu.memref_squeeze %dma_start3A_98 : memref<1x128xi32, #tpu.memory_space<vmem>> -> memref<128xi32, #tpu.memory_space<vmem>>
      %dma_start3A_100 = arith.constant 0 : i32
      %dma_start3A_101 = arith.constant 0 : i32
      %dma_start3A_102 = tpu.memref_slice %arg2[%dma_start3A_100, %dma_start3A_101] : memref<10000x64xf32, #tpu.memory_space<hbm>> -> memref<10000x64xf32, #tpu.memory_space<hbm>>
      tpu.enqueue_indirect_dma source(%dma_start3A_102 : memref<10000x64xf32, #tpu.memory_space<hbm>>) target(%arg10 : memref<128x64xf32, #tpu.memory_space<vmem>>) offsets(%dma_start3A_99 : memref<128xi32, #tpu.memory_space<vmem>>) semaphore(%arg15 : memref<!tpu.dma_semaphore, #tpu.memory_space<semaphore_mem>>)
      %add3A_103 = arith.constant 3 : i32
      %add3A_104 = arith.addi %mul3A_79, %add3A_103 : i32
      %dma_start3A_105 = arith.constant 0 : i32
      %dma_start3A_106 = tpu.memref_slice %arg6[%add3A_104, %dma_start3A_105] : memref<86x128xi32, #tpu.memory_space<vmem>> -> memref<1x128xi32, #tpu.memory_space<vmem>>
      %dma_start3A_107 = tpu.memref_squeeze %dma_start3A_106 : memref<1x128xi32, #tpu.memory_space<vmem>> -> memref<128xi32, #tpu.memory_space<vmem>>
      %dma_start3A_108 = arith.constant 0 : i32
      %dma_start3A_109 = arith.constant 0 : i32
      %dma_start3A_110 = tpu.memref_slice %arg2[%dma_start3A_108, %dma_start3A_109] : memref<10000x64xf32, #tpu.memory_space<hbm>> -> memref<10000x64xf32, #tpu.memory_space<hbm>>
      tpu.enqueue_indirect_dma source(%dma_start3A_110 : memref<10000x64xf32, #tpu.memory_space<hbm>>) target(%arg11 : memref<128x64xf32, #tpu.memory_space<vmem>>) offsets(%dma_start3A_107 : memref<128xi32, #tpu.memory_space<vmem>>) semaphore(%arg16 : memref<!tpu.dma_semaphore, #tpu.memory_space<semaphore_mem>>)
      %dma_wait3A = arith.constant 0 : i32
      %dma_wait3A_111 = tpu.memref_slice %arg6[%add3A_81, %dma_wait3A] : memref<86x128xi32, #tpu.memory_space<vmem>> -> memref<1x128xi32, #tpu.memory_space<vmem>>
      %dma_wait3A_112 = tpu.memref_squeeze %dma_wait3A_111 : memref<1x128xi32, #tpu.memory_space<vmem>> -> memref<128xi32, #tpu.memory_space<vmem>>
      %dma_wait3A_113 = arith.constant 0 : i32
      %dma_wait3A_114 = arith.constant 0 : i32
      %dma_wait3A_115 = tpu.memref_slice %arg2[%dma_wait3A_113, %dma_wait3A_114] : memref<10000x64xf32, #tpu.memory_space<hbm>> -> memref<10000x64xf32, #tpu.memory_space<hbm>>
      tpu.wait_indirect_dma semaphore(%arg13 : memref<!tpu.dma_semaphore, #tpu.memory_space<semaphore_mem>>) src(%dma_wait3A_115 : memref<10000x64xf32, #tpu.memory_space<hbm>>) dst(%arg8 : memref<128x64xf32, #tpu.memory_space<vmem>>)
      %add3A_116 = arith.constant 0 : i32
      %add3A_117 = arith.addi %mul3A_79, %add3A_116 : i32
      %dma_start3A_118 = arith.constant 0 : i32
      %dma_start3A_119 = tpu.memref_slice %arg7[%add3A_117, %dma_start3A_118] : memref<86x128xi32, #tpu.memory_space<vmem>> -> memref<1x128xi32, #tpu.memory_space<vmem>>
      %dma_start3A_120 = tpu.memref_squeeze %dma_start3A_119 : memref<1x128xi32, #tpu.memory_space<vmem>> -> memref<128xi32, #tpu.memory_space<vmem>>
      %dma_start3A_121 = arith.constant 0 : i32
      %dma_start3A_122 = arith.constant 0 : i32
      %dma_start3A_123 = tpu.memref_slice %arg12[%dma_start3A_121, %dma_start3A_122] : memref<10240x64xf32, #tpu.memory_space<vmem_shared>> -> memref<10240x64xf32, #tpu.memory_space<vmem_shared>>
      tpu.enqueue_indirect_dma source(%arg8 : memref<128x64xf32, #tpu.memory_space<vmem>>) target(%dma_start3A_123 : memref<10240x64xf32, #tpu.memory_space<vmem_shared>>) offsets(%dma_start3A_120 : memref<128xi32, #tpu.memory_space<vmem>>) semaphore(%arg17 : memref<!tpu.dma_semaphore, #tpu.memory_space<semaphore_mem>>) {add = true}
      %dma_wait3A_124 = arith.constant 0 : i32
      %dma_wait3A_125 = tpu.memref_slice %arg6[%add3A_88, %dma_wait3A_124] : memref<86x128xi32, #tpu.memory_space<vmem>> -> memref<1x128xi32, #tpu.memory_space<vmem>>
      %dma_wait3A_126 = tpu.memref_squeeze %dma_wait3A_125 : memref<1x128xi32, #tpu.memory_space<vmem>> -> memref<128xi32, #tpu.memory_space<vmem>>
      %dma_wait3A_127 = arith.constant 0 : i32
      %dma_wait3A_128 = arith.constant 0 : i32
      %dma_wait3A_129 = tpu.memref_slice %arg2[%dma_wait3A_127, %dma_wait3A_128] : memref<10000x64xf32, #tpu.memory_space<hbm>> -> memref<10000x64xf32, #tpu.memory_space<hbm>>
      tpu.wait_indirect_dma semaphore(%arg14 : memref<!tpu.dma_semaphore, #tpu.memory_space<semaphore_mem>>) src(%dma_wait3A_129 : memref<10000x64xf32, #tpu.memory_space<hbm>>) dst(%arg9 : memref<128x64xf32, #tpu.memory_space<vmem>>)
      %dma_wait3A_130 = arith.constant 0 : i32
      %dma_wait3A_131 = tpu.memref_slice %arg7[%add3A_117, %dma_wait3A_130] : memref<86x128xi32, #tpu.memory_space<vmem>> -> memref<1x128xi32, #tpu.memory_space<vmem>>
      %dma_wait3A_132 = tpu.memref_squeeze %dma_wait3A_131 : memref<1x128xi32, #tpu.memory_space<vmem>> -> memref<128xi32, #tpu.memory_space<vmem>>
      %dma_wait3A_133 = arith.constant 0 : i32
      %dma_wait3A_134 = arith.constant 0 : i32
      %dma_wait3A_135 = tpu.memref_slice %arg12[%dma_wait3A_133, %dma_wait3A_134] : memref<10240x64xf32, #tpu.memory_space<vmem_shared>> -> memref<10240x64xf32, #tpu.memory_space<vmem_shared>>
      tpu.wait_indirect_dma semaphore(%arg17 : memref<!tpu.dma_semaphore, #tpu.memory_space<semaphore_mem>>) src(%arg8 : memref<128x64xf32, #tpu.memory_space<vmem>>) dst(%dma_wait3A_135 : memref<10240x64xf32, #tpu.memory_space<vmem_shared>>)
      %add3A_136 = arith.constant 1 : i32
      %add3A_137 = arith.addi %mul3A_79, %add3A_136 : i32
      %dma_start3A_138 = arith.constant 0 : i32
      %dma_start3A_139 = tpu.memref_slice %arg7[%add3A_137, %dma_start3A_138] : memref<86x128xi32, #tpu.memory_space<vmem>> -> memref<1x128xi32, #tpu.memory_space<vmem>>
      %dma_start3A_140 = tpu.memref_squeeze %dma_start3A_139 : memref<1x128xi32, #tpu.memory_space<vmem>> -> memref<128xi32, #tpu.memory_space<vmem>>
      %dma_start3A_141 = arith.constant 0 : i32
      %dma_start3A_142 = arith.constant 0 : i32
      %dma_start3A_143 = tpu.memref_slice %arg12[%dma_start3A_141, %dma_start3A_142] : memref<10240x64xf32, #tpu.memory_space<vmem_shared>> -> memref<10240x64xf32, #tpu.memory_space<vmem_shared>>
      tpu.enqueue_indirect_dma source(%arg9 : memref<128x64xf32, #tpu.memory_space<vmem>>) target(%dma_start3A_143 : memref<10240x64xf32, #tpu.memory_space<vmem_shared>>) offsets(%dma_start3A_140 : memref<128xi32, #tpu.memory_space<vmem>>) semaphore(%arg17 : memref<!tpu.dma_semaphore, #tpu.memory_space<semaphore_mem>>) {add = true}
      %dma_wait3A_144 = arith.constant 0 : i32
      %dma_wait3A_145 = tpu.memref_slice %arg6[%add3A_96, %dma_wait3A_144] : memref<86x128xi32, #tpu.memory_space<vmem>> -> memref<1x128xi32, #tpu.memory_space<vmem>>
      %dma_wait3A_146 = tpu.memref_squeeze %dma_wait3A_145 : memref<1x128xi32, #tpu.memory_space<vmem>> -> memref<128xi32, #tpu.memory_space<vmem>>
      %dma_wait3A_147 = arith.constant 0 : i32
      %dma_wait3A_148 = arith.constant 0 : i32
      %dma_wait3A_149 = tpu.memref_slice %arg2[%dma_wait3A_147, %dma_wait3A_148] : memref<10000x64xf32, #tpu.memory_space<hbm>> -> memref<10000x64xf32, #tpu.memory_space<hbm>>
      tpu.wait_indirect_dma semaphore(%arg15 : memref<!tpu.dma_semaphore, #tpu.memory_space<semaphore_mem>>) src(%dma_wait3A_149 : memref<10000x64xf32, #tpu.memory_space<hbm>>) dst(%arg10 : memref<128x64xf32, #tpu.memory_space<vmem>>)
      %dma_wait3A_150 = arith.constant 0 : i32
      %dma_wait3A_151 = tpu.memref_slice %arg7[%add3A_137, %dma_wait3A_150] : memref<86x128xi32, #tpu.memory_space<vmem>> -> memref<1x128xi32, #tpu.memory_space<vmem>>
      %dma_wait3A_152 = tpu.memref_squeeze %dma_wait3A_151 : memref<1x128xi32, #tpu.memory_space<vmem>> -> memref<128xi32, #tpu.memory_space<vmem>>
      %dma_wait3A_153 = arith.constant 0 : i32
      %dma_wait3A_154 = arith.constant 0 : i32
      %dma_wait3A_155 = tpu.memref_slice %arg12[%dma_wait3A_153, %dma_wait3A_154] : memref<10240x64xf32, #tpu.memory_space<vmem_shared>> -> memref<10240x64xf32, #tpu.memory_space<vmem_shared>>
      tpu.wait_indirect_dma semaphore(%arg17 : memref<!tpu.dma_semaphore, #tpu.memory_space<semaphore_mem>>) src(%arg9 : memref<128x64xf32, #tpu.memory_space<vmem>>) dst(%dma_wait3A_155 : memref<10240x64xf32, #tpu.memory_space<vmem_shared>>)
      %add3A_156 = arith.constant 2 : i32
      %add3A_157 = arith.addi %mul3A_79, %add3A_156 : i32
      %dma_start3A_158 = arith.constant 0 : i32
      %dma_start3A_159 = tpu.memref_slice %arg7[%add3A_157, %dma_start3A_158] : memref<86x128xi32, #tpu.memory_space<vmem>> -> memref<1x128xi32, #tpu.memory_space<vmem>>
      %dma_start3A_160 = tpu.memref_squeeze %dma_start3A_159 : memref<1x128xi32, #tpu.memory_space<vmem>> -> memref<128xi32, #tpu.memory_space<vmem>>
      %dma_start3A_161 = arith.constant 0 : i32
      %dma_start3A_162 = arith.constant 0 : i32
      %dma_start3A_163 = tpu.memref_slice %arg12[%dma_start3A_161, %dma_start3A_162] : memref<10240x64xf32, #tpu.memory_space<vmem_shared>> -> memref<10240x64xf32, #tpu.memory_space<vmem_shared>>
      tpu.enqueue_indirect_dma source(%arg10 : memref<128x64xf32, #tpu.memory_space<vmem>>) target(%dma_start3A_163 : memref<10240x64xf32, #tpu.memory_space<vmem_shared>>) offsets(%dma_start3A_160 : memref<128xi32, #tpu.memory_space<vmem>>) semaphore(%arg17 : memref<!tpu.dma_semaphore, #tpu.memory_space<semaphore_mem>>) {add = true}
      %dma_wait3A_164 = arith.constant 0 : i32
      %dma_wait3A_165 = tpu.memref_slice %arg6[%add3A_104, %dma_wait3A_164] : memref<86x128xi32, #tpu.memory_space<vmem>> -> memref<1x128xi32, #tpu.memory_space<vmem>>
      %dma_wait3A_166 = tpu.memref_squeeze %dma_wait3A_165 : memref<1x128xi32, #tpu.memory_space<vmem>> -> memref<128xi32, #tpu.memory_space<vmem>>
      %dma_wait3A_167 = arith.constant 0 : i32
      %dma_wait3A_168 = arith.constant 0 : i32
      %dma_wait3A_169 = tpu.memref_slice %arg2[%dma_wait3A_167, %dma_wait3A_168] : memref<10000x64xf32, #tpu.memory_space<hbm>> -> memref<10000x64xf32, #tpu.memory_space<hbm>>
      tpu.wait_indirect_dma semaphore(%arg16 : memref<!tpu.dma_semaphore, #tpu.memory_space<semaphore_mem>>) src(%dma_wait3A_169 : memref<10000x64xf32, #tpu.memory_space<hbm>>) dst(%arg11 : memref<128x64xf32, #tpu.memory_space<vmem>>)
      %dma_wait3A_170 = arith.constant 0 : i32
      %dma_wait3A_171 = tpu.memref_slice %arg7[%add3A_157, %dma_wait3A_170] : memref<86x128xi32, #tpu.memory_space<vmem>> -> memref<1x128xi32, #tpu.memory_space<vmem>>
      %dma_wait3A_172 = tpu.memref_squeeze %dma_wait3A_171 : memref<1x128xi32, #tpu.memory_space<vmem>> -> memref<128xi32, #tpu.memory_space<vmem>>
      %dma_wait3A_173 = arith.constant 0 : i32
      %dma_wait3A_174 = arith.constant 0 : i32
      %dma_wait3A_175 = tpu.memref_slice %arg12[%dma_wait3A_173, %dma_wait3A_174] : memref<10240x64xf32, #tpu.memory_space<vmem_shared>> -> memref<10240x64xf32, #tpu.memory_space<vmem_shared>>
      tpu.wait_indirect_dma semaphore(%arg17 : memref<!tpu.dma_semaphore, #tpu.memory_space<semaphore_mem>>) src(%arg10 : memref<128x64xf32, #tpu.memory_space<vmem>>) dst(%dma_wait3A_175 : memref<10240x64xf32, #tpu.memory_space<vmem_shared>>)
      %add3A_176 = arith.constant 3 : i32
      %add3A_177 = arith.addi %mul3A_79, %add3A_176 : i32
      %dma_start3A_178 = arith.constant 0 : i32
      %dma_start3A_179 = tpu.memref_slice %arg7[%add3A_177, %dma_start3A_178] : memref<86x128xi32, #tpu.memory_space<vmem>> -> memref<1x128xi32, #tpu.memory_space<vmem>>
      %dma_start3A_180 = tpu.memref_squeeze %dma_start3A_179 : memref<1x128xi32, #tpu.memory_space<vmem>> -> memref<128xi32, #tpu.memory_space<vmem>>
      %dma_start3A_181 = arith.constant 0 : i32
      %dma_start3A_182 = arith.constant 0 : i32
      %dma_start3A_183 = tpu.memref_slice %arg12[%dma_start3A_181, %dma_start3A_182] : memref<10240x64xf32, #tpu.memory_space<vmem_shared>> -> memref<10240x64xf32, #tpu.memory_space<vmem_shared>>
      tpu.enqueue_indirect_dma source(%arg11 : memref<128x64xf32, #tpu.memory_space<vmem>>) target(%dma_start3A_183 : memref<10240x64xf32, #tpu.memory_space<vmem_shared>>) offsets(%dma_start3A_180 : memref<128xi32, #tpu.memory_space<vmem>>) semaphore(%arg17 : memref<!tpu.dma_semaphore, #tpu.memory_space<semaphore_mem>>) {add = true}
      %dma_wait3A_184 = arith.constant 0 : i32
      %dma_wait3A_185 = tpu.memref_slice %arg7[%add3A_177, %dma_wait3A_184] : memref<86x128xi32, #tpu.memory_space<vmem>> -> memref<1x128xi32, #tpu.memory_space<vmem>>
      %dma_wait3A_186 = tpu.memref_squeeze %dma_wait3A_185 : memref<1x128xi32, #tpu.memory_space<vmem>> -> memref<128xi32, #tpu.memory_space<vmem>>
      %dma_wait3A_187 = arith.constant 0 : i32
      %dma_wait3A_188 = arith.constant 0 : i32
      %dma_wait3A_189 = tpu.memref_slice %arg12[%dma_wait3A_187, %dma_wait3A_188] : memref<10240x64xf32, #tpu.memory_space<vmem_shared>> -> memref<10240x64xf32, #tpu.memory_space<vmem_shared>>
      tpu.wait_indirect_dma semaphore(%arg17 : memref<!tpu.dma_semaphore, #tpu.memory_space<semaphore_mem>>) src(%arg11 : memref<128x64xf32, #tpu.memory_space<vmem>>) dst(%dma_wait3A_189 : memref<10240x64xf32, #tpu.memory_space<vmem_shared>>)
    }
    %while3A_64 = arith.constant 1 : i32
    scf.for %while3A_77 = %while3A_62 to %while3A_58 step %while3A_64  : i32 {
      %mul3A_78 = arith.constant 4 : i32
      %mul3A_79 = arith.muli %while3A_77, %mul3A_78 : i32
      %add3A_80 = arith.constant 0 : i32
      %add3A_81 = arith.addi %mul3A_79, %add3A_80 : i32
      %dma_start3A = arith.constant 0 : i32
      %dma_start3A_82 = tpu.memref_slice %arg6[%add3A_81, %dma_start3A] : memref<86x128xi32, #tpu.memory_space<vmem>> -> memref<1x128xi32, #tpu.memory_space<vmem>>
      %dma_start3A_83 = tpu.memref_squeeze %dma_start3A_82 : memref<1x128xi32, #tpu.memory_space<vmem>> -> memref<128xi32, #tpu.memory_space<vmem>>
      %dma_start3A_84 = arith.constant 0 : i32
      %dma_start3A_85 = arith.constant 0 : i32
      %dma_start3A_86 = tpu.memref_slice %arg2[%dma_start3A_84, %dma_start3A_85] : memref<10000x64xf32, #tpu.memory_space<hbm>> -> memref<10000x64xf32, #tpu.memory_space<hbm>>
      tpu.enqueue_indirect_dma source(%dma_start3A_86 : memref<10000x64xf32, #tpu.memory_space<hbm>>) target(%arg8 : memref<128x64xf32, #tpu.memory_space<vmem>>) offsets(%dma_start3A_83 : memref<128xi32, #tpu.memory_space<vmem>>) semaphore(%arg13 : memref<!tpu.dma_semaphore, #tpu.memory_space<semaphore_mem>>)
      %add3A_87 = arith.constant 1 : i32
      %add3A_88 = arith.addi %mul3A_79, %add3A_87 : i32
      %dma_start3A_89 = arith.constant 0 : i32
      %dma_start3A_90 = tpu.memref_slice %arg6[%add3A_88, %dma_start3A_89] : memref<86x128xi32, #tpu.memory_space<vmem>> -> memref<1x128xi32, #tpu.memory_space<vmem>>
      %dma_start3A_91 = tpu.memref_squeeze %dma_start3A_90 : memref<1x128xi32, #tpu.memory_space<vmem>> -> memref<128xi32, #tpu.memory_space<vmem>>
      %dma_start3A_92 = arith.constant 0 : i32
      %dma_start3A_93 = arith.constant 0 : i32
      %dma_start3A_94 = tpu.memref_slice %arg2[%dma_start3A_92, %dma_start3A_93] : memref<10000x64xf32, #tpu.memory_space<hbm>> -> memref<10000x64xf32, #tpu.memory_space<hbm>>
      tpu.enqueue_indirect_dma source(%dma_start3A_94 : memref<10000x64xf32, #tpu.memory_space<hbm>>) target(%arg9 : memref<128x64xf32, #tpu.memory_space<vmem>>) offsets(%dma_start3A_91 : memref<128xi32, #tpu.memory_space<vmem>>) semaphore(%arg14 : memref<!tpu.dma_semaphore, #tpu.memory_space<semaphore_mem>>)
      %add3A_95 = arith.constant 2 : i32
      %add3A_96 = arith.addi %mul3A_79, %add3A_95 : i32
      %dma_start3A_97 = arith.constant 0 : i32
      %dma_start3A_98 = tpu.memref_slice %arg6[%add3A_96, %dma_start3A_97] : memref<86x128xi32, #tpu.memory_space<vmem>> -> memref<1x128xi32, #tpu.memory_space<vmem>>
      %dma_start3A_99 = tpu.memref_squeeze %dma_start3A_98 : memref<1x128xi32, #tpu.memory_space<vmem>> -> memref<128xi32, #tpu.memory_space<vmem>>
      %dma_start3A_100 = arith.constant 0 : i32
      %dma_start3A_101 = arith.constant 0 : i32
      %dma_start3A_102 = tpu.memref_slice %arg2[%dma_start3A_100, %dma_start3A_101] : memref<10000x64xf32, #tpu.memory_space<hbm>> -> memref<10000x64xf32, #tpu.memory_space<hbm>>
      tpu.enqueue_indirect_dma source(%dma_start3A_102 : memref<10000x64xf32, #tpu.memory_space<hbm>>) target(%arg10 : memref<128x64xf32, #tpu.memory_space<vmem>>) offsets(%dma_start3A_99 : memref<128xi32, #tpu.memory_space<vmem>>) semaphore(%arg15 : memref<!tpu.dma_semaphore, #tpu.memory_space<semaphore_mem>>)
      %add3A_103 = arith.constant 3 : i32
      %add3A_104 = arith.addi %mul3A_79, %add3A_103 : i32
      %dma_start3A_105 = arith.constant 0 : i32
      %dma_start3A_106 = tpu.memref_slice %arg6[%add3A_104, %dma_start3A_105] : memref<86x128xi32, #tpu.memory_space<vmem>> -> memref<1x128xi32, #tpu.memory_space<vmem>>
      %dma_start3A_107 = tpu.memref_squeeze %dma_start3A_106 : memref<1x128xi32, #tpu.memory_space<vmem>> -> memref<128xi32, #tpu.memory_space<vmem>>
      %dma_start3A_108 = arith.constant 0 : i32
      %dma_start3A_109 = arith.constant 0 : i32
      %dma_start3A_110 = tpu.memref_slice %arg2[%dma_start3A_108, %dma_start3A_109] : memref<10000x64xf32, #tpu.memory_space<hbm>> -> memref<10000x64xf32, #tpu.memory_space<hbm>>
      tpu.enqueue_indirect_dma source(%dma_start3A_110 : memref<10000x64xf32, #tpu.memory_space<hbm>>) target(%arg11 : memref<128x64xf32, #tpu.memory_space<vmem>>) offsets(%dma_start3A_107 : memref<128xi32, #tpu.memory_space<vmem>>) semaphore(%arg16 : memref<!tpu.dma_semaphore, #tpu.memory_space<semaphore_mem>>)
      %dma_wait3A = arith.constant 0 : i32
      %dma_wait3A_111 = tpu.memref_slice %arg6[%add3A_81, %dma_wait3A] : memref<86x128xi32, #tpu.memory_space<vmem>> -> memref<1x128xi32, #tpu.memory_space<vmem>>
      %dma_wait3A_112 = tpu.memref_squeeze %dma_wait3A_111 : memref<1x128xi32, #tpu.memory_space<vmem>> -> memref<128xi32, #tpu.memory_space<vmem>>
      %dma_wait3A_113 = arith.constant 0 : i32
      %dma_wait3A_114 = arith.constant 0 : i32
      %dma_wait3A_115 = tpu.memref_slice %arg2[%dma_wait3A_113, %dma_wait3A_114] : memref<10000x64xf32, #tpu.memory_space<hbm>> -> memref<10000x64xf32, #tpu.memory_space<hbm>>
      tpu.wait_indirect_dma semaphore(%arg13 : memref<!tpu.dma_semaphore, #tpu.memory_space<semaphore_mem>>) src(%dma_wait3A_115 : memref<10000x64xf32, #tpu.memory_space<hbm>>) dst(%arg8 : memref<128x64xf32, #tpu.memory_space<vmem>>)
      %add3A_116 = arith.constant 0 : i32
      %add3A_117 = arith.addi %mul3A_79, %add3A_116 : i32
      %dma_start3A_118 = arith.constant 0 : i32
      %dma_start3A_119 = tpu.memref_slice %arg7[%add3A_117, %dma_start3A_118] : memref<86x128xi32, #tpu.memory_space<vmem>> -> memref<1x128xi32, #tpu.memory_space<vmem>>
      %dma_start3A_120 = tpu.memref_squeeze %dma_start3A_119 : memref<1x128xi32, #tpu.memory_space<vmem>> -> memref<128xi32, #tpu.memory_space<vmem>>
      %dma_start3A_121 = arith.constant 0 : i32
      %dma_start3A_122 = arith.constant 0 : i32
      %dma_start3A_123 = tpu.memref_slice %arg12[%dma_start3A_121, %dma_start3A_122] : memref<10240x64xf32, #tpu.memory_space<vmem_shared>> -> memref<10240x64xf32, #tpu.memory_space<vmem_shared>>
      tpu.enqueue_indirect_dma source(%arg8 : memref<128x64xf32, #tpu.memory_space<vmem>>) target(%dma_start3A_123 : memref<10240x64xf32, #tpu.memory_space<vmem_shared>>) offsets(%dma_start3A_120 : memref<128xi32, #tpu.memory_space<vmem>>) semaphore(%arg17 : memref<!tpu.dma_semaphore, #tpu.memory_space<semaphore_mem>>) {add = true}
      %dma_wait3A_124 = arith.constant 0 : i32
      %dma_wait3A_125 = tpu.memref_slice %arg6[%add3A_88, %dma_wait3A_124] : memref<86x128xi32, #tpu.memory_space<vmem>> -> memref<1x128xi32, #tpu.memory_space<vmem>>
      %dma_wait3A_126 = tpu.memref_squeeze %dma_wait3A_125 : memref<1x128xi32, #tpu.memory_space<vmem>> -> memref<128xi32, #tpu.memory_space<vmem>>
      %dma_wait3A_127 = arith.constant 0 : i32
      %dma_wait3A_128 = arith.constant 0 : i32
      %dma_wait3A_129 = tpu.memref_slice %arg2[%dma_wait3A_127, %dma_wait3A_128] : memref<10000x64xf32, #tpu.memory_space<hbm>> -> memref<10000x64xf32, #tpu.memory_space<hbm>>
      tpu.wait_indirect_dma semaphore(%arg14 : memref<!tpu.dma_semaphore, #tpu.memory_space<semaphore_mem>>) src(%dma_wait3A_129 : memref<10000x64xf32, #tpu.memory_space<hbm>>) dst(%arg9 : memref<128x64xf32, #tpu.memory_space<vmem>>)
      %dma_wait3A_130 = arith.constant 0 : i32
      %dma_wait3A_131 = tpu.memref_slice %arg7[%add3A_117, %dma_wait3A_130] : memref<86x128xi32, #tpu.memory_space<vmem>> -> memref<1x128xi32, #tpu.memory_space<vmem>>
      %dma_wait3A_132 = tpu.memref_squeeze %dma_wait3A_131 : memref<1x128xi32, #tpu.memory_space<vmem>> -> memref<128xi32, #tpu.memory_space<vmem>>
      %dma_wait3A_133 = arith.constant 0 : i32
      %dma_wait3A_134 = arith.constant 0 : i32
      %dma_wait3A_135 = tpu.memref_slice %arg12[%dma_wait3A_133, %dma_wait3A_134] : memref<10240x64xf32, #tpu.memory_space<vmem_shared>> -> memref<10240x64xf32, #tpu.memory_space<vmem_shared>>
      tpu.wait_indirect_dma semaphore(%arg17 : memref<!tpu.dma_semaphore, #tpu.memory_space<semaphore_mem>>) src(%arg8 : memref<128x64xf32, #tpu.memory_space<vmem>>) dst(%dma_wait3A_135 : memref<10240x64xf32, #tpu.memory_space<vmem_shared>>)
      %add3A_136 = arith.constant 1 : i32
      %add3A_137 = arith.addi %mul3A_79, %add3A_136 : i32
      %dma_start3A_138 = arith.constant 0 : i32
      %dma_start3A_139 = tpu.memref_slice %arg7[%add3A_137, %dma_start3A_138] : memref<86x128xi32, #tpu.memory_space<vmem>> -> memref<1x128xi32, #tpu.memory_space<vmem>>
      %dma_start3A_140 = tpu.memref_squeeze %dma_start3A_139 : memref<1x128xi32, #tpu.memory_space<vmem>> -> memref<128xi32, #tpu.memory_space<vmem>>
      %dma_start3A_141 = arith.constant 0 : i32
      %dma_start3A_142 = arith.constant 0 : i32
      %dma_start3A_143 = tpu.memref_slice %arg12[%dma_start3A_141, %dma_start3A_142] : memref<10240x64xf32, #tpu.memory_space<vmem_shared>> -> memref<10240x64xf32, #tpu.memory_space<vmem_shared>>
      tpu.enqueue_indirect_dma source(%arg9 : memref<128x64xf32, #tpu.memory_space<vmem>>) target(%dma_start3A_143 : memref<10240x64xf32, #tpu.memory_space<vmem_shared>>) offsets(%dma_start3A_140 : memref<128xi32, #tpu.memory_space<vmem>>) semaphore(%arg17 : memref<!tpu.dma_semaphore, #tpu.memory_space<semaphore_mem>>) {add = true}
      %dma_wait3A_144 = arith.constant 0 : i32
      %dma_wait3A_145 = tpu.memref_slice %arg6[%add3A_96, %dma_wait3A_144] : memref<86x128xi32, #tpu.memory_space<vmem>> -> memref<1x128xi32, #tpu.memory_space<vmem>>
      %dma_wait3A_146 = tpu.memref_squeeze %dma_wait3A_145 : memref<1x128xi32, #tpu.memory_space<vmem>> -> memref<128xi32, #tpu.memory_space<vmem>>
      %dma_wait3A_147 = arith.constant 0 : i32
      %dma_wait3A_148 = arith.constant 0 : i32
      %dma_wait3A_149 = tpu.memref_slice %arg2[%dma_wait3A_147, %dma_wait3A_148] : memref<10000x64xf32, #tpu.memory_space<hbm>> -> memref<10000x64xf32, #tpu.memory_space<hbm>>
      tpu.wait_indirect_dma semaphore(%arg15 : memref<!tpu.dma_semaphore, #tpu.memory_space<semaphore_mem>>) src(%dma_wait3A_149 : memref<10000x64xf32, #tpu.memory_space<hbm>>) dst(%arg10 : memref<128x64xf32, #tpu.memory_space<vmem>>)
      %dma_wait3A_150 = arith.constant 0 : i32
      %dma_wait3A_151 = tpu.memref_slice %arg7[%add3A_137, %dma_wait3A_150] : memref<86x128xi32, #tpu.memory_space<vmem>> -> memref<1x128xi32, #tpu.memory_space<vmem>>
      %dma_wait3A_152 = tpu.memref_squeeze %dma_wait3A_151 : memref<1x128xi32, #tpu.memory_space<vmem>> -> memref<128xi32, #tpu.memory_space<vmem>>
      %dma_wait3A_153 = arith.constant 0 : i32
      %dma_wait3A_154 = arith.constant 0 : i32
      %dma_wait3A_155 = tpu.memref_slice %arg12[%dma_wait3A_153, %dma_wait3A_154] : memref<10240x64xf32, #tpu.memory_space<vmem_shared>> -> memref<10240x64xf32, #tpu.memory_space<vmem_shared>>
      tpu.wait_indirect_dma semaphore(%arg17 : memref<!tpu.dma_semaphore, #tpu.memory_space<semaphore_mem>>) src(%arg9 : memref<128x64xf32, #tpu.memory_space<vmem>>) dst(%dma_wait3A_155 : memref<10240x64xf32, #tpu.memory_space<vmem_shared>>)
      %add3A_156 = arith.constant 2 : i32
      %add3A_157 = arith.addi %mul3A_79, %add3A_156 : i32
      %dma_start3A_158 = arith.constant 0 : i32
      %dma_start3A_159 = tpu.memref_slice %arg7[%add3A_157, %dma_start3A_158] : memref<86x128xi32, #tpu.memory_space<vmem>> -> memref<1x128xi32, #tpu.memory_space<vmem>>
      %dma_start3A_160 = tpu.memref_squeeze %dma_start3A_159 : memref<1x128xi32, #tpu.memory_space<vmem>> -> memref<128xi32, #tpu.memory_space<vmem>>
      %dma_start3A_161 = arith.constant 0 : i32
      %dma_start3A_162 = arith.constant 0 : i32
      %dma_start3A_163 = tpu.memref_slice %arg12[%dma_start3A_161, %dma_start3A_162] : memref<10240x64xf32, #tpu.memory_space<vmem_shared>> -> memref<10240x64xf32, #tpu.memory_space<vmem_shared>>
      tpu.enqueue_indirect_dma source(%arg10 : memref<128x64xf32, #tpu.memory_space<vmem>>) target(%dma_start3A_163 : memref<10240x64xf32, #tpu.memory_space<vmem_shared>>) offsets(%dma_start3A_160 : memref<128xi32, #tpu.memory_space<vmem>>) semaphore(%arg17 : memref<!tpu.dma_semaphore, #tpu.memory_space<semaphore_mem>>) {add = true}
      %dma_wait3A_164 = arith.constant 0 : i32
      %dma_wait3A_165 = tpu.memref_slice %arg6[%add3A_104, %dma_wait3A_164] : memref<86x128xi32, #tpu.memory_space<vmem>> -> memref<1x128xi32, #tpu.memory_space<vmem>>
      %dma_wait3A_166 = tpu.memref_squeeze %dma_wait3A_165 : memref<1x128xi32, #tpu.memory_space<vmem>> -> memref<128xi32, #tpu.memory_space<vmem>>
      %dma_wait3A_167 = arith.constant 0 : i32
      %dma_wait3A_168 = arith.constant 0 : i32
      %dma_wait3A_169 = tpu.memref_slice %arg2[%dma_wait3A_167, %dma_wait3A_168] : memref<10000x64xf32, #tpu.memory_space<hbm>> -> memref<10000x64xf32, #tpu.memory_space<hbm>>
      tpu.wait_indirect_dma semaphore(%arg16 : memref<!tpu.dma_semaphore, #tpu.memory_space<semaphore_mem>>) src(%dma_wait3A_169 : memref<10000x64xf32, #tpu.memory_space<hbm>>) dst(%arg11 : memref<128x64xf32, #tpu.memory_space<vmem>>)
      %dma_wait3A_170 = arith.constant 0 : i32
      %dma_wait3A_171 = tpu.memref_slice %arg7[%add3A_157, %dma_wait3A_170] : memref<86x128xi32, #tpu.memory_space<vmem>> -> memref<1x128xi32, #tpu.memory_space<vmem>>
      %dma_wait3A_172 = tpu.memref_squeeze %dma_wait3A_171 : memref<1x128xi32, #tpu.memory_space<vmem>> -> memref<128xi32, #tpu.memory_space<vmem>>
      %dma_wait3A_173 = arith.constant 0 : i32
      %dma_wait3A_174 = arith.constant 0 : i32
      %dma_wait3A_175 = tpu.memref_slice %arg12[%dma_wait3A_173, %dma_wait3A_174] : memref<10240x64xf32, #tpu.memory_space<vmem_shared>> -> memref<10240x64xf32, #tpu.memory_space<vmem_shared>>
      tpu.wait_indirect_dma semaphore(%arg17 : memref<!tpu.dma_semaphore, #tpu.memory_space<semaphore_mem>>) src(%arg10 : memref<128x64xf32, #tpu.memory_space<vmem>>) dst(%dma_wait3A_175 : memref<10240x64xf32, #tpu.memory_space<vmem_shared>>)
      %add3A_176 = arith.constant 3 : i32
      %add3A_177 = arith.addi %mul3A_79, %add3A_176 : i32
      %dma_start3A_178 = arith.constant 0 : i32
      %dma_start3A_179 = tpu.memref_slice %arg7[%add3A_177, %dma_start3A_178] : memref<86x128xi32, #tpu.memory_space<vmem>> -> memref<1x128xi32, #tpu.memory_space<vmem>>
      %dma_start3A_180 = tpu.memref_squeeze %dma_start3A_179 : memref<1x128xi32, #tpu.memory_space<vmem>> -> memref<128xi32, #tpu.memory_space<vmem>>
      %dma_start3A_181 = arith.constant 0 : i32
      %dma_start3A_182 = arith.constant 0 : i32
      %dma_start3A_183 = tpu.memref_slice %arg12[%dma_start3A_181, %dma_start3A_182] : memref<10240x64xf32, #tpu.memory_space<vmem_shared>> -> memref<10240x64xf32, #tpu.memory_space<vmem_shared>>
      tpu.enqueue_indirect_dma source(%arg11 : memref<128x64xf32, #tpu.memory_space<vmem>>) target(%dma_start3A_183 : memref<10240x64xf32, #tpu.memory_space<vmem_shared>>) offsets(%dma_start3A_180 : memref<128xi32, #tpu.memory_space<vmem>>) semaphore(%arg17 : memref<!tpu.dma_semaphore, #tpu.memory_space<semaphore_mem>>) {add = true}
      %dma_wait3A_184 = arith.constant 0 : i32
      %dma_wait3A_185 = tpu.memref_slice %arg7[%add3A_177, %dma_wait3A_184] : memref<86x128xi32, #tpu.memory_space<vmem>> -> memref<1x128xi32, #tpu.memory_space<vmem>>
      %dma_wait3A_186 = tpu.memref_squeeze %dma_wait3A_185 : memref<1x128xi32, #tpu.memory_space<vmem>> -> memref<128xi32, #tpu.memory_space<vmem>>
      %dma_wait3A_187 = arith.constant 0 : i32
      %dma_wait3A_188 = arith.constant 0 : i32
      %dma_wait3A_189 = tpu.memref_slice %arg12[%dma_wait3A_187, %dma_wait3A_188] : memref<10240x64xf32, #tpu.memory_space<vmem_shared>> -> memref<10240x64xf32, #tpu.memory_space<vmem_shared>>
      tpu.wait_indirect_dma semaphore(%arg17 : memref<!tpu.dma_semaphore, #tpu.memory_space<semaphore_mem>>) src(%arg11 : memref<128x64xf32, #tpu.memory_space<vmem>>) dst(%dma_wait3A_189 : memref<10240x64xf32, #tpu.memory_space<vmem_shared>>)
    }
    %mul3A_65 = arith.constant 4 : i32
    %mul3A_66 = arith.muli %select_n3A_55, %mul3A_65 : i32
    %while3A_67 = arith.constant 0 : i32
    %while3A_68 = arith.subi %select_n3A_16, %mul3A_66 : i32
    %while3A_69 = arith.addi %mul3A_66, %while3A_68 : i32
    %while3A_70 = arith.constant 1 : i32
    %while3A_71 = arith.divsi %while3A_68, %while3A_70 : i32
    %while3A_72 = arith.muli %while3A_71, %while3A_70 : i32
    %while3A_73 = arith.addi %mul3A_66, %while3A_72 : i32
    %while3A_74 = arith.constant 1 : i32
    scf.for %while3A_77 = %mul3A_66 to %while3A_73 step %while3A_74  : i32 {
      %dma_start3A = arith.constant 0 : i32
      %dma_start3A_78 = tpu.memref_slice %arg6[%while3A_77, %dma_start3A] : memref<86x128xi32, #tpu.memory_space<vmem>> -> memref<1x128xi32, #tpu.memory_space<vmem>>
      %dma_start3A_79 = tpu.memref_squeeze %dma_start3A_78 : memref<1x128xi32, #tpu.memory_space<vmem>> -> memref<128xi32, #tpu.memory_space<vmem>>
      %dma_start3A_80 = arith.constant 0 : i32
      %dma_start3A_81 = arith.constant 0 : i32
      %dma_start3A_82 = tpu.memref_slice %arg2[%dma_start3A_80, %dma_start3A_81] : memref<10000x64xf32, #tpu.memory_space<hbm>> -> memref<10000x64xf32, #tpu.memory_space<hbm>>
      tpu.enqueue_indirect_dma source(%dma_start3A_82 : memref<10000x64xf32, #tpu.memory_space<hbm>>) target(%arg8 : memref<128x64xf32, #tpu.memory_space<vmem>>) offsets(%dma_start3A_79 : memref<128xi32, #tpu.memory_space<vmem>>) semaphore(%arg13 : memref<!tpu.dma_semaphore, #tpu.memory_space<semaphore_mem>>)
      %dma_wait3A = arith.constant 0 : i32
      %dma_wait3A_83 = tpu.memref_slice %arg6[%while3A_77, %dma_wait3A] : memref<86x128xi32, #tpu.memory_space<vmem>> -> memref<1x128xi32, #tpu.memory_space<vmem>>
      %dma_wait3A_84 = tpu.memref_squeeze %dma_wait3A_83 : memref<1x128xi32, #tpu.memory_space<vmem>> -> memref<128xi32, #tpu.memory_space<vmem>>
      %dma_wait3A_85 = arith.constant 0 : i32
      %dma_wait3A_86 = arith.constant 0 : i32
      %dma_wait3A_87 = tpu.memref_slice %arg2[%dma_wait3A_85, %dma_wait3A_86] : memref<10000x64xf32, #tpu.memory_space<hbm>> -> memref<10000x64xf32, #tpu.memory_space<hbm>>
      tpu.wait_indirect_dma semaphore(%arg13 : memref<!tpu.dma_semaphore, #tpu.memory_space<semaphore_mem>>) src(%dma_wait3A_87 : memref<10000x64xf32, #tpu.memory_space<hbm>>) dst(%arg8 : memref<128x64xf32, #tpu.memory_space<vmem>>)
      %dma_start3A_88 = arith.constant 0 : i32
      %dma_start3A_89 = tpu.memref_slice %arg7[%while3A_77, %dma_start3A_88] : memref<86x128xi32, #tpu.memory_space<vmem>> -> memref<1x128xi32, #tpu.memory_space<vmem>>
      %dma_start3A_90 = tpu.memref_squeeze %dma_start3A_89 : memref<1x128xi32, #tpu.memory_space<vmem>> -> memref<128xi32, #tpu.memory_space<vmem>>
      %dma_start3A_91 = arith.constant 0 : i32
      %dma_start3A_92 = arith.constant 0 : i32
      %dma_start3A_93 = tpu.memref_slice %arg12[%dma_start3A_91, %dma_start3A_92] : memref<10240x64xf32, #tpu.memory_space<vmem_shared>> -> memref<10240x64xf32, #tpu.memory_space<vmem_shared>>
      tpu.enqueue_indirect_dma source(%arg8 : memref<128x64xf32, #tpu.memory_space<vmem>>) target(%dma_start3A_93 : memref<10240x64xf32, #tpu.memory_space<vmem_shared>>) offsets(%dma_start3A_90 : memref<128xi32, #tpu.memory_space<vmem>>) semaphore(%arg17 : memref<!tpu.dma_semaphore, #tpu.memory_space<semaphore_mem>>) {add = true}
      %dma_wait3A_94 = arith.constant 0 : i32
      %dma_wait3A_95 = tpu.memref_slice %arg7[%while3A_77, %dma_wait3A_94] : memref<86x128xi32, #tpu.memory_space<vmem>> -> memref<1x128xi32, #tpu.memory_space<vmem>>
      %dma_wait3A_96 = tpu.memref_squeeze %dma_wait3A_95 : memref<1x128xi32, #tpu.memory_space<vmem>> -> memref<128xi32, #tpu.memory_space<vmem>>
      %dma_wait3A_97 = arith.constant 0 : i32
      %dma_wait3A_98 = arith.constant 0 : i32
      %dma_wait3A_99 = tpu.memref_slice %arg12[%dma_wait3A_97, %dma_wait3A_98] : memref<10240x64xf32, #tpu.memory_space<vmem_shared>> -> memref<10240x64xf32, #tpu.memory_space<vmem_shared>>
      tpu.wait_indirect_dma semaphore(%arg17 : memref<!tpu.dma_semaphore, #tpu.memory_space<semaphore_mem>>) src(%arg8 : memref<128x64xf32, #tpu.memory_space<vmem>>) dst(%dma_wait3A_99 : memref<10240x64xf32, #tpu.memory_space<vmem_shared>>)
    }
    %while3A_75 = arith.constant 1 : i32
    scf.for %while3A_77 = %while3A_73 to %while3A_69 step %while3A_75  : i32 {
      %dma_start3A = arith.constant 0 : i32
      %dma_start3A_78 = tpu.memref_slice %arg6[%while3A_77, %dma_start3A] : memref<86x128xi32, #tpu.memory_space<vmem>> -> memref<1x128xi32, #tpu.memory_space<vmem>>
      %dma_start3A_79 = tpu.memref_squeeze %dma_start3A_78 : memref<1x128xi32, #tpu.memory_space<vmem>> -> memref<128xi32, #tpu.memory_space<vmem>>
      %dma_start3A_80 = arith.constant 0 : i32
      %dma_start3A_81 = arith.constant 0 : i32
      %dma_start3A_82 = tpu.memref_slice %arg2[%dma_start3A_80, %dma_start3A_81] : memref<10000x64xf32, #tpu.memory_space<hbm>> -> memref<10000x64xf32, #tpu.memory_space<hbm>>
      tpu.enqueue_indirect_dma source(%dma_start3A_82 : memref<10000x64xf32, #tpu.memory_space<hbm>>) target(%arg8 : memref<128x64xf32, #tpu.memory_space<vmem>>) offsets(%dma_start3A_79 : memref<128xi32, #tpu.memory_space<vmem>>) semaphore(%arg13 : memref<!tpu.dma_semaphore, #tpu.memory_space<semaphore_mem>>)
      %dma_wait3A = arith.constant 0 : i32
      %dma_wait3A_83 = tpu.memref_slice %arg6[%while3A_77, %dma_wait3A] : memref<86x128xi32, #tpu.memory_space<vmem>> -> memref<1x128xi32, #tpu.memory_space<vmem>>
      %dma_wait3A_84 = tpu.memref_squeeze %dma_wait3A_83 : memref<1x128xi32, #tpu.memory_space<vmem>> -> memref<128xi32, #tpu.memory_space<vmem>>
      %dma_wait3A_85 = arith.constant 0 : i32
      %dma_wait3A_86 = arith.constant 0 : i32
      %dma_wait3A_87 = tpu.memref_slice %arg2[%dma_wait3A_85, %dma_wait3A_86] : memref<10000x64xf32, #tpu.memory_space<hbm>> -> memref<10000x64xf32, #tpu.memory_space<hbm>>
      tpu.wait_indirect_dma semaphore(%arg13 : memref<!tpu.dma_semaphore, #tpu.memory_space<semaphore_mem>>) src(%dma_wait3A_87 : memref<10000x64xf32, #tpu.memory_space<hbm>>) dst(%arg8 : memref<128x64xf32, #tpu.memory_space<vmem>>)
      %dma_start3A_88 = arith.constant 0 : i32
      %dma_start3A_89 = tpu.memref_slice %arg7[%while3A_77, %dma_start3A_88] : memref<86x128xi32, #tpu.memory_space<vmem>> -> memref<1x128xi32, #tpu.memory_space<vmem>>
      %dma_start3A_90 = tpu.memref_squeeze %dma_start3A_89 : memref<1x128xi32, #tpu.memory_space<vmem>> -> memref<128xi32, #tpu.memory_space<vmem>>
      %dma_start3A_91 = arith.constant 0 : i32
      %dma_start3A_92 = arith.constant 0 : i32
      %dma_start3A_93 = tpu.memref_slice %arg12[%dma_start3A_91, %dma_start3A_92] : memref<10240x64xf32, #tpu.memory_space<vmem_shared>> -> memref<10240x64xf32, #tpu.memory_space<vmem_shared>>
      tpu.enqueue_indirect_dma source(%arg8 : memref<128x64xf32, #tpu.memory_space<vmem>>) target(%dma_start3A_93 : memref<10240x64xf32, #tpu.memory_space<vmem_shared>>) offsets(%dma_start3A_90 : memref<128xi32, #tpu.memory_space<vmem>>) semaphore(%arg17 : memref<!tpu.dma_semaphore, #tpu.memory_space<semaphore_mem>>) {add = true}
      %dma_wait3A_94 = arith.constant 0 : i32
      %dma_wait3A_95 = tpu.memref_slice %arg7[%while3A_77, %dma_wait3A_94] : memref<86x128xi32, #tpu.memory_space<vmem>> -> memref<1x128xi32, #tpu.memory_space<vmem>>
      %dma_wait3A_96 = tpu.memref_squeeze %dma_wait3A_95 : memref<1x128xi32, #tpu.memory_space<vmem>> -> memref<128xi32, #tpu.memory_space<vmem>>
      %dma_wait3A_97 = arith.constant 0 : i32
      %dma_wait3A_98 = arith.constant 0 : i32
      %dma_wait3A_99 = tpu.memref_slice %arg12[%dma_wait3A_97, %dma_wait3A_98] : memref<10240x64xf32, #tpu.memory_space<vmem_shared>> -> memref<10240x64xf32, #tpu.memory_space<vmem_shared>>
      tpu.wait_indirect_dma semaphore(%arg17 : memref<!tpu.dma_semaphore, #tpu.memory_space<semaphore_mem>>) src(%arg8 : memref<128x64xf32, #tpu.memory_space<vmem>>) dst(%dma_wait3A_99 : memref<10240x64xf32, #tpu.memory_space<vmem_shared>>)
    }
    %barrier3A_76 = arith.constant 0 : index
    tpu.barrier barrier_id(%barrier3A_76)
    "tpu.region"() ({
      %run_scoped3A = tpu.sem_alloc : memref<!tpu.dma_semaphore, #tpu.memory_space<semaphore_mem>>
      %dma_start3A = arith.constant 0 : i32
      %dma_start3A_77 = tpu.memref_slice %arg5[%arg0, %mul3A_0, %dma_start3A] : memref<2x10240x64xf32, #tpu.memory_space<hbm>> -> memref<1x640x64xf32, #tpu.memory_space<hbm>>
      %dma_start3A_78 = tpu.memref_squeeze %dma_start3A_77 : memref<1x640x64xf32, #tpu.memory_space<hbm>> -> memref<640x64xf32, #tpu.memory_space<hbm>>
      %dma_start3A_79 = arith.constant 0 : i32
      %dma_start3A_80 = tpu.memref_slice %arg12[%mul3A_0, %dma_start3A_79] : memref<10240x64xf32, #tpu.memory_space<vmem_shared>> -> memref<640x64xf32, #tpu.memory_space<vmem_shared>>
      tpu.enqueue_dma source(%dma_start3A_80 : memref<640x64xf32, #tpu.memory_space<vmem_shared>>) target(%dma_start3A_78 : memref<640x64xf32, #tpu.memory_space<hbm>>) target_semaphore(%run_scoped3A : memref<!tpu.dma_semaphore, #tpu.memory_space<semaphore_mem>>)
      %dma_wait3A = arith.constant 0 : i32
      %dma_wait3A_81 = tpu.memref_slice %arg5[%arg0, %mul3A_0, %dma_wait3A] : memref<2x10240x64xf32, #tpu.memory_space<hbm>> -> memref<1x640x64xf32, #tpu.memory_space<hbm>>
      %dma_wait3A_82 = tpu.memref_squeeze %dma_wait3A_81 : memref<1x640x64xf32, #tpu.memory_space<hbm>> -> memref<640x64xf32, #tpu.memory_space<hbm>>
      %dma_wait3A_83 = arith.constant 0 : i32
      %dma_wait3A_84 = tpu.memref_slice %arg12[%mul3A_0, %dma_wait3A_83] : memref<10240x64xf32, #tpu.memory_space<vmem_shared>> -> memref<640x64xf32, #tpu.memory_space<vmem_shared>>
      tpu.wait_dma2 semaphore(%run_scoped3A : memref<!tpu.dma_semaphore, #tpu.memory_space<semaphore_mem>>) src(%dma_wait3A_84 : memref<640x64xf32, #tpu.memory_space<vmem_shared>>) dst(%dma_wait3A_82 : memref<640x64xf32, #tpu.memory_space<hbm>>)
      tpu.yield
    }) : () -> ()
    return
  }
}

#map = affine_map<(d0, d1) -> (0, 0)>
#map1 = affine_map<(d0, d1) -> (0, 0, 0)>
module attributes {stable_mosaic.version = 14 : i64} {
  func.func @agg(%arg0: i32, %arg1: i32, %arg2: memref<10000x32xf32, #tpu.memory_space<hbm>>, %arg3: memref<2500x128xi32, #tpu.memory_space<hbm>>, %arg4: memref<2500x128xi32, #tpu.memory_space<hbm>>, %arg5: memref<2x10240x32xf32, #tpu.memory_space<hbm>>, %arg6: memref<86x128xi32, #tpu.memory_space<vmem>>, %arg7: memref<86x128xi32, #tpu.memory_space<vmem>>, %arg8: memref<128x32xf32, #tpu.memory_space<vmem>>, %arg9: memref<128x32xf32, #tpu.memory_space<vmem>>, %arg10: memref<128x32xf32, #tpu.memory_space<vmem>>, %arg11: memref<128x32xf32, #tpu.memory_space<vmem>>, %arg12: memref<10240x32xf32, #tpu.memory_space<vmem_shared>>, %arg13: memref<!tpu.dma_semaphore, #tpu.memory_space<semaphore_mem>>, %arg14: memref<!tpu.dma_semaphore, #tpu.memory_space<semaphore_mem>>, %arg15: memref<!tpu.dma_semaphore, #tpu.memory_space<semaphore_mem>>, %arg16: memref<!tpu.dma_semaphore, #tpu.memory_space<semaphore_mem>>, %arg17: memref<!tpu.dma_semaphore, #tpu.memory_space<semaphore_mem>>) attributes {dimension_semantics = [#tpu.dimension_semantics<core_parallel>, #tpu.dimension_semantics<subcore_parallel>], iteration_bounds = array<i64: 2, 16>, scalar_prefetch = 0 : i64, scratch_operands = 12 : i64, tpu.core_type = #tpu.core_type<sc_vector_subcore>, window_params = [{transform_indices = #map}, {transform_indices = #map}, {transform_indices = #map}, {transform_indices = #map1}]} {
    %mul3A = arith.constant 640 : i32
    %mul3A_0 = arith.muli %arg1, %mul3A : i32
    %eq3A = arith.constant 0 : i32
    %eq3A_1 = arith.cmpi eq, %arg0, %eq3A : i32
    %mul3A_2 = arith.constant 85 : i32
    %mul3A_3 = arith.muli %arg1, %mul3A_2 : i32
    %mul3A_4 = arith.constant 71 : i32
    %mul3A_5 = arith.muli %arg1, %mul3A_4 : i32
    %add3A = arith.constant 1360 : i32
    %add3A_6 = arith.addi %add3A, %mul3A_5 : i32
    %sub3A = arith.constant 12 : i32
    %sub3A_7 = arith.subi %arg1, %sub3A : i32
    %max3A = arith.constant 0 : i32
    %max3A_8 = arith.maxsi %max3A, %sub3A_7 : i32
    %add3A_9 = arith.addi %add3A_6, %max3A_8 : i32
    %select_n3A = arith.select %eq3A_1, %mul3A_3, %add3A_9 : i32
    %ge3A = arith.constant 12 : i32
    %ge3A_10 = arith.cmpi sge, %arg1, %ge3A : i32
    %jit3A = arith.constant 1 : i32
    %jit3A_11 = arith.constant 0 : i32
    %select_n3A_12 = arith.select %ge3A_10, %jit3A, %jit3A_11 : i32
    %add3A_13 = arith.constant 71 : i32
    %add3A_14 = arith.addi %add3A_13, %select_n3A_12 : i32
    %jit3A_15 = arith.constant 85 : i32
    %select_n3A_16 = arith.select %eq3A_1, %jit3A_15, %add3A_14 : i32
    %scan3A = arith.constant 0 : i32
    %scan3A_17 = arith.constant 0 : i32
    %scan3A_18 = arith.constant 128 : i32
    %scan3A_19 = arith.addi %scan3A_17, %scan3A_18 : i32
    %scan3A_20 = arith.constant 1 : i32
    scf.for %scan3A_77 = %scan3A_17 to %scan3A_19 step %scan3A_20  : i32 {
      %broadcast_in_dim3A = arith.constant 0.000000e+00 : f32
      %broadcast_in_dim3A_78 = vector.broadcast %broadcast_in_dim3A : f32 to vector<16xf32>
      %swap3A = arith.index_cast %scan3A_77 : i32 to index
      %swap3A_79 = arith.constant 0 : index
      %swap3A_80 = tpu.vector_load %arg8[%swap3A, %swap3A_79] {strides = array<i32>} : memref<128x32xf32, #tpu.memory_space<vmem>>, vector<1x16xf32>,
      %swap3A_81 = vector.shape_cast %swap3A_80 : vector<1x16xf32> to vector<16xf32>
      %swap3A_82 = vector.shape_cast %broadcast_in_dim3A_78 : vector<16xf32> to vector<1x16xf32>
      tpu.vector_store %arg8[%swap3A, %swap3A_79], %swap3A_82 {strides = array<i32>} : memref<128x32xf32, #tpu.memory_space<vmem>>, vector<1x16xf32>,
      %broadcast_in_dim3A_83 = arith.constant 0.000000e+00 : f32
      %broadcast_in_dim3A_84 = vector.broadcast %broadcast_in_dim3A_83 : f32 to vector<16xf32>
      %swap3A_85 = arith.index_cast %scan3A_77 : i32 to index
      %swap3A_86 = arith.constant 16 : index
      %swap3A_87 = tpu.vector_load %arg8[%swap3A_85, %swap3A_86] {strides = array<i32>} : memref<128x32xf32, #tpu.memory_space<vmem>>, vector<1x16xf32>,
      %swap3A_88 = vector.shape_cast %swap3A_87 : vector<1x16xf32> to vector<16xf32>
      %swap3A_89 = vector.shape_cast %broadcast_in_dim3A_84 : vector<16xf32> to vector<1x16xf32>
      tpu.vector_store %arg8[%swap3A_85, %swap3A_86], %swap3A_89 {strides = array<i32>} : memref<128x32xf32, #tpu.memory_space<vmem>>, vector<1x16xf32>,
    }
    %scan3A_21 = arith.constant 128 : i32
    %add3A_22 = arith.constant 0 : i32
    %add3A_23 = arith.addi %mul3A_0, %add3A_22 : i32
    "tpu.region"() ({
      %run_scoped3A = tpu.sem_alloc : memref<!tpu.dma_semaphore, #tpu.memory_space<semaphore_mem>>
      %dma_start3A = arith.constant 0 : i32
      %dma_start3A_77 = tpu.memref_slice %arg12[%add3A_23, %dma_start3A] : memref<10240x32xf32, #tpu.memory_space<vmem_shared>> -> memref<128x32xf32, #tpu.memory_space<vmem_shared>>
      %dma_start3A_78 = arith.constant 0 : i32
      %dma_start3A_79 = tpu.memref_slice %arg12[%add3A_23, %dma_start3A_78] : memref<10240x32xf32, #tpu.memory_space<vmem_shared>> -> memref<128x32xf32, #tpu.memory_space<vmem_shared>>
      tpu.enqueue_dma source(%arg8 : memref<128x32xf32, #tpu.memory_space<vmem>>) target(%dma_start3A_79 : memref<128x32xf32, #tpu.memory_space<vmem_shared>>) target_semaphore(%run_scoped3A : memref<!tpu.dma_semaphore, #tpu.memory_space<semaphore_mem>>)
      %dma_wait3A = arith.constant 0 : i32
      %dma_wait3A_80 = tpu.memref_slice %arg12[%add3A_23, %dma_wait3A] : memref<10240x32xf32, #tpu.memory_space<vmem_shared>> -> memref<128x32xf32, #tpu.memory_space<vmem_shared>>
      %dma_wait3A_81 = arith.constant 0 : i32
      %dma_wait3A_82 = tpu.memref_slice %arg12[%add3A_23, %dma_wait3A_81] : memref<10240x32xf32, #tpu.memory_space<vmem_shared>> -> memref<128x32xf32, #tpu.memory_space<vmem_shared>>
      tpu.wait_dma2 semaphore(%run_scoped3A : memref<!tpu.dma_semaphore, #tpu.memory_space<semaphore_mem>>) src(%arg8 : memref<128x32xf32, #tpu.memory_space<vmem>>) dst(%dma_wait3A_82 : memref<128x32xf32, #tpu.memory_space<vmem_shared>>)
      tpu.yield
    }) : () -> ()
    %add3A_24 = arith.constant 128 : i32
    %add3A_25 = arith.addi %mul3A_0, %add3A_24 : i32
    "tpu.region"() ({
      %run_scoped3A = tpu.sem_alloc : memref<!tpu.dma_semaphore, #tpu.memory_space<semaphore_mem>>
      %dma_start3A = arith.constant 0 : i32
      %dma_start3A_77 = tpu.memref_slice %arg12[%add3A_25, %dma_start3A] : memref<10240x32xf32, #tpu.memory_space<vmem_shared>> -> memref<128x32xf32, #tpu.memory_space<vmem_shared>>
      %dma_start3A_78 = arith.constant 0 : i32
      %dma_start3A_79 = tpu.memref_slice %arg12[%add3A_25, %dma_start3A_78] : memref<10240x32xf32, #tpu.memory_space<vmem_shared>> -> memref<128x32xf32, #tpu.memory_space<vmem_shared>>
      tpu.enqueue_dma source(%arg8 : memref<128x32xf32, #tpu.memory_space<vmem>>) target(%dma_start3A_79 : memref<128x32xf32, #tpu.memory_space<vmem_shared>>) target_semaphore(%run_scoped3A : memref<!tpu.dma_semaphore, #tpu.memory_space<semaphore_mem>>)
      %dma_wait3A = arith.constant 0 : i32
      %dma_wait3A_80 = tpu.memref_slice %arg12[%add3A_25, %dma_wait3A] : memref<10240x32xf32, #tpu.memory_space<vmem_shared>> -> memref<128x32xf32, #tpu.memory_space<vmem_shared>>
      %dma_wait3A_81 = arith.constant 0 : i32
      %dma_wait3A_82 = tpu.memref_slice %arg12[%add3A_25, %dma_wait3A_81] : memref<10240x32xf32, #tpu.memory_space<vmem_shared>> -> memref<128x32xf32, #tpu.memory_space<vmem_shared>>
      tpu.wait_dma2 semaphore(%run_scoped3A : memref<!tpu.dma_semaphore, #tpu.memory_space<semaphore_mem>>) src(%arg8 : memref<128x32xf32, #tpu.memory_space<vmem>>) dst(%dma_wait3A_82 : memref<128x32xf32, #tpu.memory_space<vmem_shared>>)
      tpu.yield
    }) : () -> ()
    %add3A_26 = arith.constant 256 : i32
    %add3A_27 = arith.addi %mul3A_0, %add3A_26 : i32
    "tpu.region"() ({
      %run_scoped3A = tpu.sem_alloc : memref<!tpu.dma_semaphore, #tpu.memory_space<semaphore_mem>>
      %dma_start3A = arith.constant 0 : i32
      %dma_start3A_77 = tpu.memref_slice %arg12[%add3A_27, %dma_start3A] : memref<10240x32xf32, #tpu.memory_space<vmem_shared>> -> memref<128x32xf32, #tpu.memory_space<vmem_shared>>
      %dma_start3A_78 = arith.constant 0 : i32
      %dma_start3A_79 = tpu.memref_slice %arg12[%add3A_27, %dma_start3A_78] : memref<10240x32xf32, #tpu.memory_space<vmem_shared>> -> memref<128x32xf32, #tpu.memory_space<vmem_shared>>
      tpu.enqueue_dma source(%arg8 : memref<128x32xf32, #tpu.memory_space<vmem>>) target(%dma_start3A_79 : memref<128x32xf32, #tpu.memory_space<vmem_shared>>) target_semaphore(%run_scoped3A : memref<!tpu.dma_semaphore, #tpu.memory_space<semaphore_mem>>)
      %dma_wait3A = arith.constant 0 : i32
      %dma_wait3A_80 = tpu.memref_slice %arg12[%add3A_27, %dma_wait3A] : memref<10240x32xf32, #tpu.memory_space<vmem_shared>> -> memref<128x32xf32, #tpu.memory_space<vmem_shared>>
      %dma_wait3A_81 = arith.constant 0 : i32
      %dma_wait3A_82 = tpu.memref_slice %arg12[%add3A_27, %dma_wait3A_81] : memref<10240x32xf32, #tpu.memory_space<vmem_shared>> -> memref<128x32xf32, #tpu.memory_space<vmem_shared>>
      tpu.wait_dma2 semaphore(%run_scoped3A : memref<!tpu.dma_semaphore, #tpu.memory_space<semaphore_mem>>) src(%arg8 : memref<128x32xf32, #tpu.memory_space<vmem>>) dst(%dma_wait3A_82 : memref<128x32xf32, #tpu.memory_space<vmem_shared>>)
      tpu.yield
    }) : () -> ()
    %add3A_28 = arith.constant 384 : i32
    %add3A_29 = arith.addi %mul3A_0, %add3A_28 : i32
    "tpu.region"() ({
      %run_scoped3A = tpu.sem_alloc : memref<!tpu.dma_semaphore, #tpu.memory_space<semaphore_mem>>
      %dma_start3A = arith.constant 0 : i32
      %dma_start3A_77 = tpu.memref_slice %arg12[%add3A_29, %dma_start3A] : memref<10240x32xf32, #tpu.memory_space<vmem_shared>> -> memref<128x32xf32, #tpu.memory_space<vmem_shared>>
      %dma_start3A_78 = arith.constant 0 : i32
      %dma_start3A_79 = tpu.memref_slice %arg12[%add3A_29, %dma_start3A_78] : memref<10240x32xf32, #tpu.memory_space<vmem_shared>> -> memref<128x32xf32, #tpu.memory_space<vmem_shared>>
      tpu.enqueue_dma source(%arg8 : memref<128x32xf32, #tpu.memory_space<vmem>>) target(%dma_start3A_79 : memref<128x32xf32, #tpu.memory_space<vmem_shared>>) target_semaphore(%run_scoped3A : memref<!tpu.dma_semaphore, #tpu.memory_space<semaphore_mem>>)
      %dma_wait3A = arith.constant 0 : i32
      %dma_wait3A_80 = tpu.memref_slice %arg12[%add3A_29, %dma_wait3A] : memref<10240x32xf32, #tpu.memory_space<vmem_shared>> -> memref<128x32xf32, #tpu.memory_space<vmem_shared>>
      %dma_wait3A_81 = arith.constant 0 : i32
      %dma_wait3A_82 = tpu.memref_slice %arg12[%add3A_29, %dma_wait3A_81] : memref<10240x32xf32, #tpu.memory_space<vmem_shared>> -> memref<128x32xf32, #tpu.memory_space<vmem_shared>>
      tpu.wait_dma2 semaphore(%run_scoped3A : memref<!tpu.dma_semaphore, #tpu.memory_space<semaphore_mem>>) src(%arg8 : memref<128x32xf32, #tpu.memory_space<vmem>>) dst(%dma_wait3A_82 : memref<128x32xf32, #tpu.memory_space<vmem_shared>>)
      tpu.yield
    }) : () -> ()
    %add3A_30 = arith.constant 512 : i32
    %add3A_31 = arith.addi %mul3A_0, %add3A_30 : i32
    "tpu.region"() ({
      %run_scoped3A = tpu.sem_alloc : memref<!tpu.dma_semaphore, #tpu.memory_space<semaphore_mem>>
      %dma_start3A = arith.constant 0 : i32
      %dma_start3A_77 = tpu.memref_slice %arg12[%add3A_31, %dma_start3A] : memref<10240x32xf32, #tpu.memory_space<vmem_shared>> -> memref<128x32xf32, #tpu.memory_space<vmem_shared>>
      %dma_start3A_78 = arith.constant 0 : i32
      %dma_start3A_79 = tpu.memref_slice %arg12[%add3A_31, %dma_start3A_78] : memref<10240x32xf32, #tpu.memory_space<vmem_shared>> -> memref<128x32xf32, #tpu.memory_space<vmem_shared>>
      tpu.enqueue_dma source(%arg8 : memref<128x32xf32, #tpu.memory_space<vmem>>) target(%dma_start3A_79 : memref<128x32xf32, #tpu.memory_space<vmem_shared>>) target_semaphore(%run_scoped3A : memref<!tpu.dma_semaphore, #tpu.memory_space<semaphore_mem>>)
      %dma_wait3A = arith.constant 0 : i32
      %dma_wait3A_80 = tpu.memref_slice %arg12[%add3A_31, %dma_wait3A] : memref<10240x32xf32, #tpu.memory_space<vmem_shared>> -> memref<128x32xf32, #tpu.memory_space<vmem_shared>>
      %dma_wait3A_81 = arith.constant 0 : i32
      %dma_wait3A_82 = tpu.memref_slice %arg12[%add3A_31, %dma_wait3A_81] : memref<10240x32xf32, #tpu.memory_space<vmem_shared>> -> memref<128x32xf32, #tpu.memory_space<vmem_shared>>
      tpu.wait_dma2 semaphore(%run_scoped3A : memref<!tpu.dma_semaphore, #tpu.memory_space<semaphore_mem>>) src(%arg8 : memref<128x32xf32, #tpu.memory_space<vmem>>) dst(%dma_wait3A_82 : memref<128x32xf32, #tpu.memory_space<vmem_shared>>)
      tpu.yield
    }) : () -> ()
    %convert_element_type3A = arith.extui %eq3A_1 : i1 to i32
    %cond3A = arith.constant 0 : i32
    %cond3A_32 = arith.cmpi ne, %convert_element_type3A, %cond3A : i32
    scf.if %cond3A_32 {
      "tpu.region"() ({
        %run_scoped3A = tpu.sem_alloc : memref<!tpu.dma_semaphore, #tpu.memory_space<semaphore_mem>>
        %dma_start3A = arith.constant 0 : i32
        %dma_start3A_77 = arith.constant 0 : i32
        %dma_start3A_78 = tpu.memref_slice %arg6[%dma_start3A, %dma_start3A_77] : memref<86x128xi32, #tpu.memory_space<vmem>> -> memref<85x128xi32, #tpu.memory_space<vmem>>
        %dma_start3A_79 = arith.constant 0 : i32
        %dma_start3A_80 = tpu.memref_slice %arg3[%select_n3A, %dma_start3A_79] : memref<2500x128xi32, #tpu.memory_space<hbm>> -> memref<85x128xi32, #tpu.memory_space<hbm>>
        %dma_start3A_81 = arith.constant 0 : i32
        %dma_start3A_82 = arith.constant 0 : i32
        %dma_start3A_83 = tpu.memref_slice %arg6[%dma_start3A_81, %dma_start3A_82] : memref<86x128xi32, #tpu.memory_space<vmem>> -> memref<85x128xi32, #tpu.memory_space<vmem>>
        %dma_start3A_84 = arith.constant 0 : i32
        %dma_start3A_85 = tpu.memref_slice %arg3[%select_n3A, %dma_start3A_84] : memref<2500x128xi32, #tpu.memory_space<hbm>> -> memref<85x128xi32, #tpu.memory_space<hbm>>
        tpu.enqueue_dma source(%dma_start3A_85 : memref<85x128xi32, #tpu.memory_space<hbm>>) target(%dma_start3A_83 : memref<85x128xi32, #tpu.memory_space<vmem>>) target_semaphore(%run_scoped3A : memref<!tpu.dma_semaphore, #tpu.memory_space<semaphore_mem>>)
        %dma_wait3A = arith.constant 0 : i32
        %dma_wait3A_86 = arith.constant 0 : i32
        %dma_wait3A_87 = tpu.memref_slice %arg6[%dma_wait3A, %dma_wait3A_86] : memref<86x128xi32, #tpu.memory_space<vmem>> -> memref<85x128xi32, #tpu.memory_space<vmem>>
        %dma_wait3A_88 = arith.constant 0 : i32
        %dma_wait3A_89 = tpu.memref_slice %arg3[%select_n3A, %dma_wait3A_88] : memref<2500x128xi32, #tpu.memory_space<hbm>> -> memref<85x128xi32, #tpu.memory_space<hbm>>
        %dma_wait3A_90 = arith.constant 0 : i32
        %dma_wait3A_91 = arith.constant 0 : i32
        %dma_wait3A_92 = tpu.memref_slice %arg6[%dma_wait3A_90, %dma_wait3A_91] : memref<86x128xi32, #tpu.memory_space<vmem>> -> memref<85x128xi32, #tpu.memory_space<vmem>>
        %dma_wait3A_93 = arith.constant 0 : i32
        %dma_wait3A_94 = tpu.memref_slice %arg3[%select_n3A, %dma_wait3A_93] : memref<2500x128xi32, #tpu.memory_space<hbm>> -> memref<85x128xi32, #tpu.memory_space<hbm>>
        tpu.wait_dma2 semaphore(%run_scoped3A : memref<!tpu.dma_semaphore, #tpu.memory_space<semaphore_mem>>) src(%dma_wait3A_94 : memref<85x128xi32, #tpu.memory_space<hbm>>) dst(%dma_wait3A_92 : memref<85x128xi32, #tpu.memory_space<vmem>>)
        tpu.yield
      }) : () -> ()
      "tpu.region"() ({
        %run_scoped3A = tpu.sem_alloc : memref<!tpu.dma_semaphore, #tpu.memory_space<semaphore_mem>>
        %dma_start3A = arith.constant 0 : i32
        %dma_start3A_77 = arith.constant 0 : i32
        %dma_start3A_78 = tpu.memref_slice %arg7[%dma_start3A, %dma_start3A_77] : memref<86x128xi32, #tpu.memory_space<vmem>> -> memref<85x128xi32, #tpu.memory_space<vmem>>
        %dma_start3A_79 = arith.constant 0 : i32
        %dma_start3A_80 = tpu.memref_slice %arg4[%select_n3A, %dma_start3A_79] : memref<2500x128xi32, #tpu.memory_space<hbm>> -> memref<85x128xi32, #tpu.memory_space<hbm>>
        %dma_start3A_81 = arith.constant 0 : i32
        %dma_start3A_82 = arith.constant 0 : i32
        %dma_start3A_83 = tpu.memref_slice %arg7[%dma_start3A_81, %dma_start3A_82] : memref<86x128xi32, #tpu.memory_space<vmem>> -> memref<85x128xi32, #tpu.memory_space<vmem>>
        %dma_start3A_84 = arith.constant 0 : i32
        %dma_start3A_85 = tpu.memref_slice %arg4[%select_n3A, %dma_start3A_84] : memref<2500x128xi32, #tpu.memory_space<hbm>> -> memref<85x128xi32, #tpu.memory_space<hbm>>
        tpu.enqueue_dma source(%dma_start3A_85 : memref<85x128xi32, #tpu.memory_space<hbm>>) target(%dma_start3A_83 : memref<85x128xi32, #tpu.memory_space<vmem>>) target_semaphore(%run_scoped3A : memref<!tpu.dma_semaphore, #tpu.memory_space<semaphore_mem>>)
        %dma_wait3A = arith.constant 0 : i32
        %dma_wait3A_86 = arith.constant 0 : i32
        %dma_wait3A_87 = tpu.memref_slice %arg7[%dma_wait3A, %dma_wait3A_86] : memref<86x128xi32, #tpu.memory_space<vmem>> -> memref<85x128xi32, #tpu.memory_space<vmem>>
        %dma_wait3A_88 = arith.constant 0 : i32
        %dma_wait3A_89 = tpu.memref_slice %arg4[%select_n3A, %dma_wait3A_88] : memref<2500x128xi32, #tpu.memory_space<hbm>> -> memref<85x128xi32, #tpu.memory_space<hbm>>
        %dma_wait3A_90 = arith.constant 0 : i32
        %dma_wait3A_91 = arith.constant 0 : i32
        %dma_wait3A_92 = tpu.memref_slice %arg7[%dma_wait3A_90, %dma_wait3A_91] : memref<86x128xi32, #tpu.memory_space<vmem>> -> memref<85x128xi32, #tpu.memory_space<vmem>>
        %dma_wait3A_93 = arith.constant 0 : i32
        %dma_wait3A_94 = tpu.memref_slice %arg4[%select_n3A, %dma_wait3A_93] : memref<2500x128xi32, #tpu.memory_space<hbm>> -> memref<85x128xi32, #tpu.memory_space<hbm>>
        tpu.wait_dma2 semaphore(%run_scoped3A : memref<!tpu.dma_semaphore, #tpu.memory_space<semaphore_mem>>) src(%dma_wait3A_94 : memref<85x128xi32, #tpu.memory_space<hbm>>) dst(%dma_wait3A_92 : memref<85x128xi32, #tpu.memory_space<vmem>>)
        tpu.yield
      }) : () -> ()
    } else {
    }
    %not3A = arith.constant true
    %not3A_33 = arith.xori %eq3A_1, %not3A : i1
    %convert_element_type3A_34 = arith.extui %not3A_33 : i1 to i32
    %cond3A_35 = arith.constant 0 : i32
    %cond3A_36 = arith.cmpi ne, %convert_element_type3A_34, %cond3A_35 : i32
    scf.if %cond3A_36 {
      "tpu.region"() ({
        %run_scoped3A = tpu.sem_alloc : memref<!tpu.dma_semaphore, #tpu.memory_space<semaphore_mem>>
        %dma_start3A = arith.constant 0 : i32
        %dma_start3A_77 = arith.constant 0 : i32
        %dma_start3A_78 = tpu.memref_slice %arg6[%dma_start3A, %dma_start3A_77] : memref<86x128xi32, #tpu.memory_space<vmem>> -> memref<72x128xi32, #tpu.memory_space<vmem>>
        %dma_start3A_79 = arith.constant 0 : i32
        %dma_start3A_80 = tpu.memref_slice %arg3[%select_n3A, %dma_start3A_79] : memref<2500x128xi32, #tpu.memory_space<hbm>> -> memref<72x128xi32, #tpu.memory_space<hbm>>
        %dma_start3A_81 = arith.constant 0 : i32
        %dma_start3A_82 = arith.constant 0 : i32
        %dma_start3A_83 = tpu.memref_slice %arg6[%dma_start3A_81, %dma_start3A_82] : memref<86x128xi32, #tpu.memory_space<vmem>> -> memref<72x128xi32, #tpu.memory_space<vmem>>
        %dma_start3A_84 = arith.constant 0 : i32
        %dma_start3A_85 = tpu.memref_slice %arg3[%select_n3A, %dma_start3A_84] : memref<2500x128xi32, #tpu.memory_space<hbm>> -> memref<72x128xi32, #tpu.memory_space<hbm>>
        tpu.enqueue_dma source(%dma_start3A_85 : memref<72x128xi32, #tpu.memory_space<hbm>>) target(%dma_start3A_83 : memref<72x128xi32, #tpu.memory_space<vmem>>) target_semaphore(%run_scoped3A : memref<!tpu.dma_semaphore, #tpu.memory_space<semaphore_mem>>)
        %dma_wait3A = arith.constant 0 : i32
        %dma_wait3A_86 = arith.constant 0 : i32
        %dma_wait3A_87 = tpu.memref_slice %arg6[%dma_wait3A, %dma_wait3A_86] : memref<86x128xi32, #tpu.memory_space<vmem>> -> memref<72x128xi32, #tpu.memory_space<vmem>>
        %dma_wait3A_88 = arith.constant 0 : i32
        %dma_wait3A_89 = tpu.memref_slice %arg3[%select_n3A, %dma_wait3A_88] : memref<2500x128xi32, #tpu.memory_space<hbm>> -> memref<72x128xi32, #tpu.memory_space<hbm>>
        %dma_wait3A_90 = arith.constant 0 : i32
        %dma_wait3A_91 = arith.constant 0 : i32
        %dma_wait3A_92 = tpu.memref_slice %arg6[%dma_wait3A_90, %dma_wait3A_91] : memref<86x128xi32, #tpu.memory_space<vmem>> -> memref<72x128xi32, #tpu.memory_space<vmem>>
        %dma_wait3A_93 = arith.constant 0 : i32
        %dma_wait3A_94 = tpu.memref_slice %arg3[%select_n3A, %dma_wait3A_93] : memref<2500x128xi32, #tpu.memory_space<hbm>> -> memref<72x128xi32, #tpu.memory_space<hbm>>
        tpu.wait_dma2 semaphore(%run_scoped3A : memref<!tpu.dma_semaphore, #tpu.memory_space<semaphore_mem>>) src(%dma_wait3A_94 : memref<72x128xi32, #tpu.memory_space<hbm>>) dst(%dma_wait3A_92 : memref<72x128xi32, #tpu.memory_space<vmem>>)
        tpu.yield
      }) : () -> ()
      "tpu.region"() ({
        %run_scoped3A = tpu.sem_alloc : memref<!tpu.dma_semaphore, #tpu.memory_space<semaphore_mem>>
        %dma_start3A = arith.constant 0 : i32
        %dma_start3A_77 = arith.constant 0 : i32
        %dma_start3A_78 = tpu.memref_slice %arg7[%dma_start3A, %dma_start3A_77] : memref<86x128xi32, #tpu.memory_space<vmem>> -> memref<72x128xi32, #tpu.memory_space<vmem>>
        %dma_start3A_79 = arith.constant 0 : i32
        %dma_start3A_80 = tpu.memref_slice %arg4[%select_n3A, %dma_start3A_79] : memref<2500x128xi32, #tpu.memory_space<hbm>> -> memref<72x128xi32, #tpu.memory_space<hbm>>
        %dma_start3A_81 = arith.constant 0 : i32
        %dma_start3A_82 = arith.constant 0 : i32
        %dma_start3A_83 = tpu.memref_slice %arg7[%dma_start3A_81, %dma_start3A_82] : memref<86x128xi32, #tpu.memory_space<vmem>> -> memref<72x128xi32, #tpu.memory_space<vmem>>
        %dma_start3A_84 = arith.constant 0 : i32
        %dma_start3A_85 = tpu.memref_slice %arg4[%select_n3A, %dma_start3A_84] : memref<2500x128xi32, #tpu.memory_space<hbm>> -> memref<72x128xi32, #tpu.memory_space<hbm>>
        tpu.enqueue_dma source(%dma_start3A_85 : memref<72x128xi32, #tpu.memory_space<hbm>>) target(%dma_start3A_83 : memref<72x128xi32, #tpu.memory_space<vmem>>) target_semaphore(%run_scoped3A : memref<!tpu.dma_semaphore, #tpu.memory_space<semaphore_mem>>)
        %dma_wait3A = arith.constant 0 : i32
        %dma_wait3A_86 = arith.constant 0 : i32
        %dma_wait3A_87 = tpu.memref_slice %arg7[%dma_wait3A, %dma_wait3A_86] : memref<86x128xi32, #tpu.memory_space<vmem>> -> memref<72x128xi32, #tpu.memory_space<vmem>>
        %dma_wait3A_88 = arith.constant 0 : i32
        %dma_wait3A_89 = tpu.memref_slice %arg4[%select_n3A, %dma_wait3A_88] : memref<2500x128xi32, #tpu.memory_space<hbm>> -> memref<72x128xi32, #tpu.memory_space<hbm>>
        %dma_wait3A_90 = arith.constant 0 : i32
        %dma_wait3A_91 = arith.constant 0 : i32
        %dma_wait3A_92 = tpu.memref_slice %arg7[%dma_wait3A_90, %dma_wait3A_91] : memref<86x128xi32, #tpu.memory_space<vmem>> -> memref<72x128xi32, #tpu.memory_space<vmem>>
        %dma_wait3A_93 = arith.constant 0 : i32
        %dma_wait3A_94 = tpu.memref_slice %arg4[%select_n3A, %dma_wait3A_93] : memref<2500x128xi32, #tpu.memory_space<hbm>> -> memref<72x128xi32, #tpu.memory_space<hbm>>
        tpu.wait_dma2 semaphore(%run_scoped3A : memref<!tpu.dma_semaphore, #tpu.memory_space<semaphore_mem>>) src(%dma_wait3A_94 : memref<72x128xi32, #tpu.memory_space<hbm>>) dst(%dma_wait3A_92 : memref<72x128xi32, #tpu.memory_space<vmem>>)
        tpu.yield
      }) : () -> ()
    } else {
    }
    %barrier3A = arith.constant 0 : index
    tpu.barrier barrier_id(%barrier3A)
    %jit3A_37 = arith.constant 4 : i32
    %div3A = arith.divsi %select_n3A_16, %jit3A_37 : i32
    %sign3A = arith.constant 0 : i32
    %sign3A_38 = arith.cmpi sgt, %select_n3A_16, %sign3A : i32
    %sign3A_39 = arith.extui %sign3A_38 : i1 to i32
    %sign3A_40 = arith.constant 0 : i32
    %sign3A_41 = arith.cmpi slt, %select_n3A_16, %sign3A_40 : i32
    %sign3A_42 = arith.extui %sign3A_41 : i1 to i32
    %sign3A_43 = arith.subi %sign3A_39, %sign3A_42 : i32
    %sign3A_44 = arith.constant 0 : i32
    %sign3A_45 = arith.cmpi sgt, %jit3A_37, %sign3A_44 : i32
    %sign3A_46 = arith.extui %sign3A_45 : i1 to i32
    %sign3A_47 = arith.constant 0 : i32
    %sign3A_48 = arith.cmpi slt, %jit3A_37, %sign3A_47 : i32
    %sign3A_49 = arith.extui %sign3A_48 : i1 to i32
    %sign3A_50 = arith.subi %sign3A_46, %sign3A_49 : i32
    %ne3A = arith.cmpi ne, %sign3A_43, %sign3A_50 : i32
    %rem3A = arith.remsi %select_n3A_16, %jit3A_37 : i32
    %ne3A_51 = arith.constant 0 : i32
    %ne3A_52 = arith.cmpi ne, %rem3A, %ne3A_51 : i32
    %and3A = arith.andi %ne3A, %ne3A_52 : i1
    %sub3A_53 = arith.constant 1 : i32
    %sub3A_54 = arith.subi %div3A, %sub3A_53 : i32
    %select_n3A_55 = arith.select %and3A, %sub3A_54, %div3A : i32
    %while3A = arith.constant 0 : i32
    %while3A_56 = arith.constant 0 : i32
    %while3A_57 = arith.subi %select_n3A_55, %while3A_56 : i32
    %while3A_58 = arith.addi %while3A_56, %while3A_57 : i32
    %while3A_59 = arith.constant 1 : i32
    %while3A_60 = arith.divsi %while3A_57, %while3A_59 : i32
    %while3A_61 = arith.muli %while3A_60, %while3A_59 : i32
    %while3A_62 = arith.addi %while3A_56, %while3A_61 : i32
    %while3A_63 = arith.constant 1 : i32
    scf.for %while3A_77 = %while3A_56 to %while3A_62 step %while3A_63  : i32 {
      %mul3A_78 = arith.constant 4 : i32
      %mul3A_79 = arith.muli %while3A_77, %mul3A_78 : i32
      %add3A_80 = arith.constant 0 : i32
      %add3A_81 = arith.addi %mul3A_79, %add3A_80 : i32
      %dma_start3A = arith.constant 0 : i32
      %dma_start3A_82 = tpu.memref_slice %arg6[%add3A_81, %dma_start3A] : memref<86x128xi32, #tpu.memory_space<vmem>> -> memref<1x128xi32, #tpu.memory_space<vmem>>
      %dma_start3A_83 = tpu.memref_squeeze %dma_start3A_82 : memref<1x128xi32, #tpu.memory_space<vmem>> -> memref<128xi32, #tpu.memory_space<vmem>>
      %dma_start3A_84 = arith.constant 0 : i32
      %dma_start3A_85 = arith.constant 0 : i32
      %dma_start3A_86 = tpu.memref_slice %arg2[%dma_start3A_84, %dma_start3A_85] : memref<10000x32xf32, #tpu.memory_space<hbm>> -> memref<10000x32xf32, #tpu.memory_space<hbm>>
      tpu.enqueue_indirect_dma source(%dma_start3A_86 : memref<10000x32xf32, #tpu.memory_space<hbm>>) target(%arg8 : memref<128x32xf32, #tpu.memory_space<vmem>>) offsets(%dma_start3A_83 : memref<128xi32, #tpu.memory_space<vmem>>) semaphore(%arg13 : memref<!tpu.dma_semaphore, #tpu.memory_space<semaphore_mem>>)
      %add3A_87 = arith.constant 1 : i32
      %add3A_88 = arith.addi %mul3A_79, %add3A_87 : i32
      %dma_start3A_89 = arith.constant 0 : i32
      %dma_start3A_90 = tpu.memref_slice %arg6[%add3A_88, %dma_start3A_89] : memref<86x128xi32, #tpu.memory_space<vmem>> -> memref<1x128xi32, #tpu.memory_space<vmem>>
      %dma_start3A_91 = tpu.memref_squeeze %dma_start3A_90 : memref<1x128xi32, #tpu.memory_space<vmem>> -> memref<128xi32, #tpu.memory_space<vmem>>
      %dma_start3A_92 = arith.constant 0 : i32
      %dma_start3A_93 = arith.constant 0 : i32
      %dma_start3A_94 = tpu.memref_slice %arg2[%dma_start3A_92, %dma_start3A_93] : memref<10000x32xf32, #tpu.memory_space<hbm>> -> memref<10000x32xf32, #tpu.memory_space<hbm>>
      tpu.enqueue_indirect_dma source(%dma_start3A_94 : memref<10000x32xf32, #tpu.memory_space<hbm>>) target(%arg9 : memref<128x32xf32, #tpu.memory_space<vmem>>) offsets(%dma_start3A_91 : memref<128xi32, #tpu.memory_space<vmem>>) semaphore(%arg14 : memref<!tpu.dma_semaphore, #tpu.memory_space<semaphore_mem>>)
      %add3A_95 = arith.constant 2 : i32
      %add3A_96 = arith.addi %mul3A_79, %add3A_95 : i32
      %dma_start3A_97 = arith.constant 0 : i32
      %dma_start3A_98 = tpu.memref_slice %arg6[%add3A_96, %dma_start3A_97] : memref<86x128xi32, #tpu.memory_space<vmem>> -> memref<1x128xi32, #tpu.memory_space<vmem>>
      %dma_start3A_99 = tpu.memref_squeeze %dma_start3A_98 : memref<1x128xi32, #tpu.memory_space<vmem>> -> memref<128xi32, #tpu.memory_space<vmem>>
      %dma_start3A_100 = arith.constant 0 : i32
      %dma_start3A_101 = arith.constant 0 : i32
      %dma_start3A_102 = tpu.memref_slice %arg2[%dma_start3A_100, %dma_start3A_101] : memref<10000x32xf32, #tpu.memory_space<hbm>> -> memref<10000x32xf32, #tpu.memory_space<hbm>>
      tpu.enqueue_indirect_dma source(%dma_start3A_102 : memref<10000x32xf32, #tpu.memory_space<hbm>>) target(%arg10 : memref<128x32xf32, #tpu.memory_space<vmem>>) offsets(%dma_start3A_99 : memref<128xi32, #tpu.memory_space<vmem>>) semaphore(%arg15 : memref<!tpu.dma_semaphore, #tpu.memory_space<semaphore_mem>>)
      %add3A_103 = arith.constant 3 : i32
      %add3A_104 = arith.addi %mul3A_79, %add3A_103 : i32
      %dma_start3A_105 = arith.constant 0 : i32
      %dma_start3A_106 = tpu.memref_slice %arg6[%add3A_104, %dma_start3A_105] : memref<86x128xi32, #tpu.memory_space<vmem>> -> memref<1x128xi32, #tpu.memory_space<vmem>>
      %dma_start3A_107 = tpu.memref_squeeze %dma_start3A_106 : memref<1x128xi32, #tpu.memory_space<vmem>> -> memref<128xi32, #tpu.memory_space<vmem>>
      %dma_start3A_108 = arith.constant 0 : i32
      %dma_start3A_109 = arith.constant 0 : i32
      %dma_start3A_110 = tpu.memref_slice %arg2[%dma_start3A_108, %dma_start3A_109] : memref<10000x32xf32, #tpu.memory_space<hbm>> -> memref<10000x32xf32, #tpu.memory_space<hbm>>
      tpu.enqueue_indirect_dma source(%dma_start3A_110 : memref<10000x32xf32, #tpu.memory_space<hbm>>) target(%arg11 : memref<128x32xf32, #tpu.memory_space<vmem>>) offsets(%dma_start3A_107 : memref<128xi32, #tpu.memory_space<vmem>>) semaphore(%arg16 : memref<!tpu.dma_semaphore, #tpu.memory_space<semaphore_mem>>)
      %dma_wait3A = arith.constant 0 : i32
      %dma_wait3A_111 = tpu.memref_slice %arg6[%add3A_81, %dma_wait3A] : memref<86x128xi32, #tpu.memory_space<vmem>> -> memref<1x128xi32, #tpu.memory_space<vmem>>
      %dma_wait3A_112 = tpu.memref_squeeze %dma_wait3A_111 : memref<1x128xi32, #tpu.memory_space<vmem>> -> memref<128xi32, #tpu.memory_space<vmem>>
      %dma_wait3A_113 = arith.constant 0 : i32
      %dma_wait3A_114 = arith.constant 0 : i32
      %dma_wait3A_115 = tpu.memref_slice %arg2[%dma_wait3A_113, %dma_wait3A_114] : memref<10000x32xf32, #tpu.memory_space<hbm>> -> memref<10000x32xf32, #tpu.memory_space<hbm>>
      tpu.wait_indirect_dma semaphore(%arg13 : memref<!tpu.dma_semaphore, #tpu.memory_space<semaphore_mem>>) src(%dma_wait3A_115 : memref<10000x32xf32, #tpu.memory_space<hbm>>) dst(%arg8 : memref<128x32xf32, #tpu.memory_space<vmem>>)
      %add3A_116 = arith.constant 0 : i32
      %add3A_117 = arith.addi %mul3A_79, %add3A_116 : i32
      %dma_start3A_118 = arith.constant 0 : i32
      %dma_start3A_119 = tpu.memref_slice %arg7[%add3A_117, %dma_start3A_118] : memref<86x128xi32, #tpu.memory_space<vmem>> -> memref<1x128xi32, #tpu.memory_space<vmem>>
      %dma_start3A_120 = tpu.memref_squeeze %dma_start3A_119 : memref<1x128xi32, #tpu.memory_space<vmem>> -> memref<128xi32, #tpu.memory_space<vmem>>
      %dma_start3A_121 = arith.constant 0 : i32
      %dma_start3A_122 = arith.constant 0 : i32
      %dma_start3A_123 = tpu.memref_slice %arg12[%dma_start3A_121, %dma_start3A_122] : memref<10240x32xf32, #tpu.memory_space<vmem_shared>> -> memref<10240x32xf32, #tpu.memory_space<vmem_shared>>
      tpu.enqueue_indirect_dma source(%arg8 : memref<128x32xf32, #tpu.memory_space<vmem>>) target(%dma_start3A_123 : memref<10240x32xf32, #tpu.memory_space<vmem_shared>>) offsets(%dma_start3A_120 : memref<128xi32, #tpu.memory_space<vmem>>) semaphore(%arg17 : memref<!tpu.dma_semaphore, #tpu.memory_space<semaphore_mem>>) {add = true}
      %dma_wait3A_124 = arith.constant 0 : i32
      %dma_wait3A_125 = tpu.memref_slice %arg6[%add3A_88, %dma_wait3A_124] : memref<86x128xi32, #tpu.memory_space<vmem>> -> memref<1x128xi32, #tpu.memory_space<vmem>>
      %dma_wait3A_126 = tpu.memref_squeeze %dma_wait3A_125 : memref<1x128xi32, #tpu.memory_space<vmem>> -> memref<128xi32, #tpu.memory_space<vmem>>
      %dma_wait3A_127 = arith.constant 0 : i32
      %dma_wait3A_128 = arith.constant 0 : i32
      %dma_wait3A_129 = tpu.memref_slice %arg2[%dma_wait3A_127, %dma_wait3A_128] : memref<10000x32xf32, #tpu.memory_space<hbm>> -> memref<10000x32xf32, #tpu.memory_space<hbm>>
      tpu.wait_indirect_dma semaphore(%arg14 : memref<!tpu.dma_semaphore, #tpu.memory_space<semaphore_mem>>) src(%dma_wait3A_129 : memref<10000x32xf32, #tpu.memory_space<hbm>>) dst(%arg9 : memref<128x32xf32, #tpu.memory_space<vmem>>)
      %dma_wait3A_130 = arith.constant 0 : i32
      %dma_wait3A_131 = tpu.memref_slice %arg7[%add3A_117, %dma_wait3A_130] : memref<86x128xi32, #tpu.memory_space<vmem>> -> memref<1x128xi32, #tpu.memory_space<vmem>>
      %dma_wait3A_132 = tpu.memref_squeeze %dma_wait3A_131 : memref<1x128xi32, #tpu.memory_space<vmem>> -> memref<128xi32, #tpu.memory_space<vmem>>
      %dma_wait3A_133 = arith.constant 0 : i32
      %dma_wait3A_134 = arith.constant 0 : i32
      %dma_wait3A_135 = tpu.memref_slice %arg12[%dma_wait3A_133, %dma_wait3A_134] : memref<10240x32xf32, #tpu.memory_space<vmem_shared>> -> memref<10240x32xf32, #tpu.memory_space<vmem_shared>>
      tpu.wait_indirect_dma semaphore(%arg17 : memref<!tpu.dma_semaphore, #tpu.memory_space<semaphore_mem>>) src(%arg8 : memref<128x32xf32, #tpu.memory_space<vmem>>) dst(%dma_wait3A_135 : memref<10240x32xf32, #tpu.memory_space<vmem_shared>>)
      %add3A_136 = arith.constant 1 : i32
      %add3A_137 = arith.addi %mul3A_79, %add3A_136 : i32
      %dma_start3A_138 = arith.constant 0 : i32
      %dma_start3A_139 = tpu.memref_slice %arg7[%add3A_137, %dma_start3A_138] : memref<86x128xi32, #tpu.memory_space<vmem>> -> memref<1x128xi32, #tpu.memory_space<vmem>>
      %dma_start3A_140 = tpu.memref_squeeze %dma_start3A_139 : memref<1x128xi32, #tpu.memory_space<vmem>> -> memref<128xi32, #tpu.memory_space<vmem>>
      %dma_start3A_141 = arith.constant 0 : i32
      %dma_start3A_142 = arith.constant 0 : i32
      %dma_start3A_143 = tpu.memref_slice %arg12[%dma_start3A_141, %dma_start3A_142] : memref<10240x32xf32, #tpu.memory_space<vmem_shared>> -> memref<10240x32xf32, #tpu.memory_space<vmem_shared>>
      tpu.enqueue_indirect_dma source(%arg9 : memref<128x32xf32, #tpu.memory_space<vmem>>) target(%dma_start3A_143 : memref<10240x32xf32, #tpu.memory_space<vmem_shared>>) offsets(%dma_start3A_140 : memref<128xi32, #tpu.memory_space<vmem>>) semaphore(%arg17 : memref<!tpu.dma_semaphore, #tpu.memory_space<semaphore_mem>>) {add = true}
      %dma_wait3A_144 = arith.constant 0 : i32
      %dma_wait3A_145 = tpu.memref_slice %arg6[%add3A_96, %dma_wait3A_144] : memref<86x128xi32, #tpu.memory_space<vmem>> -> memref<1x128xi32, #tpu.memory_space<vmem>>
      %dma_wait3A_146 = tpu.memref_squeeze %dma_wait3A_145 : memref<1x128xi32, #tpu.memory_space<vmem>> -> memref<128xi32, #tpu.memory_space<vmem>>
      %dma_wait3A_147 = arith.constant 0 : i32
      %dma_wait3A_148 = arith.constant 0 : i32
      %dma_wait3A_149 = tpu.memref_slice %arg2[%dma_wait3A_147, %dma_wait3A_148] : memref<10000x32xf32, #tpu.memory_space<hbm>> -> memref<10000x32xf32, #tpu.memory_space<hbm>>
      tpu.wait_indirect_dma semaphore(%arg15 : memref<!tpu.dma_semaphore, #tpu.memory_space<semaphore_mem>>) src(%dma_wait3A_149 : memref<10000x32xf32, #tpu.memory_space<hbm>>) dst(%arg10 : memref<128x32xf32, #tpu.memory_space<vmem>>)
      %dma_wait3A_150 = arith.constant 0 : i32
      %dma_wait3A_151 = tpu.memref_slice %arg7[%add3A_137, %dma_wait3A_150] : memref<86x128xi32, #tpu.memory_space<vmem>> -> memref<1x128xi32, #tpu.memory_space<vmem>>
      %dma_wait3A_152 = tpu.memref_squeeze %dma_wait3A_151 : memref<1x128xi32, #tpu.memory_space<vmem>> -> memref<128xi32, #tpu.memory_space<vmem>>
      %dma_wait3A_153 = arith.constant 0 : i32
      %dma_wait3A_154 = arith.constant 0 : i32
      %dma_wait3A_155 = tpu.memref_slice %arg12[%dma_wait3A_153, %dma_wait3A_154] : memref<10240x32xf32, #tpu.memory_space<vmem_shared>> -> memref<10240x32xf32, #tpu.memory_space<vmem_shared>>
      tpu.wait_indirect_dma semaphore(%arg17 : memref<!tpu.dma_semaphore, #tpu.memory_space<semaphore_mem>>) src(%arg9 : memref<128x32xf32, #tpu.memory_space<vmem>>) dst(%dma_wait3A_155 : memref<10240x32xf32, #tpu.memory_space<vmem_shared>>)
      %add3A_156 = arith.constant 2 : i32
      %add3A_157 = arith.addi %mul3A_79, %add3A_156 : i32
      %dma_start3A_158 = arith.constant 0 : i32
      %dma_start3A_159 = tpu.memref_slice %arg7[%add3A_157, %dma_start3A_158] : memref<86x128xi32, #tpu.memory_space<vmem>> -> memref<1x128xi32, #tpu.memory_space<vmem>>
      %dma_start3A_160 = tpu.memref_squeeze %dma_start3A_159 : memref<1x128xi32, #tpu.memory_space<vmem>> -> memref<128xi32, #tpu.memory_space<vmem>>
      %dma_start3A_161 = arith.constant 0 : i32
      %dma_start3A_162 = arith.constant 0 : i32
      %dma_start3A_163 = tpu.memref_slice %arg12[%dma_start3A_161, %dma_start3A_162] : memref<10240x32xf32, #tpu.memory_space<vmem_shared>> -> memref<10240x32xf32, #tpu.memory_space<vmem_shared>>
      tpu.enqueue_indirect_dma source(%arg10 : memref<128x32xf32, #tpu.memory_space<vmem>>) target(%dma_start3A_163 : memref<10240x32xf32, #tpu.memory_space<vmem_shared>>) offsets(%dma_start3A_160 : memref<128xi32, #tpu.memory_space<vmem>>) semaphore(%arg17 : memref<!tpu.dma_semaphore, #tpu.memory_space<semaphore_mem>>) {add = true}
      %dma_wait3A_164 = arith.constant 0 : i32
      %dma_wait3A_165 = tpu.memref_slice %arg6[%add3A_104, %dma_wait3A_164] : memref<86x128xi32, #tpu.memory_space<vmem>> -> memref<1x128xi32, #tpu.memory_space<vmem>>
      %dma_wait3A_166 = tpu.memref_squeeze %dma_wait3A_165 : memref<1x128xi32, #tpu.memory_space<vmem>> -> memref<128xi32, #tpu.memory_space<vmem>>
      %dma_wait3A_167 = arith.constant 0 : i32
      %dma_wait3A_168 = arith.constant 0 : i32
      %dma_wait3A_169 = tpu.memref_slice %arg2[%dma_wait3A_167, %dma_wait3A_168] : memref<10000x32xf32, #tpu.memory_space<hbm>> -> memref<10000x32xf32, #tpu.memory_space<hbm>>
      tpu.wait_indirect_dma semaphore(%arg16 : memref<!tpu.dma_semaphore, #tpu.memory_space<semaphore_mem>>) src(%dma_wait3A_169 : memref<10000x32xf32, #tpu.memory_space<hbm>>) dst(%arg11 : memref<128x32xf32, #tpu.memory_space<vmem>>)
      %dma_wait3A_170 = arith.constant 0 : i32
      %dma_wait3A_171 = tpu.memref_slice %arg7[%add3A_157, %dma_wait3A_170] : memref<86x128xi32, #tpu.memory_space<vmem>> -> memref<1x128xi32, #tpu.memory_space<vmem>>
      %dma_wait3A_172 = tpu.memref_squeeze %dma_wait3A_171 : memref<1x128xi32, #tpu.memory_space<vmem>> -> memref<128xi32, #tpu.memory_space<vmem>>
      %dma_wait3A_173 = arith.constant 0 : i32
      %dma_wait3A_174 = arith.constant 0 : i32
      %dma_wait3A_175 = tpu.memref_slice %arg12[%dma_wait3A_173, %dma_wait3A_174] : memref<10240x32xf32, #tpu.memory_space<vmem_shared>> -> memref<10240x32xf32, #tpu.memory_space<vmem_shared>>
      tpu.wait_indirect_dma semaphore(%arg17 : memref<!tpu.dma_semaphore, #tpu.memory_space<semaphore_mem>>) src(%arg10 : memref<128x32xf32, #tpu.memory_space<vmem>>) dst(%dma_wait3A_175 : memref<10240x32xf32, #tpu.memory_space<vmem_shared>>)
      %add3A_176 = arith.constant 3 : i32
      %add3A_177 = arith.addi %mul3A_79, %add3A_176 : i32
      %dma_start3A_178 = arith.constant 0 : i32
      %dma_start3A_179 = tpu.memref_slice %arg7[%add3A_177, %dma_start3A_178] : memref<86x128xi32, #tpu.memory_space<vmem>> -> memref<1x128xi32, #tpu.memory_space<vmem>>
      %dma_start3A_180 = tpu.memref_squeeze %dma_start3A_179 : memref<1x128xi32, #tpu.memory_space<vmem>> -> memref<128xi32, #tpu.memory_space<vmem>>
      %dma_start3A_181 = arith.constant 0 : i32
      %dma_start3A_182 = arith.constant 0 : i32
      %dma_start3A_183 = tpu.memref_slice %arg12[%dma_start3A_181, %dma_start3A_182] : memref<10240x32xf32, #tpu.memory_space<vmem_shared>> -> memref<10240x32xf32, #tpu.memory_space<vmem_shared>>
      tpu.enqueue_indirect_dma source(%arg11 : memref<128x32xf32, #tpu.memory_space<vmem>>) target(%dma_start3A_183 : memref<10240x32xf32, #tpu.memory_space<vmem_shared>>) offsets(%dma_start3A_180 : memref<128xi32, #tpu.memory_space<vmem>>) semaphore(%arg17 : memref<!tpu.dma_semaphore, #tpu.memory_space<semaphore_mem>>) {add = true}
      %dma_wait3A_184 = arith.constant 0 : i32
      %dma_wait3A_185 = tpu.memref_slice %arg7[%add3A_177, %dma_wait3A_184] : memref<86x128xi32, #tpu.memory_space<vmem>> -> memref<1x128xi32, #tpu.memory_space<vmem>>
      %dma_wait3A_186 = tpu.memref_squeeze %dma_wait3A_185 : memref<1x128xi32, #tpu.memory_space<vmem>> -> memref<128xi32, #tpu.memory_space<vmem>>
      %dma_wait3A_187 = arith.constant 0 : i32
      %dma_wait3A_188 = arith.constant 0 : i32
      %dma_wait3A_189 = tpu.memref_slice %arg12[%dma_wait3A_187, %dma_wait3A_188] : memref<10240x32xf32, #tpu.memory_space<vmem_shared>> -> memref<10240x32xf32, #tpu.memory_space<vmem_shared>>
      tpu.wait_indirect_dma semaphore(%arg17 : memref<!tpu.dma_semaphore, #tpu.memory_space<semaphore_mem>>) src(%arg11 : memref<128x32xf32, #tpu.memory_space<vmem>>) dst(%dma_wait3A_189 : memref<10240x32xf32, #tpu.memory_space<vmem_shared>>)
    }
    %while3A_64 = arith.constant 1 : i32
    scf.for %while3A_77 = %while3A_62 to %while3A_58 step %while3A_64  : i32 {
      %mul3A_78 = arith.constant 4 : i32
      %mul3A_79 = arith.muli %while3A_77, %mul3A_78 : i32
      %add3A_80 = arith.constant 0 : i32
      %add3A_81 = arith.addi %mul3A_79, %add3A_80 : i32
      %dma_start3A = arith.constant 0 : i32
      %dma_start3A_82 = tpu.memref_slice %arg6[%add3A_81, %dma_start3A] : memref<86x128xi32, #tpu.memory_space<vmem>> -> memref<1x128xi32, #tpu.memory_space<vmem>>
      %dma_start3A_83 = tpu.memref_squeeze %dma_start3A_82 : memref<1x128xi32, #tpu.memory_space<vmem>> -> memref<128xi32, #tpu.memory_space<vmem>>
      %dma_start3A_84 = arith.constant 0 : i32
      %dma_start3A_85 = arith.constant 0 : i32
      %dma_start3A_86 = tpu.memref_slice %arg2[%dma_start3A_84, %dma_start3A_85] : memref<10000x32xf32, #tpu.memory_space<hbm>> -> memref<10000x32xf32, #tpu.memory_space<hbm>>
      tpu.enqueue_indirect_dma source(%dma_start3A_86 : memref<10000x32xf32, #tpu.memory_space<hbm>>) target(%arg8 : memref<128x32xf32, #tpu.memory_space<vmem>>) offsets(%dma_start3A_83 : memref<128xi32, #tpu.memory_space<vmem>>) semaphore(%arg13 : memref<!tpu.dma_semaphore, #tpu.memory_space<semaphore_mem>>)
      %add3A_87 = arith.constant 1 : i32
      %add3A_88 = arith.addi %mul3A_79, %add3A_87 : i32
      %dma_start3A_89 = arith.constant 0 : i32
      %dma_start3A_90 = tpu.memref_slice %arg6[%add3A_88, %dma_start3A_89] : memref<86x128xi32, #tpu.memory_space<vmem>> -> memref<1x128xi32, #tpu.memory_space<vmem>>
      %dma_start3A_91 = tpu.memref_squeeze %dma_start3A_90 : memref<1x128xi32, #tpu.memory_space<vmem>> -> memref<128xi32, #tpu.memory_space<vmem>>
      %dma_start3A_92 = arith.constant 0 : i32
      %dma_start3A_93 = arith.constant 0 : i32
      %dma_start3A_94 = tpu.memref_slice %arg2[%dma_start3A_92, %dma_start3A_93] : memref<10000x32xf32, #tpu.memory_space<hbm>> -> memref<10000x32xf32, #tpu.memory_space<hbm>>
      tpu.enqueue_indirect_dma source(%dma_start3A_94 : memref<10000x32xf32, #tpu.memory_space<hbm>>) target(%arg9 : memref<128x32xf32, #tpu.memory_space<vmem>>) offsets(%dma_start3A_91 : memref<128xi32, #tpu.memory_space<vmem>>) semaphore(%arg14 : memref<!tpu.dma_semaphore, #tpu.memory_space<semaphore_mem>>)
      %add3A_95 = arith.constant 2 : i32
      %add3A_96 = arith.addi %mul3A_79, %add3A_95 : i32
      %dma_start3A_97 = arith.constant 0 : i32
      %dma_start3A_98 = tpu.memref_slice %arg6[%add3A_96, %dma_start3A_97] : memref<86x128xi32, #tpu.memory_space<vmem>> -> memref<1x128xi32, #tpu.memory_space<vmem>>
      %dma_start3A_99 = tpu.memref_squeeze %dma_start3A_98 : memref<1x128xi32, #tpu.memory_space<vmem>> -> memref<128xi32, #tpu.memory_space<vmem>>
      %dma_start3A_100 = arith.constant 0 : i32
      %dma_start3A_101 = arith.constant 0 : i32
      %dma_start3A_102 = tpu.memref_slice %arg2[%dma_start3A_100, %dma_start3A_101] : memref<10000x32xf32, #tpu.memory_space<hbm>> -> memref<10000x32xf32, #tpu.memory_space<hbm>>
      tpu.enqueue_indirect_dma source(%dma_start3A_102 : memref<10000x32xf32, #tpu.memory_space<hbm>>) target(%arg10 : memref<128x32xf32, #tpu.memory_space<vmem>>) offsets(%dma_start3A_99 : memref<128xi32, #tpu.memory_space<vmem>>) semaphore(%arg15 : memref<!tpu.dma_semaphore, #tpu.memory_space<semaphore_mem>>)
      %add3A_103 = arith.constant 3 : i32
      %add3A_104 = arith.addi %mul3A_79, %add3A_103 : i32
      %dma_start3A_105 = arith.constant 0 : i32
      %dma_start3A_106 = tpu.memref_slice %arg6[%add3A_104, %dma_start3A_105] : memref<86x128xi32, #tpu.memory_space<vmem>> -> memref<1x128xi32, #tpu.memory_space<vmem>>
      %dma_start3A_107 = tpu.memref_squeeze %dma_start3A_106 : memref<1x128xi32, #tpu.memory_space<vmem>> -> memref<128xi32, #tpu.memory_space<vmem>>
      %dma_start3A_108 = arith.constant 0 : i32
      %dma_start3A_109 = arith.constant 0 : i32
      %dma_start3A_110 = tpu.memref_slice %arg2[%dma_start3A_108, %dma_start3A_109] : memref<10000x32xf32, #tpu.memory_space<hbm>> -> memref<10000x32xf32, #tpu.memory_space<hbm>>
      tpu.enqueue_indirect_dma source(%dma_start3A_110 : memref<10000x32xf32, #tpu.memory_space<hbm>>) target(%arg11 : memref<128x32xf32, #tpu.memory_space<vmem>>) offsets(%dma_start3A_107 : memref<128xi32, #tpu.memory_space<vmem>>) semaphore(%arg16 : memref<!tpu.dma_semaphore, #tpu.memory_space<semaphore_mem>>)
      %dma_wait3A = arith.constant 0 : i32
      %dma_wait3A_111 = tpu.memref_slice %arg6[%add3A_81, %dma_wait3A] : memref<86x128xi32, #tpu.memory_space<vmem>> -> memref<1x128xi32, #tpu.memory_space<vmem>>
      %dma_wait3A_112 = tpu.memref_squeeze %dma_wait3A_111 : memref<1x128xi32, #tpu.memory_space<vmem>> -> memref<128xi32, #tpu.memory_space<vmem>>
      %dma_wait3A_113 = arith.constant 0 : i32
      %dma_wait3A_114 = arith.constant 0 : i32
      %dma_wait3A_115 = tpu.memref_slice %arg2[%dma_wait3A_113, %dma_wait3A_114] : memref<10000x32xf32, #tpu.memory_space<hbm>> -> memref<10000x32xf32, #tpu.memory_space<hbm>>
      tpu.wait_indirect_dma semaphore(%arg13 : memref<!tpu.dma_semaphore, #tpu.memory_space<semaphore_mem>>) src(%dma_wait3A_115 : memref<10000x32xf32, #tpu.memory_space<hbm>>) dst(%arg8 : memref<128x32xf32, #tpu.memory_space<vmem>>)
      %add3A_116 = arith.constant 0 : i32
      %add3A_117 = arith.addi %mul3A_79, %add3A_116 : i32
      %dma_start3A_118 = arith.constant 0 : i32
      %dma_start3A_119 = tpu.memref_slice %arg7[%add3A_117, %dma_start3A_118] : memref<86x128xi32, #tpu.memory_space<vmem>> -> memref<1x128xi32, #tpu.memory_space<vmem>>
      %dma_start3A_120 = tpu.memref_squeeze %dma_start3A_119 : memref<1x128xi32, #tpu.memory_space<vmem>> -> memref<128xi32, #tpu.memory_space<vmem>>
      %dma_start3A_121 = arith.constant 0 : i32
      %dma_start3A_122 = arith.constant 0 : i32
      %dma_start3A_123 = tpu.memref_slice %arg12[%dma_start3A_121, %dma_start3A_122] : memref<10240x32xf32, #tpu.memory_space<vmem_shared>> -> memref<10240x32xf32, #tpu.memory_space<vmem_shared>>
      tpu.enqueue_indirect_dma source(%arg8 : memref<128x32xf32, #tpu.memory_space<vmem>>) target(%dma_start3A_123 : memref<10240x32xf32, #tpu.memory_space<vmem_shared>>) offsets(%dma_start3A_120 : memref<128xi32, #tpu.memory_space<vmem>>) semaphore(%arg17 : memref<!tpu.dma_semaphore, #tpu.memory_space<semaphore_mem>>) {add = true}
      %dma_wait3A_124 = arith.constant 0 : i32
      %dma_wait3A_125 = tpu.memref_slice %arg6[%add3A_88, %dma_wait3A_124] : memref<86x128xi32, #tpu.memory_space<vmem>> -> memref<1x128xi32, #tpu.memory_space<vmem>>
      %dma_wait3A_126 = tpu.memref_squeeze %dma_wait3A_125 : memref<1x128xi32, #tpu.memory_space<vmem>> -> memref<128xi32, #tpu.memory_space<vmem>>
      %dma_wait3A_127 = arith.constant 0 : i32
      %dma_wait3A_128 = arith.constant 0 : i32
      %dma_wait3A_129 = tpu.memref_slice %arg2[%dma_wait3A_127, %dma_wait3A_128] : memref<10000x32xf32, #tpu.memory_space<hbm>> -> memref<10000x32xf32, #tpu.memory_space<hbm>>
      tpu.wait_indirect_dma semaphore(%arg14 : memref<!tpu.dma_semaphore, #tpu.memory_space<semaphore_mem>>) src(%dma_wait3A_129 : memref<10000x32xf32, #tpu.memory_space<hbm>>) dst(%arg9 : memref<128x32xf32, #tpu.memory_space<vmem>>)
      %dma_wait3A_130 = arith.constant 0 : i32
      %dma_wait3A_131 = tpu.memref_slice %arg7[%add3A_117, %dma_wait3A_130] : memref<86x128xi32, #tpu.memory_space<vmem>> -> memref<1x128xi32, #tpu.memory_space<vmem>>
      %dma_wait3A_132 = tpu.memref_squeeze %dma_wait3A_131 : memref<1x128xi32, #tpu.memory_space<vmem>> -> memref<128xi32, #tpu.memory_space<vmem>>
      %dma_wait3A_133 = arith.constant 0 : i32
      %dma_wait3A_134 = arith.constant 0 : i32
      %dma_wait3A_135 = tpu.memref_slice %arg12[%dma_wait3A_133, %dma_wait3A_134] : memref<10240x32xf32, #tpu.memory_space<vmem_shared>> -> memref<10240x32xf32, #tpu.memory_space<vmem_shared>>
      tpu.wait_indirect_dma semaphore(%arg17 : memref<!tpu.dma_semaphore, #tpu.memory_space<semaphore_mem>>) src(%arg8 : memref<128x32xf32, #tpu.memory_space<vmem>>) dst(%dma_wait3A_135 : memref<10240x32xf32, #tpu.memory_space<vmem_shared>>)
      %add3A_136 = arith.constant 1 : i32
      %add3A_137 = arith.addi %mul3A_79, %add3A_136 : i32
      %dma_start3A_138 = arith.constant 0 : i32
      %dma_start3A_139 = tpu.memref_slice %arg7[%add3A_137, %dma_start3A_138] : memref<86x128xi32, #tpu.memory_space<vmem>> -> memref<1x128xi32, #tpu.memory_space<vmem>>
      %dma_start3A_140 = tpu.memref_squeeze %dma_start3A_139 : memref<1x128xi32, #tpu.memory_space<vmem>> -> memref<128xi32, #tpu.memory_space<vmem>>
      %dma_start3A_141 = arith.constant 0 : i32
      %dma_start3A_142 = arith.constant 0 : i32
      %dma_start3A_143 = tpu.memref_slice %arg12[%dma_start3A_141, %dma_start3A_142] : memref<10240x32xf32, #tpu.memory_space<vmem_shared>> -> memref<10240x32xf32, #tpu.memory_space<vmem_shared>>
      tpu.enqueue_indirect_dma source(%arg9 : memref<128x32xf32, #tpu.memory_space<vmem>>) target(%dma_start3A_143 : memref<10240x32xf32, #tpu.memory_space<vmem_shared>>) offsets(%dma_start3A_140 : memref<128xi32, #tpu.memory_space<vmem>>) semaphore(%arg17 : memref<!tpu.dma_semaphore, #tpu.memory_space<semaphore_mem>>) {add = true}
      %dma_wait3A_144 = arith.constant 0 : i32
      %dma_wait3A_145 = tpu.memref_slice %arg6[%add3A_96, %dma_wait3A_144] : memref<86x128xi32, #tpu.memory_space<vmem>> -> memref<1x128xi32, #tpu.memory_space<vmem>>
      %dma_wait3A_146 = tpu.memref_squeeze %dma_wait3A_145 : memref<1x128xi32, #tpu.memory_space<vmem>> -> memref<128xi32, #tpu.memory_space<vmem>>
      %dma_wait3A_147 = arith.constant 0 : i32
      %dma_wait3A_148 = arith.constant 0 : i32
      %dma_wait3A_149 = tpu.memref_slice %arg2[%dma_wait3A_147, %dma_wait3A_148] : memref<10000x32xf32, #tpu.memory_space<hbm>> -> memref<10000x32xf32, #tpu.memory_space<hbm>>
      tpu.wait_indirect_dma semaphore(%arg15 : memref<!tpu.dma_semaphore, #tpu.memory_space<semaphore_mem>>) src(%dma_wait3A_149 : memref<10000x32xf32, #tpu.memory_space<hbm>>) dst(%arg10 : memref<128x32xf32, #tpu.memory_space<vmem>>)
      %dma_wait3A_150 = arith.constant 0 : i32
      %dma_wait3A_151 = tpu.memref_slice %arg7[%add3A_137, %dma_wait3A_150] : memref<86x128xi32, #tpu.memory_space<vmem>> -> memref<1x128xi32, #tpu.memory_space<vmem>>
      %dma_wait3A_152 = tpu.memref_squeeze %dma_wait3A_151 : memref<1x128xi32, #tpu.memory_space<vmem>> -> memref<128xi32, #tpu.memory_space<vmem>>
      %dma_wait3A_153 = arith.constant 0 : i32
      %dma_wait3A_154 = arith.constant 0 : i32
      %dma_wait3A_155 = tpu.memref_slice %arg12[%dma_wait3A_153, %dma_wait3A_154] : memref<10240x32xf32, #tpu.memory_space<vmem_shared>> -> memref<10240x32xf32, #tpu.memory_space<vmem_shared>>
      tpu.wait_indirect_dma semaphore(%arg17 : memref<!tpu.dma_semaphore, #tpu.memory_space<semaphore_mem>>) src(%arg9 : memref<128x32xf32, #tpu.memory_space<vmem>>) dst(%dma_wait3A_155 : memref<10240x32xf32, #tpu.memory_space<vmem_shared>>)
      %add3A_156 = arith.constant 2 : i32
      %add3A_157 = arith.addi %mul3A_79, %add3A_156 : i32
      %dma_start3A_158 = arith.constant 0 : i32
      %dma_start3A_159 = tpu.memref_slice %arg7[%add3A_157, %dma_start3A_158] : memref<86x128xi32, #tpu.memory_space<vmem>> -> memref<1x128xi32, #tpu.memory_space<vmem>>
      %dma_start3A_160 = tpu.memref_squeeze %dma_start3A_159 : memref<1x128xi32, #tpu.memory_space<vmem>> -> memref<128xi32, #tpu.memory_space<vmem>>
      %dma_start3A_161 = arith.constant 0 : i32
      %dma_start3A_162 = arith.constant 0 : i32
      %dma_start3A_163 = tpu.memref_slice %arg12[%dma_start3A_161, %dma_start3A_162] : memref<10240x32xf32, #tpu.memory_space<vmem_shared>> -> memref<10240x32xf32, #tpu.memory_space<vmem_shared>>
      tpu.enqueue_indirect_dma source(%arg10 : memref<128x32xf32, #tpu.memory_space<vmem>>) target(%dma_start3A_163 : memref<10240x32xf32, #tpu.memory_space<vmem_shared>>) offsets(%dma_start3A_160 : memref<128xi32, #tpu.memory_space<vmem>>) semaphore(%arg17 : memref<!tpu.dma_semaphore, #tpu.memory_space<semaphore_mem>>) {add = true}
      %dma_wait3A_164 = arith.constant 0 : i32
      %dma_wait3A_165 = tpu.memref_slice %arg6[%add3A_104, %dma_wait3A_164] : memref<86x128xi32, #tpu.memory_space<vmem>> -> memref<1x128xi32, #tpu.memory_space<vmem>>
      %dma_wait3A_166 = tpu.memref_squeeze %dma_wait3A_165 : memref<1x128xi32, #tpu.memory_space<vmem>> -> memref<128xi32, #tpu.memory_space<vmem>>
      %dma_wait3A_167 = arith.constant 0 : i32
      %dma_wait3A_168 = arith.constant 0 : i32
      %dma_wait3A_169 = tpu.memref_slice %arg2[%dma_wait3A_167, %dma_wait3A_168] : memref<10000x32xf32, #tpu.memory_space<hbm>> -> memref<10000x32xf32, #tpu.memory_space<hbm>>
      tpu.wait_indirect_dma semaphore(%arg16 : memref<!tpu.dma_semaphore, #tpu.memory_space<semaphore_mem>>) src(%dma_wait3A_169 : memref<10000x32xf32, #tpu.memory_space<hbm>>) dst(%arg11 : memref<128x32xf32, #tpu.memory_space<vmem>>)
      %dma_wait3A_170 = arith.constant 0 : i32
      %dma_wait3A_171 = tpu.memref_slice %arg7[%add3A_157, %dma_wait3A_170] : memref<86x128xi32, #tpu.memory_space<vmem>> -> memref<1x128xi32, #tpu.memory_space<vmem>>
      %dma_wait3A_172 = tpu.memref_squeeze %dma_wait3A_171 : memref<1x128xi32, #tpu.memory_space<vmem>> -> memref<128xi32, #tpu.memory_space<vmem>>
      %dma_wait3A_173 = arith.constant 0 : i32
      %dma_wait3A_174 = arith.constant 0 : i32
      %dma_wait3A_175 = tpu.memref_slice %arg12[%dma_wait3A_173, %dma_wait3A_174] : memref<10240x32xf32, #tpu.memory_space<vmem_shared>> -> memref<10240x32xf32, #tpu.memory_space<vmem_shared>>
      tpu.wait_indirect_dma semaphore(%arg17 : memref<!tpu.dma_semaphore, #tpu.memory_space<semaphore_mem>>) src(%arg10 : memref<128x32xf32, #tpu.memory_space<vmem>>) dst(%dma_wait3A_175 : memref<10240x32xf32, #tpu.memory_space<vmem_shared>>)
      %add3A_176 = arith.constant 3 : i32
      %add3A_177 = arith.addi %mul3A_79, %add3A_176 : i32
      %dma_start3A_178 = arith.constant 0 : i32
      %dma_start3A_179 = tpu.memref_slice %arg7[%add3A_177, %dma_start3A_178] : memref<86x128xi32, #tpu.memory_space<vmem>> -> memref<1x128xi32, #tpu.memory_space<vmem>>
      %dma_start3A_180 = tpu.memref_squeeze %dma_start3A_179 : memref<1x128xi32, #tpu.memory_space<vmem>> -> memref<128xi32, #tpu.memory_space<vmem>>
      %dma_start3A_181 = arith.constant 0 : i32
      %dma_start3A_182 = arith.constant 0 : i32
      %dma_start3A_183 = tpu.memref_slice %arg12[%dma_start3A_181, %dma_start3A_182] : memref<10240x32xf32, #tpu.memory_space<vmem_shared>> -> memref<10240x32xf32, #tpu.memory_space<vmem_shared>>
      tpu.enqueue_indirect_dma source(%arg11 : memref<128x32xf32, #tpu.memory_space<vmem>>) target(%dma_start3A_183 : memref<10240x32xf32, #tpu.memory_space<vmem_shared>>) offsets(%dma_start3A_180 : memref<128xi32, #tpu.memory_space<vmem>>) semaphore(%arg17 : memref<!tpu.dma_semaphore, #tpu.memory_space<semaphore_mem>>) {add = true}
      %dma_wait3A_184 = arith.constant 0 : i32
      %dma_wait3A_185 = tpu.memref_slice %arg7[%add3A_177, %dma_wait3A_184] : memref<86x128xi32, #tpu.memory_space<vmem>> -> memref<1x128xi32, #tpu.memory_space<vmem>>
      %dma_wait3A_186 = tpu.memref_squeeze %dma_wait3A_185 : memref<1x128xi32, #tpu.memory_space<vmem>> -> memref<128xi32, #tpu.memory_space<vmem>>
      %dma_wait3A_187 = arith.constant 0 : i32
      %dma_wait3A_188 = arith.constant 0 : i32
      %dma_wait3A_189 = tpu.memref_slice %arg12[%dma_wait3A_187, %dma_wait3A_188] : memref<10240x32xf32, #tpu.memory_space<vmem_shared>> -> memref<10240x32xf32, #tpu.memory_space<vmem_shared>>
      tpu.wait_indirect_dma semaphore(%arg17 : memref<!tpu.dma_semaphore, #tpu.memory_space<semaphore_mem>>) src(%arg11 : memref<128x32xf32, #tpu.memory_space<vmem>>) dst(%dma_wait3A_189 : memref<10240x32xf32, #tpu.memory_space<vmem_shared>>)
    }
    %mul3A_65 = arith.constant 4 : i32
    %mul3A_66 = arith.muli %select_n3A_55, %mul3A_65 : i32
    %while3A_67 = arith.constant 0 : i32
    %while3A_68 = arith.subi %select_n3A_16, %mul3A_66 : i32
    %while3A_69 = arith.addi %mul3A_66, %while3A_68 : i32
    %while3A_70 = arith.constant 1 : i32
    %while3A_71 = arith.divsi %while3A_68, %while3A_70 : i32
    %while3A_72 = arith.muli %while3A_71, %while3A_70 : i32
    %while3A_73 = arith.addi %mul3A_66, %while3A_72 : i32
    %while3A_74 = arith.constant 1 : i32
    scf.for %while3A_77 = %mul3A_66 to %while3A_73 step %while3A_74  : i32 {
      %dma_start3A = arith.constant 0 : i32
      %dma_start3A_78 = tpu.memref_slice %arg6[%while3A_77, %dma_start3A] : memref<86x128xi32, #tpu.memory_space<vmem>> -> memref<1x128xi32, #tpu.memory_space<vmem>>
      %dma_start3A_79 = tpu.memref_squeeze %dma_start3A_78 : memref<1x128xi32, #tpu.memory_space<vmem>> -> memref<128xi32, #tpu.memory_space<vmem>>
      %dma_start3A_80 = arith.constant 0 : i32
      %dma_start3A_81 = arith.constant 0 : i32
      %dma_start3A_82 = tpu.memref_slice %arg2[%dma_start3A_80, %dma_start3A_81] : memref<10000x32xf32, #tpu.memory_space<hbm>> -> memref<10000x32xf32, #tpu.memory_space<hbm>>
      tpu.enqueue_indirect_dma source(%dma_start3A_82 : memref<10000x32xf32, #tpu.memory_space<hbm>>) target(%arg8 : memref<128x32xf32, #tpu.memory_space<vmem>>) offsets(%dma_start3A_79 : memref<128xi32, #tpu.memory_space<vmem>>) semaphore(%arg13 : memref<!tpu.dma_semaphore, #tpu.memory_space<semaphore_mem>>)
      %dma_wait3A = arith.constant 0 : i32
      %dma_wait3A_83 = tpu.memref_slice %arg6[%while3A_77, %dma_wait3A] : memref<86x128xi32, #tpu.memory_space<vmem>> -> memref<1x128xi32, #tpu.memory_space<vmem>>
      %dma_wait3A_84 = tpu.memref_squeeze %dma_wait3A_83 : memref<1x128xi32, #tpu.memory_space<vmem>> -> memref<128xi32, #tpu.memory_space<vmem>>
      %dma_wait3A_85 = arith.constant 0 : i32
      %dma_wait3A_86 = arith.constant 0 : i32
      %dma_wait3A_87 = tpu.memref_slice %arg2[%dma_wait3A_85, %dma_wait3A_86] : memref<10000x32xf32, #tpu.memory_space<hbm>> -> memref<10000x32xf32, #tpu.memory_space<hbm>>
      tpu.wait_indirect_dma semaphore(%arg13 : memref<!tpu.dma_semaphore, #tpu.memory_space<semaphore_mem>>) src(%dma_wait3A_87 : memref<10000x32xf32, #tpu.memory_space<hbm>>) dst(%arg8 : memref<128x32xf32, #tpu.memory_space<vmem>>)
      %dma_start3A_88 = arith.constant 0 : i32
      %dma_start3A_89 = tpu.memref_slice %arg7[%while3A_77, %dma_start3A_88] : memref<86x128xi32, #tpu.memory_space<vmem>> -> memref<1x128xi32, #tpu.memory_space<vmem>>
      %dma_start3A_90 = tpu.memref_squeeze %dma_start3A_89 : memref<1x128xi32, #tpu.memory_space<vmem>> -> memref<128xi32, #tpu.memory_space<vmem>>
      %dma_start3A_91 = arith.constant 0 : i32
      %dma_start3A_92 = arith.constant 0 : i32
      %dma_start3A_93 = tpu.memref_slice %arg12[%dma_start3A_91, %dma_start3A_92] : memref<10240x32xf32, #tpu.memory_space<vmem_shared>> -> memref<10240x32xf32, #tpu.memory_space<vmem_shared>>
      tpu.enqueue_indirect_dma source(%arg8 : memref<128x32xf32, #tpu.memory_space<vmem>>) target(%dma_start3A_93 : memref<10240x32xf32, #tpu.memory_space<vmem_shared>>) offsets(%dma_start3A_90 : memref<128xi32, #tpu.memory_space<vmem>>) semaphore(%arg17 : memref<!tpu.dma_semaphore, #tpu.memory_space<semaphore_mem>>) {add = true}
      %dma_wait3A_94 = arith.constant 0 : i32
      %dma_wait3A_95 = tpu.memref_slice %arg7[%while3A_77, %dma_wait3A_94] : memref<86x128xi32, #tpu.memory_space<vmem>> -> memref<1x128xi32, #tpu.memory_space<vmem>>
      %dma_wait3A_96 = tpu.memref_squeeze %dma_wait3A_95 : memref<1x128xi32, #tpu.memory_space<vmem>> -> memref<128xi32, #tpu.memory_space<vmem>>
      %dma_wait3A_97 = arith.constant 0 : i32
      %dma_wait3A_98 = arith.constant 0 : i32
      %dma_wait3A_99 = tpu.memref_slice %arg12[%dma_wait3A_97, %dma_wait3A_98] : memref<10240x32xf32, #tpu.memory_space<vmem_shared>> -> memref<10240x32xf32, #tpu.memory_space<vmem_shared>>
      tpu.wait_indirect_dma semaphore(%arg17 : memref<!tpu.dma_semaphore, #tpu.memory_space<semaphore_mem>>) src(%arg8 : memref<128x32xf32, #tpu.memory_space<vmem>>) dst(%dma_wait3A_99 : memref<10240x32xf32, #tpu.memory_space<vmem_shared>>)
    }
    %while3A_75 = arith.constant 1 : i32
    scf.for %while3A_77 = %while3A_73 to %while3A_69 step %while3A_75  : i32 {
      %dma_start3A = arith.constant 0 : i32
      %dma_start3A_78 = tpu.memref_slice %arg6[%while3A_77, %dma_start3A] : memref<86x128xi32, #tpu.memory_space<vmem>> -> memref<1x128xi32, #tpu.memory_space<vmem>>
      %dma_start3A_79 = tpu.memref_squeeze %dma_start3A_78 : memref<1x128xi32, #tpu.memory_space<vmem>> -> memref<128xi32, #tpu.memory_space<vmem>>
      %dma_start3A_80 = arith.constant 0 : i32
      %dma_start3A_81 = arith.constant 0 : i32
      %dma_start3A_82 = tpu.memref_slice %arg2[%dma_start3A_80, %dma_start3A_81] : memref<10000x32xf32, #tpu.memory_space<hbm>> -> memref<10000x32xf32, #tpu.memory_space<hbm>>
      tpu.enqueue_indirect_dma source(%dma_start3A_82 : memref<10000x32xf32, #tpu.memory_space<hbm>>) target(%arg8 : memref<128x32xf32, #tpu.memory_space<vmem>>) offsets(%dma_start3A_79 : memref<128xi32, #tpu.memory_space<vmem>>) semaphore(%arg13 : memref<!tpu.dma_semaphore, #tpu.memory_space<semaphore_mem>>)
      %dma_wait3A = arith.constant 0 : i32
      %dma_wait3A_83 = tpu.memref_slice %arg6[%while3A_77, %dma_wait3A] : memref<86x128xi32, #tpu.memory_space<vmem>> -> memref<1x128xi32, #tpu.memory_space<vmem>>
      %dma_wait3A_84 = tpu.memref_squeeze %dma_wait3A_83 : memref<1x128xi32, #tpu.memory_space<vmem>> -> memref<128xi32, #tpu.memory_space<vmem>>
      %dma_wait3A_85 = arith.constant 0 : i32
      %dma_wait3A_86 = arith.constant 0 : i32
      %dma_wait3A_87 = tpu.memref_slice %arg2[%dma_wait3A_85, %dma_wait3A_86] : memref<10000x32xf32, #tpu.memory_space<hbm>> -> memref<10000x32xf32, #tpu.memory_space<hbm>>
      tpu.wait_indirect_dma semaphore(%arg13 : memref<!tpu.dma_semaphore, #tpu.memory_space<semaphore_mem>>) src(%dma_wait3A_87 : memref<10000x32xf32, #tpu.memory_space<hbm>>) dst(%arg8 : memref<128x32xf32, #tpu.memory_space<vmem>>)
      %dma_start3A_88 = arith.constant 0 : i32
      %dma_start3A_89 = tpu.memref_slice %arg7[%while3A_77, %dma_start3A_88] : memref<86x128xi32, #tpu.memory_space<vmem>> -> memref<1x128xi32, #tpu.memory_space<vmem>>
      %dma_start3A_90 = tpu.memref_squeeze %dma_start3A_89 : memref<1x128xi32, #tpu.memory_space<vmem>> -> memref<128xi32, #tpu.memory_space<vmem>>
      %dma_start3A_91 = arith.constant 0 : i32
      %dma_start3A_92 = arith.constant 0 : i32
      %dma_start3A_93 = tpu.memref_slice %arg12[%dma_start3A_91, %dma_start3A_92] : memref<10240x32xf32, #tpu.memory_space<vmem_shared>> -> memref<10240x32xf32, #tpu.memory_space<vmem_shared>>
      tpu.enqueue_indirect_dma source(%arg8 : memref<128x32xf32, #tpu.memory_space<vmem>>) target(%dma_start3A_93 : memref<10240x32xf32, #tpu.memory_space<vmem_shared>>) offsets(%dma_start3A_90 : memref<128xi32, #tpu.memory_space<vmem>>) semaphore(%arg17 : memref<!tpu.dma_semaphore, #tpu.memory_space<semaphore_mem>>) {add = true}
      %dma_wait3A_94 = arith.constant 0 : i32
      %dma_wait3A_95 = tpu.memref_slice %arg7[%while3A_77, %dma_wait3A_94] : memref<86x128xi32, #tpu.memory_space<vmem>> -> memref<1x128xi32, #tpu.memory_space<vmem>>
      %dma_wait3A_96 = tpu.memref_squeeze %dma_wait3A_95 : memref<1x128xi32, #tpu.memory_space<vmem>> -> memref<128xi32, #tpu.memory_space<vmem>>
      %dma_wait3A_97 = arith.constant 0 : i32
      %dma_wait3A_98 = arith.constant 0 : i32
      %dma_wait3A_99 = tpu.memref_slice %arg12[%dma_wait3A_97, %dma_wait3A_98] : memref<10240x32xf32, #tpu.memory_space<vmem_shared>> -> memref<10240x32xf32, #tpu.memory_space<vmem_shared>>
      tpu.wait_indirect_dma semaphore(%arg17 : memref<!tpu.dma_semaphore, #tpu.memory_space<semaphore_mem>>) src(%arg8 : memref<128x32xf32, #tpu.memory_space<vmem>>) dst(%dma_wait3A_99 : memref<10240x32xf32, #tpu.memory_space<vmem_shared>>)
    }
    %barrier3A_76 = arith.constant 0 : index
    tpu.barrier barrier_id(%barrier3A_76)
    "tpu.region"() ({
      %run_scoped3A = tpu.sem_alloc : memref<!tpu.dma_semaphore, #tpu.memory_space<semaphore_mem>>
      %dma_start3A = arith.constant 0 : i32
      %dma_start3A_77 = tpu.memref_slice %arg5[%arg0, %mul3A_0, %dma_start3A] : memref<2x10240x32xf32, #tpu.memory_space<hbm>> -> memref<1x640x32xf32, #tpu.memory_space<hbm>>
      %dma_start3A_78 = tpu.memref_squeeze %dma_start3A_77 : memref<1x640x32xf32, #tpu.memory_space<hbm>> -> memref<640x32xf32, #tpu.memory_space<hbm>>
      %dma_start3A_79 = arith.constant 0 : i32
      %dma_start3A_80 = tpu.memref_slice %arg12[%mul3A_0, %dma_start3A_79] : memref<10240x32xf32, #tpu.memory_space<vmem_shared>> -> memref<640x32xf32, #tpu.memory_space<vmem_shared>>
      tpu.enqueue_dma source(%dma_start3A_80 : memref<640x32xf32, #tpu.memory_space<vmem_shared>>) target(%dma_start3A_78 : memref<640x32xf32, #tpu.memory_space<hbm>>) target_semaphore(%run_scoped3A : memref<!tpu.dma_semaphore, #tpu.memory_space<semaphore_mem>>)
      %dma_wait3A = arith.constant 0 : i32
      %dma_wait3A_81 = tpu.memref_slice %arg5[%arg0, %mul3A_0, %dma_wait3A] : memref<2x10240x32xf32, #tpu.memory_space<hbm>> -> memref<1x640x32xf32, #tpu.memory_space<hbm>>
      %dma_wait3A_82 = tpu.memref_squeeze %dma_wait3A_81 : memref<1x640x32xf32, #tpu.memory_space<hbm>> -> memref<640x32xf32, #tpu.memory_space<hbm>>
      %dma_wait3A_83 = arith.constant 0 : i32
      %dma_wait3A_84 = tpu.memref_slice %arg12[%mul3A_0, %dma_wait3A_83] : memref<10240x32xf32, #tpu.memory_space<vmem_shared>> -> memref<640x32xf32, #tpu.memory_space<vmem_shared>>
      tpu.wait_dma2 semaphore(%run_scoped3A : memref<!tpu.dma_semaphore, #tpu.memory_space<semaphore_mem>>) src(%dma_wait3A_84 : memref<640x32xf32, #tpu.memory_space<vmem_shared>>) dst(%dma_wait3A_82 : memref<640x32xf32, #tpu.memory_space<hbm>>)
      tpu.yield
    }) : () -> ()
    return
  }
}

module attributes {stable_mosaic.version = 14 : i64} {
  func.func @body(%arg0: memref<10000x128xf32, #tpu.memory_space<vmem>>, %arg1: memref<128x64xf32, #tpu.memory_space<vmem>>, %arg2: memref<10000x64xf32, #tpu.memory_space<vmem>>) attributes {dimension_semantics = [], scalar_prefetch = 0 : i64, scratch_operands = 0 : i64, tpu.core_type = #tpu.core_type<tc>} {
    %get3A = arith.constant 0 : index
    %get3A_0 = arith.constant 0 : index
    %get3A_1 = vector.load %arg0[%get3A, %get3A_0] : memref<10000x128xf32, #tpu.memory_space<vmem>>, vector<10000x128xf32>
    %get3A_2 = arith.constant 0 : index
    %get3A_3 = arith.constant 0 : index
    %get3A_4 = vector.load %arg1[%get3A_2, %get3A_3] : memref<128x64xf32, #tpu.memory_space<vmem>>, vector<128x64xf32>
    %dot_general3A = arith.constant dense<0.000000e+00> : vector<10000x64xf32>
    %dot_general3A_5 = tpu.matmul %get3A_1, %get3A_4, %dot_general3A {dimension_numbers = #tpu.dot_dimension_numbers<[1], [0], [0], [1], [0, 0, 1, 1], [], []>, transpose_lhs_hint = false} : vector<10000x128xf32>, vector<128x64xf32>, vector<10000x64xf32> -> vector<10000x64xf32>
    %swap3A = arith.constant 0 : index
    %swap3A_6 = arith.constant 0 : index
    %swap3A_7 = vector.load %arg2[%swap3A, %swap3A_6] : memref<10000x64xf32, #tpu.memory_space<vmem>>, vector<10000x64xf32>
    tpu.vector_store %arg2[%swap3A, %swap3A_6], %dot_general3A_5 {strides = array<i32>} : memref<10000x64xf32, #tpu.memory_space<vmem>>, vector<10000x64xf32>,
    return
  }
}

module attributes {stable_mosaic.version = 14 : i64} {
  func.func @body(%arg0: memref<10000x64xf32, #tpu.memory_space<vmem>>, %arg1: memref<2x10240x16xf32, #tpu.memory_space<vmem>>, %arg2: memref<10000x64xf32, #tpu.memory_space<vmem>>, %arg3: memref<10000x1xf32, #tpu.memory_space<vmem>>) attributes {dimension_semantics = [], scalar_prefetch = 0 : i64, scratch_operands = 0 : i64, tpu.core_type = #tpu.core_type<tc>} {
    %get3A = arith.constant 0 : index
    %get3A_0 = arith.constant 0 : index
    %get3A_1 = arith.constant 0 : index
    %get3A_2 = vector.load %arg1[%get3A, %get3A_0, %get3A_1] : memref<2x10240x16xf32, #tpu.memory_space<vmem>>, vector<1x10000x1xf32>
    %get3A_3 = vector.shape_cast %get3A_2 : vector<1x10000x1xf32> to vector<10000xf32>
    %get3A_4 = arith.constant 1 : index
    %get3A_5 = arith.constant 0 : index
    %get3A_6 = arith.constant 0 : index
    %get3A_7 = vector.load %arg1[%get3A_4, %get3A_5, %get3A_6] : memref<2x10240x16xf32, #tpu.memory_space<vmem>>, vector<1x10000x1xf32>
    %get3A_8 = vector.shape_cast %get3A_7 : vector<1x10000x1xf32> to vector<10000xf32>
    %add3A = arith.addf %get3A_3, %get3A_8 : vector<10000xf32>
    %add3A_9 = arith.constant 1.000000e+00 : f32
    %add3A_10 = vector.broadcast %add3A_9 : f32 to vector<10000xf32>
    %add3A_11 = arith.addf %add3A, %add3A_10 : vector<10000xf32>
    %rsqrt3A = math.rsqrt %add3A_11 : vector<10000xf32>
    %broadcast_in_dim3A = vector.shape_cast %rsqrt3A : vector<10000xf32> to vector<10000x1xf32>
    %swap3A = arith.constant 0 : index
    %swap3A_12 = arith.constant 0 : index
    %swap3A_13 = vector.load %arg3[%swap3A, %swap3A_12] : memref<10000x1xf32, #tpu.memory_space<vmem>>, vector<10000x1xf32>
    tpu.vector_store %arg3[%swap3A, %swap3A_12], %broadcast_in_dim3A {strides = array<i32>} : memref<10000x1xf32, #tpu.memory_space<vmem>>, vector<10000x1xf32>,
    %get3A_14 = arith.constant 0 : index
    %get3A_15 = arith.constant 0 : index
    %get3A_16 = vector.load %arg0[%get3A_14, %get3A_15] : memref<10000x64xf32, #tpu.memory_space<vmem>>, vector<10000x64xf32>
    %mul3A = vector.broadcast %broadcast_in_dim3A : vector<10000x1xf32> to vector<10000x64xf32>
    %mul3A_17 = arith.mulf %get3A_16, %mul3A : vector<10000x64xf32>
    %swap3A_18 = arith.constant 0 : index
    %swap3A_19 = arith.constant 0 : index
    %swap3A_20 = vector.load %arg2[%swap3A_18, %swap3A_19] : memref<10000x64xf32, #tpu.memory_space<vmem>>, vector<10000x64xf32>
    tpu.vector_store %arg2[%swap3A_18, %swap3A_19], %mul3A_17 {strides = array<i32>} : memref<10000x64xf32, #tpu.memory_space<vmem>>, vector<10000x64xf32>,
    return
  }
}

module attributes {stable_mosaic.version = 14 : i64} {
  func.func @body(%arg0: memref<2x10240x64xf32, #tpu.memory_space<vmem>>, %arg1: memref<10000x64xf32, #tpu.memory_space<vmem>>, %arg2: memref<10000x1xf32, #tpu.memory_space<vmem>>, %arg3: memref<1x64xf32, #tpu.memory_space<vmem>>, %arg4: memref<64x32xf32, #tpu.memory_space<vmem>>, %arg5: memref<10000x32xf32, #tpu.memory_space<vmem>>) attributes {dimension_semantics = [], scalar_prefetch = 0 : i64, scratch_operands = 0 : i64, tpu.core_type = #tpu.core_type<tc>} {
    %get3A = arith.constant 0 : index
    %get3A_0 = arith.constant 0 : index
    %get3A_1 = arith.constant 0 : index
    %get3A_2 = vector.load %arg0[%get3A, %get3A_0, %get3A_1] : memref<2x10240x64xf32, #tpu.memory_space<vmem>>, vector<1x10000x64xf32>
    %get3A_3 = vector.shape_cast %get3A_2 : vector<1x10000x64xf32> to vector<10000x64xf32>
    %get3A_4 = arith.constant 1 : index
    %get3A_5 = arith.constant 0 : index
    %get3A_6 = arith.constant 0 : index
    %get3A_7 = vector.load %arg0[%get3A_4, %get3A_5, %get3A_6] : memref<2x10240x64xf32, #tpu.memory_space<vmem>>, vector<1x10000x64xf32>
    %get3A_8 = vector.shape_cast %get3A_7 : vector<1x10000x64xf32> to vector<10000x64xf32>
    %add3A = arith.addf %get3A_3, %get3A_8 : vector<10000x64xf32>
    %get3A_9 = arith.constant 0 : index
    %get3A_10 = arith.constant 0 : index
    %get3A_11 = vector.load %arg1[%get3A_9, %get3A_10] : memref<10000x64xf32, #tpu.memory_space<vmem>>, vector<10000x64xf32>
    %add3A_12 = arith.addf %add3A, %get3A_11 : vector<10000x64xf32>
    %get3A_13 = arith.constant 0 : index
    %get3A_14 = arith.constant 0 : index
    %get3A_15 = vector.load %arg2[%get3A_13, %get3A_14] : memref<10000x1xf32, #tpu.memory_space<vmem>>, vector<10000x1xf32>
    %mul3A = vector.broadcast %get3A_15 : vector<10000x1xf32> to vector<10000x64xf32>
    %mul3A_16 = arith.mulf %add3A_12, %mul3A : vector<10000x64xf32>
    %get3A_17 = arith.constant 0 : index
    %get3A_18 = arith.constant 0 : index
    %get3A_19 = vector.load %arg3[%get3A_17, %get3A_18] : memref<1x64xf32, #tpu.memory_space<vmem>>, vector<1x64xf32>
    %add3A_20 = vector.broadcast %get3A_19 : vector<1x64xf32> to vector<10000x64xf32>
    %add3A_21 = arith.addf %mul3A_16, %add3A_20 : vector<10000x64xf32>
    %max3A = arith.constant 0.000000e+00 : f32
    %max3A_22 = vector.broadcast %max3A : f32 to vector<10000x64xf32>
    %max3A_23 = arith.maximumf %add3A_21, %max3A_22 : vector<10000x64xf32>
    %get3A_24 = arith.constant 0 : index
    %get3A_25 = arith.constant 0 : index
    %get3A_26 = vector.load %arg4[%get3A_24, %get3A_25] : memref<64x32xf32, #tpu.memory_space<vmem>>, vector<64x32xf32>
    %dot_general3A = arith.constant dense<0.000000e+00> : vector<10000x32xf32>
    %dot_general3A_27 = tpu.matmul %max3A_23, %get3A_26, %dot_general3A {dimension_numbers = #tpu.dot_dimension_numbers<[1], [0], [0], [1], [0, 0, 1, 1], [], []>, transpose_lhs_hint = false} : vector<10000x64xf32>, vector<64x32xf32>, vector<10000x32xf32> -> vector<10000x32xf32>
    %get3A_28 = arith.constant 0 : index
    %get3A_29 = arith.constant 0 : index
    %get3A_30 = vector.load %arg2[%get3A_28, %get3A_29] : memref<10000x1xf32, #tpu.memory_space<vmem>>, vector<10000x1xf32>
    %mul3A_31 = vector.broadcast %get3A_30 : vector<10000x1xf32> to vector<10000x32xf32>
    %mul3A_32 = arith.mulf %dot_general3A_27, %mul3A_31 : vector<10000x32xf32>
    %swap3A = arith.constant 0 : index
    %swap3A_33 = arith.constant 0 : index
    %swap3A_34 = vector.load %arg5[%swap3A, %swap3A_33] : memref<10000x32xf32, #tpu.memory_space<vmem>>, vector<10000x32xf32>
    tpu.vector_store %arg5[%swap3A, %swap3A_33], %mul3A_32 {strides = array<i32>} : memref<10000x32xf32, #tpu.memory_space<vmem>>, vector<10000x32xf32>,
    return
  }
}

module attributes {stable_mosaic.version = 14 : i64} {
  func.func @body(%arg0: memref<2x10240x32xf32, #tpu.memory_space<vmem>>, %arg1: memref<10000x32xf32, #tpu.memory_space<vmem>>, %arg2: memref<10000x1xf32, #tpu.memory_space<vmem>>, %arg3: memref<1x32xf32, #tpu.memory_space<vmem>>, %arg4: memref<10000x1xi32, #tpu.memory_space<vmem>>, %arg5: memref<32x3xf32, #tpu.memory_space<vmem>>, %arg6: memref<3xf32, #tpu.memory_space<vmem>>, %arg7: memref<64x3xf32, #tpu.memory_space<vmem>>) attributes {dimension_semantics = [], scalar_prefetch = 0 : i64, scratch_operands = 0 : i64, tpu.core_type = #tpu.core_type<tc>} {
    %get3A = arith.constant 0 : index
    %get3A_0 = arith.constant 0 : index
    %get3A_1 = arith.constant 0 : index
    %get3A_2 = vector.load %arg0[%get3A, %get3A_0, %get3A_1] : memref<2x10240x32xf32, #tpu.memory_space<vmem>>, vector<1x10000x32xf32>
    %get3A_3 = vector.shape_cast %get3A_2 : vector<1x10000x32xf32> to vector<10000x32xf32>
    %get3A_4 = arith.constant 1 : index
    %get3A_5 = arith.constant 0 : index
    %get3A_6 = arith.constant 0 : index
    %get3A_7 = vector.load %arg0[%get3A_4, %get3A_5, %get3A_6] : memref<2x10240x32xf32, #tpu.memory_space<vmem>>, vector<1x10000x32xf32>
    %get3A_8 = vector.shape_cast %get3A_7 : vector<1x10000x32xf32> to vector<10000x32xf32>
    %add3A = arith.addf %get3A_3, %get3A_8 : vector<10000x32xf32>
    %get3A_9 = arith.constant 0 : index
    %get3A_10 = arith.constant 0 : index
    %get3A_11 = vector.load %arg1[%get3A_9, %get3A_10] : memref<10000x32xf32, #tpu.memory_space<vmem>>, vector<10000x32xf32>
    %add3A_12 = arith.addf %add3A, %get3A_11 : vector<10000x32xf32>
    %get3A_13 = arith.constant 0 : index
    %get3A_14 = arith.constant 0 : index
    %get3A_15 = vector.load %arg2[%get3A_13, %get3A_14] : memref<10000x1xf32, #tpu.memory_space<vmem>>, vector<10000x1xf32>
    %mul3A = vector.broadcast %get3A_15 : vector<10000x1xf32> to vector<10000x32xf32>
    %mul3A_16 = arith.mulf %add3A_12, %mul3A : vector<10000x32xf32>
    %get3A_17 = arith.constant 0 : index
    %get3A_18 = arith.constant 0 : index
    %get3A_19 = vector.load %arg3[%get3A_17, %get3A_18] : memref<1x32xf32, #tpu.memory_space<vmem>>, vector<1x32xf32>
    %add3A_20 = vector.broadcast %get3A_19 : vector<1x32xf32> to vector<10000x32xf32>
    %add3A_21 = arith.addf %mul3A_16, %add3A_20 : vector<10000x32xf32>
    %max3A = arith.constant 0.000000e+00 : f32
    %max3A_22 = vector.broadcast %max3A : f32 to vector<10000x32xf32>
    %max3A_23 = arith.maximumf %add3A_21, %max3A_22 : vector<10000x32xf32>
    %get3A_24 = arith.constant 0 : index
    %get3A_25 = arith.constant 0 : index
    %get3A_26 = vector.load %arg4[%get3A_24, %get3A_25] : memref<10000x1xi32, #tpu.memory_space<vmem>>, vector<10000x1xi32>
    %iota3A = tpu.iota {dimensions = array<i32: 1>} : vector<10000x64xi32>
    %eq3A = vector.broadcast %get3A_26 : vector<10000x1xi32> to vector<10000x64xi32>
    %eq3A_27 = arith.cmpi eq, %eq3A, %iota3A : vector<10000x64xi32>
    %convert_element_type3A = arith.extui %eq3A_27 : vector<10000x64xi1> to vector<10000x64xi32>
    %convert_element_type3A_28 = arith.sitofp %convert_element_type3A : vector<10000x64xi32> to vector<10000x64xf32>
    %dot_general3A = arith.constant dense<0.000000e+00> : vector<64x32xf32>
    %dot_general3A_29 = tpu.matmul %convert_element_type3A_28, %max3A_23, %dot_general3A {dimension_numbers = #tpu.dot_dimension_numbers<[0], [0], [1], [1], [0, 1, 1, 1], [], []>, transpose_lhs_hint = false} : vector<10000x64xf32>, vector<10000x32xf32>, vector<64x32xf32> -> vector<64x32xf32>
    %reduce_sum3A = arith.constant dense<0.000000e+00> : vector<64xf32>
    %reduce_sum3A_30 = vector.multi_reduction <add>, %convert_element_type3A_28, %reduce_sum3A [0] : vector<10000x64xf32> to vector<64xf32>
    %broadcast_in_dim3A = vector.shape_cast %reduce_sum3A_30 : vector<64xf32> to vector<64x1xf32>
    %max3A_31 = arith.constant 1.000000e+00 : f32
    %max3A_32 = vector.broadcast %max3A_31 : f32 to vector<64x1xf32>
    %max3A_33 = arith.maximumf %broadcast_in_dim3A, %max3A_32 : vector<64x1xf32>
    %div3A = vector.broadcast %max3A_33 : vector<64x1xf32> to vector<64x32xf32>
    %div3A_34 = arith.divf %dot_general3A_29, %div3A : vector<64x32xf32>
    %get3A_35 = arith.constant 0 : index
    %get3A_36 = arith.constant 0 : index
    %get3A_37 = vector.load %arg5[%get3A_35, %get3A_36] : memref<32x3xf32, #tpu.memory_space<vmem>>, vector<32x3xf32>
    %dot_general3A_38 = arith.constant dense<0.000000e+00> : vector<64x3xf32>
    %dot_general3A_39 = tpu.matmul %div3A_34, %get3A_37, %dot_general3A_38 {dimension_numbers = #tpu.dot_dimension_numbers<[1], [0], [0], [1], [0, 0, 1, 1], [], []>, transpose_lhs_hint = false} : vector<64x32xf32>, vector<32x3xf32>, vector<64x3xf32> -> vector<64x3xf32>
    %get3A_40 = arith.constant 0 : index
    %get3A_41 = vector.load %arg6[%get3A_40] : memref<3xf32, #tpu.memory_space<vmem>>, vector<3xf32>
    %broadcast_in_dim3A_42 = vector.shape_cast %get3A_41 : vector<3xf32> to vector<1x3xf32>
    %add3A_43 = vector.broadcast %broadcast_in_dim3A_42 : vector<1x3xf32> to vector<64x3xf32>
    %add3A_44 = arith.addf %dot_general3A_39, %add3A_43 : vector<64x3xf32>
    %swap3A = arith.constant 0 : index
    %swap3A_45 = arith.constant 0 : index
    %swap3A_46 = vector.load %arg7[%swap3A, %swap3A_45] : memref<64x3xf32, #tpu.memory_space<vmem>>, vector<64x3xf32>
    tpu.vector_store %arg7[%swap3A, %swap3A_45], %add3A_44 {strides = array<i32>} : memref<64x3xf32, #tpu.memory_space<vmem>>, vector<64x3xf32>,
    return
  }
}

</mosaic_0001>

<sc_bundles>
// kernel: kernel.12.cloned.1.call-start
scs
__scs_entry_jumppad:
0x0: {  	(pc) =	sbr.rel $0x88, $3  }
0x1: {  	(tag) =	ssettag $0x0;
	lr =	simm.s32 $0x1  }
0x2: {  	[smem:$0x3F98] =	sst lr;
	_ =	strace $0xD0000000  }
0x3: {  	_ = 	snop  }
0x4: {  	_ = 	snop  }
0x5: {  	_ = 	snop  }
0x6: {  	_ = 	snop  }
0x7: {  	_ = 	snop  }
__scs_overlays_trampoline_lowered:
0x8: {  	[smem:$0x3FA7] =	sst s0  }
0x9: {  	[smem:$0x3FA8] =	sst s1  }
0xa: {  	[smem:$0x3FA9] =	sst s2  }
0xb: {  	[smem:$0x3FAA] =	sst s3  }
0xc: {  	[smem:$0x3FAB] =	sst s4  }
0xd: {  	[smem:$0x3FAC] =	sst s5  }
0xe: {  	[smem:$0x3FAD] =	sst s6  }
0xf: {  	[smem:$0x3FAE] =	sst s7  }
0x10: {  	[smem:$0x3FAF] =	sst s8  }
0x11: {  	[smem:$0x3FB0] =	sst s9;
	s0 =	simm.s32 @!p0 $0x0  }
0x12: {  	s1 =	sld [smem:$0x3F96];
	s0 =	simm.s32 @p0 $0x1  }
0x13: {  	[smem:$0x3FB1] =	sst s0;
	s0 =	simm.s32 @!p1 $0x0  }
0x14: {  	s2 =	sld [smem:$0x3F95];
	s0 =	simm.s32 @p1 $0x1  }
0x15: {  	[smem:$0x3FB2] =	sst s0;
	s0 =	simm.s32 @!p2 $0x0  }
0x16: {  	s3 =	sld [smem:$0x3FDB];
	s0 =	simm.s32 @p2 $0x1  }
0x17: {  	s4 =	simm.s32 $0x1BF5;
	[smem:$0x3FB4] =	sst s0  }
0x18: {  	s0 =	sld [smem:$0x3F97];
	_ =	swait.ge [sflag:s4], $0x0  }
0x19: {  	s7 =	sld [smem:$0x3F98]  }
0x1a: {  	s8 =	sadd.s32 $0xFFFFE003, lr  }
0x1b: {  	s9 =	sadd.s32 $0xFFFFFEF7, lr;
	s5 =	simm.s32 $0xFFFFFFFF;
	p2 =	slt.u32 s8, $0xFFFFF086  }
0x1c: {  	p1 =	slt.u32 s9, $0xF7A;
	s5 =	simm.s32 @!p2 $0x0  }
0x1d: {  	s5 =	simm.s32 @p1 $0x1;
	p0 =	seq.s32 s7, s2  }
0x1e: {  	s7 =	smul.u32 @!p0 $0xF7A, s2;
	p2 =	seq.s32 @!p0 s5, $0x0  }
0x1f: {  	s9 =	smul.u32 $0xF7A, s1;
	s8 =	simm.s32 @!p0 $0x1BF5;
	p2 =	por !p2, p0  }
0x20: {  	[sflag:s8] =	ssyncset.s32 @!p0 $0xFFFFF086;
	s6 =	sadd.s32 @!p0 s3, s7;
	s7 =	simm.s32 @!p0 $0x108  }
0x21: {  	s3 =	sadd.s32 s3, s9;
	s6 =	sadd.s32 @!p0 $0x88, s6;
	s7 =	simm.s32 @p2 $0x1082  }
0x22: {  	[simem:s7], [sflag:s8] =	dma.local @!p0 [hbm:s6], $0xF7A  }
0x23: {  	s9 =	sor.u32 $0xD0000000, s2;
	s6 =	simm.s32 $0x108;
	_ =	swait.ge @!p0 [sflag:s8], $0x0  }
0x24: {  	s3 =	sadd.s32 $0x88, s3;
	s6 =	simm.s32 @!p1 $0x1082;
	[sflag:s4] =	ssyncset.s32 $0xFFFFF086  }
0x25: {  	[simem:s6], [sflag:s4] =	dma.local [hbm:s3], $0xF7A  }
0x26: {  	[smem:$0x3F98] =	sst s1;
	(tag) =	ssettag s2;
	_ =	strace s9  }
0x27: {  	s1 =	sld [smem:$0x3FA8]  }
0x28: {  	s2 =	sld [smem:$0x3FA9]  }
0x29: {  	s4 =	sld [smem:$0x3FAB]  }
0x2a: {  	p0 =	seq.s32 s5, $0x0;
	s5 =	sld [smem:$0x3FAC]  }
0x2b: {  	s6 =	sld [smem:$0x3FAD]  }
0x2c: {  	s7 =	sld [smem:$0x3FAE]  }
0x2d: {  	s3 =	simm.s32 $0x108;
	s8 =	sld [smem:$0x3FAF]  }
0x2e: {  	s3 =	simm.s32 @!p0 $0x1082;
	s9 =	sld [smem:$0x3FB0]  }
0x2f: {  	lr =	sadd.s32 s0, s3;
	s0 =	sld [smem:$0x3FA7]  }
0x30: {  	s3 =	sld [smem:$0x3FAA]  }
0x31: {  	[smem:$0x3FB3] =	sst s10  }
0x32: {  	s10 =	sld [smem:$0x3FB1];
	_ =	sdelay $0x3  }
0x33: {  	p0 =	seq.s32 s10, $0x1;
	s10 =	sld [smem:$0x3FB3];
	_ =	sdelay $0x3  }
0x34: {  	[smem:$0x3FB3] =	sst s10  }
0x35: {  	s10 =	sld [smem:$0x3FB2];
	_ =	sdelay $0x3  }
0x36: {  	p1 =	seq.s32 s10, $0x1;
	s10 =	sld [smem:$0x3FB3];
	_ =	sdelay $0x3  }
0x37: {  	[smem:$0x3FB3] =	sst s10  }
0x38: {  	s10 =	sld [smem:$0x3FB4]  }
0x39: {  	_ = 	snop;
	(pc) =	sbr.ind lr, $3  }
0x3a: {  	_ = 	snop  }
0x3b: {  	_ = 	snop  }
0x3c: {  	p2 =	seq.s32 s10, $0x1;
	s10 =	sld [smem:$0x3FB3]  }
0x3d: {  	_ =	shalt  }
0x3e: {  	_ =	shalt  }
0x3f: {  	_ =	shalt  }
0x40: {  	_ =	shalt  }
0x41: {  	_ =	shalt  }
0x42: {  	_ =	shalt  }
0x43: {  	_ =	shalt  }
0x44: {  	_ =	shalt  }
0x45: {  	_ =	shalt  }
0x46: {  	_ =	shalt  }
0x47: {  	_ =	shalt  }
0x48: {  	_ =	shalt  }
0x49: {  	_ =	shalt  }
0x4a: {  	_ =	shalt  }
0x4b: {  	_ =	shalt  }
0x4c: {  	_ =	shalt  }
0x4d: {  	_ =	shalt  }
0x4e: {  	_ =	shalt  }
0x4f: {  	_ =	shalt  }
0x50: {  	_ =	shalt  }
0x51: {  	_ =	shalt  }
0x52: {  	_ =	shalt  }
0x53: {  	_ =	shalt  }
0x54: {  	_ =	shalt  }
0x55: {  	_ =	shalt  }
0x56: {  	_ =	shalt  }
0x57: {  	_ =	shalt  }
0x58: {  	_ =	shalt  }
0x59: {  	_ =	shalt  }
0x5a: {  	_ =	shalt  }
0x5b: {  	_ =	shalt  }
0x5c: {  	_ =	shalt  }
0x5d: {  	_ =	shalt  }
0x5e: {  	_ =	shalt  }
0x5f: {  	_ =	shalt  }
0x60: {  	_ =	shalt  }
0x61: {  	_ =	shalt  }
0x62: {  	_ =	shalt  }
0x63: {  	_ =	shalt  }
0x64: {  	_ =	shalt  }
0x65: {  	_ =	shalt  }
0x66: {  	_ =	shalt  }
0x67: {  	_ =	shalt  }
0x68: {  	_ =	shalt  }
0x69: {  	_ =	shalt  }
0x6a: {  	_ =	shalt  }
0x6b: {  	_ =	shalt  }
0x6c: {  	_ =	shalt  }
0x6d: {  	_ =	shalt  }
0x6e: {  	_ =	shalt  }
0x6f: {  	_ =	shalt  }
0x70: {  	_ =	shalt  }
0x71: {  	_ =	shalt  }
0x72: {  	_ =	shalt  }
0x73: {  	_ =	shalt  }
0x74: {  	_ =	shalt  }
0x75: {  	_ =	shalt  }
0x76: {  	_ =	shalt  }
0x77: {  	_ =	shalt  }
0x78: {  	_ =	shalt  }
0x79: {  	_ =	shalt  }
0x7a: {  	_ =	shalt  }
0x7b: {  	_ =	shalt  }
0x7c: {  	_ =	shalt  }
0x7d: {  	_ =	shalt  }
0x7e: {  	_ =	shalt  }
0x7f: {  	_ =	shalt  }
0x80: {  	_ =	shalt  }
0x81: {  	_ =	shalt  }
0x82: {  	_ =	shalt  }
0x83: {  	_ =	shalt  }
0x84: {  	_ =	shalt  }
0x85: {  	_ =	shalt  }
0x86: {  	_ =	shalt  }
0x87: {  	_ =	shalt  }
.Lfunc_end0:
.L_simem_size_0:
called_computation.1_lowered:
.L_overlay_start_0:
0x88: {  	s2 =	sld [smem:$0x3FD9]  }
0x89: {  	s3 =	sld [smem:$0x3FFE];
	_ =	sdelay $0x1  }
0x8a: {  	s1 =	srdreg.scid  }
0x8b: {  	s0 =	sand.u32 $0x1, s1  }
0x8c: {  	s16 =	sshll.u32 s0, $0xA;
	s2 =	sadd.s32 s3, s2  }
0x8d: {  	s2 =	sadd.s32 s2, s16  }
0x8e: {  	[smem:$0x3FBF] =	sst s2  }
0x8f: {  	_ = 	snop  }
0x90: {  	(tm) =	ssettm $0x1  }
0x91: {  	s17 =	sld [smem:$0x3FFB];
	_ =	sdelay $0x3  }
0x92: {  	_ =	strace s17  }
0x93: {  	s2 =	sld [smem:$0x3FFC];
	_ =	sdelay $0x3  }
0x94: {  	_ =	strace s2  }
0x95: {  	s2 =	sld [smem:$0x3FFD];
	_ =	sdelay $0x3  }
0x96: {  	_ =	strace s2  }
0x97: {  	_ =	strace $0x8FFFFFFF  }
0x98: {  	s18 =	sld [smem:$0x3FDB];
	_ =	sdelay $0x1  }
0x99: {  	s19 =	simm.s32 $_scs_section_size  }
0x9a: {  	s4 =	simm.s32 $_size__tile_overlayer_lowered;
	s5 =	simm.s32 $_tile_overlayer_lowered  }
0x9b: {  	s22 =	simm.s32 $0x1BFF;
	s21 =	sshll.u32 s5, $0x1;
	s2 =	sadd.s32 s19, s18  }
0x9c: {  	s6 =	simm.s32 $0x0;
	s20 =	sshll.u32 s4, $0x1;
	s4 =	sadd.s32 s21, s2  }
0x9d: {  	[timem:s6], [sflag:s22] =	dma.local [hbm:s4], s20  }
0x9e: {  	_ =	swait.ge [sflag:s22], s20  }
0x9f: {  	s3 =	ssub.s32 $0x0, s20;
	[sflag:s22] =	ssyncset.done $0x0  }
0xa0: {  	[sflag:s22] =	ssyncadd.s32 s3;
	_ =	sdelay $0x1  }
0xa1: {  	s23 =	simm.s32 $0x1B8B  }
0xa2: {  	_ =	swait.ge [sflag:s23], $0x1  }
0xa3: {  	[sflag:s23] =	ssyncset.done $0x0  }
0xa4: {  	s25 =	simm.s32 $0x1B8E;
	s24 =	sld [smem:$0x3FFE];
	[sflag:s23] =	ssyncadd.s32 $0xFFFFFFFF  }
0xa5: {  	s26 =	simm.s32 $execute0_lowered;
	[smem:$0x3FD2] =	sst s25  }
0xa6: {  	s4 =	sshll.u32 s26, $0x1;
	_ =	strace $0x80000049;
	[dreg:$0x1] =	wrdreg $0xFFFFFFFF  }
0xa7: {  	s28 =	simm.s32 $_size_execute0_lowered;
	s2 =	sadd.s32 s2, s4;
	[dreg:$0x0] =	wrdreg $0x0  }
0xa8: {  	s4 =	sshll.u32 s28, $0x1;
	[dreg:$0x2] =	wrdreg s2  }
0xa9: {  	[dreg:$0x3] =	wrdreg s4  }
0xaa: {  	[dreg:$0x4] =	wrdreg $0xC0  }
0xab: {  	_ =	task [dreg:s6], $0x5FFFF  }
0xac: {  	[dreg:$0x1] =	wrdreg $0xFFFFFFFF  }
0xad: {  	[dreg:$0x0] =	wrdreg $0x60  }
0xae: {  	[dreg:$0x2] =	wrdreg s24  }
0xaf: {  	[dreg:$0x3] =	wrdreg $0xD6000  }
0xb0: {  	[dreg:$0x4] =	wrdreg $0x9  }
0xb1: {  	_ =	task.clear_ibuf [dreg:s6], $0x5FFFF;
	_ =	strace $0x90000049  }
0xb2: {  	s29 =	simm.s32 $0x9;
	_ =	strace $0x8000004B  }
0xb3: {  	_ =	swait.ge [sflag:s29], $0x1  }
0xb4: {  	[sflag:s29] =	ssyncadd.s32 $0xFFFFFFFF  }
0xb5: {  	_ =	strace $0x9000004B  }
0xb6: {  	_ =	sfence  }
0xb7: {  	s30 =	sld [smem:$0x0];
	_ =	sdelay $0x2  }
0xb8: {  	s31 =	sshll.u32 s1, $0xD;
	s1 =	sshrl.u32 s1, $0x2  }
0xb9: {  	s3 =	sand.u32 $0x4000, s31;
	s1 =	sadd.s32 s1, s30  }
0xba: {  	s0 =	sor.u32 s3, s0;
	s1 =	sshll.u32 s1, $0x11  }
0xbb: {  	s0 =	sor.u32 s1, s0  }
0xbc: {  	s0 =	sadd.s32 $0x8F2B, s0  }
0xbd: {  	[sflag:s0] =	ssyncadd.remote.s32 $0x1  }
0xbe: {  	_ =	sfence.sel $0xFFFF  }
0xbf: {  	[dreg:$0x0] =	wrdreg $0xFFFFFFFF;
	(pc) =	sbr.abs _section_cstart, $3  }
0xc0: {  	[dreg:$0x1] =	wrdreg $0xFFFFFFFF  }
0xc1: {  	_ =	task.clear_ibuf [dreg:s6], $0x2FFFF;
	_ =	strace $0x9FFFFFFF  }
0xc2: {  	(tm) =	ssettm $0x7FFFFFFF  }
0xc3: {  	_ =	shalt  }
tec
execute0_lowered:
.L_overlay_start_1:
0x0: {  	(tag) =	ssettag $0x1  }
0x1: {  	s0 =	rddreg [dreg:$0x0]  }
0x2: {  	s2 =	rddreg [dreg:$0x1];
	s1 =	srdreg.scid  }
0x3: {  	s13 =	stileid.u32;
	s3 =	simm.s32 $0x0;
	s21 =	simm.s32 $0x5600  }
0x4: {  	s22 =	simm.s32 $0x6;
	s28 =	simm.s32 $0x1;
	s29 =	simm.s32 $0x2  }
0x5: {  	s30 =	simm.s32 $0x5;
	s31 =	simm.s32 $0x3;
	s6 =	smul.u32 $0xA000, s13  }
0x6: {  	s1 =	sand.u32 $0x1, s1;
	[smem:$0x7FF] =	sst s3;
	s23 =	smul.u32 $0x28000, s13  }
0x7: {  	s4 =	sadd.s32 $0x15800, s0;
	s7 =	sadd.s32 $0x1C00, s0;
	s24 =	smul.u32 $0x47, s13  }
0x8: {  	s14 =	sadd.s32 $0xBA00, s0;
	s10 =	smax.u32 s13, $0xC;
	s15 =	smul.u32 $0x550, s13  }
0x9: {  	p1 =	sgt.u32 s13, $0xB;
	s5 =	smul.u32 $0xA0000, s1;
	s8 =	ssub.s32 $0x2, s1  }
0xa: {  	_ =	strace $0x8000004A;
	p0 =	seq.s32 s1, $0x0;
	s9 =	sshrl.u32 s8, $0x1  }
0xb: {  	s10 =	sadd.s32 s10, s24;
	s13 =	sadd.s32 s7, s15;
	s24 =	simm.s32 $0x7600  }
0xc: {  	s5 =	sadd.s32 s6, s5;
	s16 =	ssub.s32 s8, s9;
	s8 =	sshrl.u32 s23, $0x2  }
0xd: {  	s6 =	sadd.s32 s6, s2;
	s12 =	sshll.u32 s10, $0x4;
	s23 =	simm.s32 $0x80  }
0xe: {  	s5 =	sshrl.u32 s5, $0x3;
	s11 =	sadd.s32 s8, s2;
	s12 =	sadd.s32 $0x5440, s12  }
0xf: {  	s19 =	smax.u32 s16, $0x1;
	s0 =	sadd.s32 s5, s0;
	s5 =	simm.s32 $0x48  }
0x10: {  	s8 =	sadd.s32 $0x2000, s11;
	s25 =	sadd.s32 $0x4000, s11;
	s9 =	sadd.s32 $0x6000, s11  }
0x11: {  	s10 =	sadd.s32 $0x8000, s11;
	s11 =	sadd.s32 s7, s12;
	s12 =	sadd.s32 s14, s12  }
0x12: {  	s14 =	sadd.s32 s14, s15;
	s5 =	simm.s32 @!p1 $0x47;
	[dreg:$0x3] =	wrdreg s8  }
.Ltmp0:
0x13: {  	[dreg:$0x4] =	wrdreg s25;
	s5 =	simm.s32 @p0 $0x55;
	(pc) =	sbr.rel .LBB2_1-.Ltmp0, $4  }
0x14: {  	s25 =	simm.s32 $0x9600;
	p0 =	sne.s32 s1, $0x0;
	s17 =	sshll.u32 s5, $0x9  }
0x15: {  	s26 =	sand.u32 $0x5C, s5;
	s15 =	sand.u32 $0xB800, s17;
	s17 =	sadd.s32 $0x29200, s0  }
0x16: {  	[dreg:$0x5] =	wrdreg s26;
	p1 =	seq.s32 s26, s5;
	s18 =	sshrl.u32 s15, $0x2  }
0x17: {  	v0 =	vimm.f32 $0.0e+00;
	s26 =	simm.s32 $0xB600;
	s0 =	simm.s32 $0x4;
	s20 =	sadd.s32 $0x2B00, s18  }
.LBB2_11:
0x18: {  	[sflag:s30] =	ssyncadd.s32 $0xFFFFE000  }
.LBB2_12:
0x19: {  	s1 =	stileid.u32;
	s3 =	sadd.s32 $0x1, s3  }
0x1a: {  	[bflag:$0x0] =	sbarrier.arrive $0xFFFF;
	s1 =	sshll.u32 s1, $0x6;
	p2 =	sne.s32 s3, s19  }
.Ltmp1:
0x1b: {  	s7 =	sshrl.u32 s6, $0x3;
	s1 =	sor.u32 $0x1C06, s1;
	(pc) =	sbr.rel @!p2 .LBB2_13-.Ltmp1, $4  }
0x1c: {  	[hbm:s17], [sflag:s1] =	dma.local [spmem:s7], $0x1400  }
0x1d: {  	_ =	swait.ge [sflag:s22], $0x1400  }
0x1e: {  	[sflag:s22] =	ssyncset.done $0x0  }
0x1f: {  	[sflag:s22] =	ssyncadd.s32 $0xFFFFEC00  }
.LBB2_1:
0x20: {  	s7 =	simm.s32 $0x100;
	s1 =	simm.s32 $0x0  }
.LBB2_2:
0x21: {  	p2 =	sne.s32 s7, $0x7F00;
	[tilespmem:s1+$0x5630] =	vst v0;
	s16 =	smov.u32 s7;
	s7 =	sadd.s32 $0x100, s7  }
.Ltmp2:
0x22: {  	[tilespmem:s1+$0x5620] =	vst v0;
	(pc) =	sbr.rel @p2 .LBB2_2-.Ltmp2, $3  }
0x23: {  	[tilespmem:s1+$0x5600] =	vst v0  }
0x24: {  	[tilespmem:s1+$0x5610] =	vst v0;
	_ =	sdelay $0x1  }
0x25: {  	s1 =	sshra.s32 s16, $0x2  }
0x26: {  	[tilespmem:s1+$0x5630] =	vst v0  }
0x27: {  	[tilespmem:s1+$0x5620] =	vst v0  }
0x28: {  	[tilespmem:s1+$0x5600] =	vst v0  }
0x29: {  	[tilespmem:s1+$0x5610] =	vst v0  }
0x2a: {  	[spmem:s6] =	stream.linear.scatter [tilespmem:s21], [sflag:$0x6], $0x2000, $0x38;
	[tilespmem:$0x17600] =	vst v63  }
0x2b: {  	_ =	swait.ge [sflag:s22], $0x2000  }
0x2c: {  	[sflag:s22] =	ssyncset.done $0x0  }
0x2d: {  	s8 =	rddreg [dreg:$0x3];
	[sflag:s22] =	ssyncadd.s32 $0xFFFFE000  }
0x2e: {  	[spmem:s8] =	stream.linear.scatter [tilespmem:s21], [sflag:$0x6], $0x2000, $0x38;
	[tilespmem:$0x17600] =	vst v63  }
0x2f: {  	_ =	swait.ge [sflag:s22], $0x2000  }
0x30: {  	[sflag:s22] =	ssyncset.done $0x0  }
0x31: {  	s16 =	rddreg [dreg:$0x4];
	[sflag:s22] =	ssyncadd.s32 $0xFFFFE000  }
0x32: {  	[spmem:s16] =	stream.linear.scatter [tilespmem:s21], [sflag:$0x6], $0x2000, $0x38;
	[tilespmem:$0x17600] =	vst v63  }
0x33: {  	_ =	swait.ge [sflag:s22], $0x2000  }
0x34: {  	[sflag:s22] =	ssyncset.done $0x0  }
0x35: {  	[sflag:s22] =	ssyncadd.s32 $0xFFFFE000  }
0x36: {  	[spmem:s9] =	stream.linear.scatter [tilespmem:s21], [sflag:$0x6], $0x2000, $0x38;
	[tilespmem:$0x17600] =	vst v63  }
0x37: {  	_ =	swait.ge [sflag:s22], $0x2000  }
0x38: {  	[sflag:s22] =	ssyncset.done $0x0  }
0x39: {  	[sflag:s22] =	ssyncadd.s32 $0xFFFFE000  }
0x3a: {  	[spmem:s10] =	stream.linear.scatter [tilespmem:s21], [sflag:$0x6], $0x2000, $0x38;
	[tilespmem:$0x17600] =	vst v63  }
0x3b: {  	_ =	swait.ge [sflag:s22], $0x2000  }
0x3c: {  	[sflag:s22] =	ssyncset.done $0x0  }
0x3d: {  	s1 =	simm.s32 @p0 $0x0;
	s7 =	simm.s32 @p0 $0x6;
	[sflag:s22] =	ssyncadd.s32 $0xFFFFE000  }
0x3e: {  	[tilespmem:s1], [sflag:$0x6] =	stream.linear.gather @p0 [hbm4b:s11+s1], $0x2400, $0x38;
	[tilespmem:$0x17600] =	vst v63  }
0x3f: {  	_ =	swait.ge @p0 [sflag:s7], $0x2400  }
0x40: {  	[sflag:s7] =	ssyncset.done @p0 $0x0  }
0x41: {  	s16 =	simm.s32 @p0 $0x2B00;
	[sflag:s7] =	ssyncadd.s32 @p0 $0xFFFFDC00  }
0x42: {  	[tilespmem:s16], [sflag:$0x6] =	stream.linear.gather @p0 [hbm4b:s12+s1], $0x2400, $0x38;
	[tilespmem:$0x17600] =	vst v63  }
0x43: {  	_ =	swait.ge @p0 [sflag:s7], $0x2400  }
0x44: {  	[sflag:s7] =	ssyncset.done @p0 $0x0  }
0x45: {  	s1 =	simm.s32 @!p0 $0x0;
	[sflag:s7] =	ssyncadd.s32 @p0 $0xFFFFDC00;
	s7 =	simm.s32 @!p0 $0x6  }
0x46: {  	[tilespmem:s1], [sflag:$0x6] =	stream.linear.gather @!p0 [hbm4b:s13+s1], $0x2A80, $0x38;
	[tilespmem:$0x17600] =	vst v63  }
0x47: {  	_ =	swait.ge @!p0 [sflag:s7], $0x2A80  }
0x48: {  	[sflag:s7] =	ssyncset.done @!p0 $0x0  }
0x49: {  	p3 =	sne.s32 s15, $0x800;
	s16 =	simm.s32 @!p0 $0x2B00;
	[sflag:s7] =	ssyncadd.s32 @!p0 $0xFFFFD580  }
0x4a: {  	[tilespmem:s16], [sflag:$0x6] =	stream.linear.gather @!p0 [hbm4b:s14+s1], $0x2A80, $0x38;
	[tilespmem:$0x17600] =	vst v63  }
.Ltmp3:
0x4b: {  	_ =	swait.ge @!p0 [sflag:s7], $0x2A80;
	(pc) =	sbr.rel @!p3 .LBB2_8-.Ltmp3, $4  }
0x4c: {  	[sflag:s7] =	ssyncset.done @!p0 $0x0  }
0x4d: {  	[sflag:s7] =	ssyncadd.s32 @!p0 $0xFFFFD580  }
0x4e: {  	[bflag:$0x0] =	sbarrier.arrive $0xFFFF  }
0x4f: {  	p2 =	por $0x0, $0x0;
	s1 =	simm.s32 $0x800;
	s7 =	simm.s32 $0x0  }
0x50: {  	s7 =	simm.s32 $0x0  }
0x51: {  	[tilespmem:s21], [sflag:$0x1] =	stream.indirect.gather [hbm4b:s4+s23], $0x40, s7, s23, $0xb8;
	[tilespmem:$0x17600] =	vst v63  }
0x52: {  	s16 =	simm.s32 $0x80  }
0x53: {  	[tilespmem:s24], [sflag:$0x2] =	stream.indirect.gather [hbm4b:s4+s23], $0x40, s16, s23, $0xb8;
	[tilespmem:$0x17600] =	vst v63  }
0x54: {  	s8 =	simm.s32 $0x100  }
0x55: {  	[tilespmem:s25], [sflag:$0x3] =	stream.indirect.gather [hbm4b:s4+s23], $0x40, s8, s23, $0xb8;
	[tilespmem:$0x17600] =	vst v63  }
0x56: {  	s16 =	simm.s32 $0x180  }
0x57: {  	[tilespmem:s26], [sflag:$0x4] =	stream.indirect.gather [hbm4b:s4+s23], $0x40, s16, s23, $0xb8;
	[tilespmem:$0x17600] =	vst v63  }
0x58: {  	_ =	swait.ge [sflag:s28], $0x2000  }
0x59: {  	[sflag:s28] =	ssyncset.done $0x0  }
0x5a: {  	s8 =	simm.s32 $0x2B00;
	[sflag:s28] =	ssyncadd.s32 $0xFFFFE000  }
0x5b: {  	[spmem:s2] =	stream.indirect.scatter.add.f32 [tilespmem:s21], [sflag:$0x5], $0x40, s8, s23, $0xb8;
	[tilespmem:$0x17600] =	vst v63  }
0x5c: {  	_ =	swait.ge [sflag:s29], $0x2000  }
0x5d: {  	[sflag:s29] =	ssyncset.done $0x0  }
0x5e: {  	[sflag:s29] =	ssyncadd.s32 $0xFFFFE000  }
0x5f: {  	_ =	swait.ge [sflag:s30], $0x2000  }
0x60: {  	[sflag:s30] =	ssyncset.done $0x0  }
0x61: {  	s16 =	simm.s32 $0x2B80;
	[sflag:s30] =	ssyncadd.s32 $0xFFFFE000  }
0x62: {  	[spmem:s2] =	stream.indirect.scatter.add.f32 [tilespmem:s24], [sflag:$0x5], $0x40, s16, s23, $0xb8;
	[tilespmem:$0x17600] =	vst v63  }
0x63: {  	_ =	swait.ge [sflag:s31], $0x2000  }
0x64: {  	[sflag:s31] =	ssyncset.done $0x0  }
0x65: {  	[sflag:s31] =	ssyncadd.s32 $0xFFFFE000  }
0x66: {  	_ =	swait.ge [sflag:s30], $0x2000  }
0x67: {  	[sflag:s30] =	ssyncset.done $0x0  }
0x68: {  	s8 =	simm.s32 $0x2C00;
	[sflag:s30] =	ssyncadd.s32 $0xFFFFE000  }
0x69: {  	[spmem:s2] =	stream.indirect.scatter.add.f32 [tilespmem:s25], [sflag:$0x5], $0x40, s8, s23, $0xb8;
	[tilespmem:$0x17600] =	vst v63  }
0x6a: {  	_ =	swait.ge [sflag:s0], $0x2000  }
0x6b: {  	[sflag:s0] =	ssyncset.done $0x0  }
0x6c: {  	[sflag:s0] =	ssyncadd.s32 $0xFFFFE000  }
0x6d: {  	p3 =	sne.s32 s15, $0x1000;
	_ =	swait.ge [sflag:s30], $0x2000  }
.Ltmp4:
0x6e: {  	[sflag:s30] =	ssyncset.done $0x0;
	(pc) =	sbr.rel @!p3 .LBB2_5-.Ltmp4, $4  }
0x6f: {  	s16 =	simm.s32 $0x2C80;
	[sflag:s30] =	ssyncadd.s32 $0xFFFFE000  }
0x70: {  	[spmem:s2] =	stream.indirect.scatter.add.f32 [tilespmem:s26], [sflag:$0x5], $0x40, s16, s23, $0xb8;
	[tilespmem:$0x17600] =	vst v63  }
0x71: {  	_ =	swait.ge [sflag:s30], $0x2000  }
0x72: {  	p2 =	por $0x1, $0x1;
	s16 =	simm.s32 $0x1000;
	[sflag:s30] =	ssyncset.done $0x0  }
.LBB2_6:
0x73: {  	s7 =	sshra.s32 s1, $0x2  }
0x74: {  	[sflag:s30] =	ssyncadd.s32 $0xFFFFE000;
	s1 =	smov.u32 s16;
	s16 =	sadd.s32 $0x800, s16  }
0x75: {  	[tilespmem:s21], [sflag:$0x1] =	stream.indirect.gather [hbm4b:s4+s23], $0x40, s7, s23, $0xb8;
	[tilespmem:$0x17600] =	vst v63  }
0x76: {  	p3 =	sne.s32 s15, s16;
	s8 =	sadd.s32 $0x80, s7  }
0x77: {  	[tilespmem:s24], [sflag:$0x2] =	stream.indirect.gather [hbm4b:s4+s23], $0x40, s8, s23, $0xb8;
	[tilespmem:$0x17600] =	vst v63  }
0x78: {  	s8 =	sadd.s32 $0x100, s7  }
0x79: {  	[tilespmem:s25], [sflag:$0x3] =	stream.indirect.gather [hbm4b:s4+s23], $0x40, s8, s23, $0xb8;
	[tilespmem:$0x17600] =	vst v63  }
0x7a: {  	s8 =	sadd.s32 $0x180, s7  }
0x7b: {  	[tilespmem:s26], [sflag:$0x4] =	stream.indirect.gather [hbm4b:s4+s23], $0x40, s8, s23, $0xb8;
	[tilespmem:$0x17600] =	vst v63  }
0x7c: {  	_ =	swait.ge [sflag:s28], $0x2000  }
0x7d: {  	[sflag:s28] =	ssyncset.done $0x0  }
0x7e: {  	s8 =	sadd.s32 $0x2B00, s7;
	[sflag:s28] =	ssyncadd.s32 $0xFFFFE000  }
0x7f: {  	[spmem:s2] =	stream.indirect.scatter.add.f32 [tilespmem:s21], [sflag:$0x5], $0x40, s8, s23, $0xb8;
	[tilespmem:$0x17600] =	vst v63  }
0x80: {  	_ =	swait.ge [sflag:s29], $0x2000  }
0x81: {  	[sflag:s29] =	ssyncset.done $0x0  }
0x82: {  	[sflag:s29] =	ssyncadd.s32 $0xFFFFE000  }
0x83: {  	_ =	swait.ge [sflag:s30], $0x2000  }
0x84: {  	[sflag:s30] =	ssyncset.done $0x0  }
0x85: {  	s8 =	sadd.s32 $0x2B80, s7;
	[sflag:s30] =	ssyncadd.s32 $0xFFFFE000  }
0x86: {  	[spmem:s2] =	stream.indirect.scatter.add.f32 [tilespmem:s24], [sflag:$0x5], $0x40, s8, s23, $0xb8;
	[tilespmem:$0x17600] =	vst v63  }
0x87: {  	_ =	swait.ge [sflag:s31], $0x2000  }
0x88: {  	[sflag:s31] =	ssyncset.done $0x0  }
0x89: {  	[sflag:s31] =	ssyncadd.s32 $0xFFFFE000  }
0x8a: {  	_ =	swait.ge [sflag:s30], $0x2000  }
0x8b: {  	[sflag:s30] =	ssyncset.done $0x0  }
0x8c: {  	s8 =	sadd.s32 $0x2C00, s7;
	[sflag:s30] =	ssyncadd.s32 $0xFFFFE000  }
0x8d: {  	[spmem:s2] =	stream.indirect.scatter.add.f32 [tilespmem:s25], [sflag:$0x5], $0x40, s8, s23, $0xb8;
	[tilespmem:$0x17600] =	vst v63  }
0x8e: {  	_ =	swait.ge [sflag:s0], $0x2000  }
0x8f: {  	[sflag:s0] =	ssyncset.done $0x0  }
0x90: {  	[sflag:s0] =	ssyncadd.s32 $0xFFFFE000  }
0x91: {  	_ =	swait.ge [sflag:s30], $0x2000  }
.Ltmp5:
0x92: {  	[sflag:s30] =	ssyncset.done $0x0;
	(pc) =	sbr.rel @p3 .LBB2_6-.Ltmp5, $4  }
0x93: {  	s7 =	sadd.s32 $0x2C80, s7;
	[sflag:s30] =	ssyncadd.s32 $0xFFFFE000  }
0x94: {  	[spmem:s2] =	stream.indirect.scatter.add.f32 [tilespmem:s26], [sflag:$0x5], $0x40, s7, s23, $0xb8;
	[tilespmem:$0x17600] =	vst v63  }
0x95: {  	_ =	swait.ge [sflag:s30], $0x2000  }
0x96: {  	[sflag:s30] =	ssyncset.done $0x0  }
0x97: {  	s7 =	smov.u32 s1  }
.LBB2_8:
0x98: {  	s1 =	sshra.s32 s7, $0x2;
	[sflag:s30] =	ssyncadd.s32 @p2 $0xFFFFE000  }
0x99: {  	[tilespmem:s21], [sflag:$0x1] =	stream.indirect.gather [hbm4b:s4+s23], $0x40, s1, s23, $0xb8;
	[tilespmem:$0x17600] =	vst v63  }
0x9a: {  	s7 =	sadd.s32 $0x80, s1  }
0x9b: {  	[tilespmem:s24], [sflag:$0x2] =	stream.indirect.gather [hbm4b:s4+s23], $0x40, s7, s23, $0xb8;
	[tilespmem:$0x17600] =	vst v63  }
0x9c: {  	s16 =	sadd.s32 $0x100, s1  }
0x9d: {  	[tilespmem:s25], [sflag:$0x3] =	stream.indirect.gather [hbm4b:s4+s23], $0x40, s16, s23, $0xb8;
	[tilespmem:$0x17600] =	vst v63  }
0x9e: {  	s8 =	sadd.s32 $0x180, s1  }
0x9f: {  	[tilespmem:s26], [sflag:$0x4] =	stream.indirect.gather [hbm4b:s4+s23], $0x40, s8, s23, $0xb8;
	[tilespmem:$0x17600] =	vst v63  }
0xa0: {  	_ =	swait.ge [sflag:s28], $0x2000  }
0xa1: {  	[sflag:s28] =	ssyncset.done $0x0  }
0xa2: {  	s16 =	sadd.s32 $0x2B00, s1;
	[sflag:s28] =	ssyncadd.s32 $0xFFFFE000  }
0xa3: {  	[spmem:s2] =	stream.indirect.scatter.add.f32 [tilespmem:s21], [sflag:$0x5], $0x40, s16, s23, $0xb8;
	[tilespmem:$0x17600] =	vst v63  }
0xa4: {  	_ =	swait.ge [sflag:s29], $0x2000  }
0xa5: {  	[sflag:s29] =	ssyncset.done $0x0  }
0xa6: {  	[sflag:s29] =	ssyncadd.s32 $0xFFFFE000  }
0xa7: {  	_ =	swait.ge [sflag:s30], $0x2000  }
0xa8: {  	[sflag:s30] =	ssyncset.done $0x0  }
0xa9: {  	s8 =	sadd.s32 $0x2B80, s1;
	[sflag:s30] =	ssyncadd.s32 $0xFFFFE000  }
0xaa: {  	[spmem:s2] =	stream.indirect.scatter.add.f32 [tilespmem:s24], [sflag:$0x5], $0x40, s8, s23, $0xb8;
	[tilespmem:$0x17600] =	vst v63  }
0xab: {  	_ =	swait.ge [sflag:s31], $0x2000  }
0xac: {  	[sflag:s31] =	ssyncset.done $0x0  }
0xad: {  	[sflag:s31] =	ssyncadd.s32 $0xFFFFE000  }
0xae: {  	_ =	swait.ge [sflag:s30], $0x2000  }
0xaf: {  	[sflag:s30] =	ssyncset.done $0x0  }
0xb0: {  	s16 =	sadd.s32 $0x2C00, s1;
	[sflag:s30] =	ssyncadd.s32 $0xFFFFE000  }
0xb1: {  	[spmem:s2] =	stream.indirect.scatter.add.f32 [tilespmem:s25], [sflag:$0x5], $0x40, s16, s23, $0xb8;
	[tilespmem:$0x17600] =	vst v63  }
0xb2: {  	_ =	swait.ge [sflag:s0], $0x2000  }
0xb3: {  	[sflag:s0] =	ssyncset.done $0x0  }
0xb4: {  	[sflag:s0] =	ssyncadd.s32 $0xFFFFE000  }
0xb5: {  	_ =	swait.ge [sflag:s30], $0x2000  }
0xb6: {  	[sflag:s30] =	ssyncset.done $0x0  }
.Ltmp6:
0xb7: {  	s1 =	sadd.s32 $0x2C80, s1;
	[sflag:s30] =	ssyncadd.s32 $0xFFFFE000;
	(pc) =	sbr.rel @p1 .LBB2_12-.Ltmp6, $4  }
0xb8: {  	[spmem:s2] =	stream.indirect.scatter.add.f32 [tilespmem:s26], [sflag:$0x5], $0x40, s1, s23, $0xb8;
	[tilespmem:$0x17600] =	vst v63  }
0xb9: {  	_ =	swait.ge [sflag:s30], $0x2000  }
0xba: {  	[sflag:s30] =	ssyncset.done $0x0  }
0xbb: {  	[sflag:s30] =	ssyncadd.s32 $0xFFFFE000  }
0xbc: {  	[tilespmem:s21], [sflag:$0x1] =	stream.indirect.gather [hbm4b:s4+s23], $0x40, s18, s23, $0xb8;
	[tilespmem:$0x17600] =	vst v63  }
0xbd: {  	_ =	swait.ge [sflag:s28], $0x2000  }
0xbe: {  	s1 =	rddreg [dreg:$0x5]  }
0xbf: {  	s1 =	sadd.s32 $0x1, s1  }
0xc0: {  	p2 =	slt.u32 s1, s5  }
.Ltmp7:
0xc1: {  	[sflag:s28] =	ssyncset.done $0x0;
	(pc) =	sbr.rel @!p2 .LBB2_11-.Ltmp7, $4  }
0xc2: {  	[sflag:s28] =	ssyncadd.s32 $0xFFFFE000  }
0xc3: {  	[spmem:s2] =	stream.indirect.scatter.add.f32 [tilespmem:s21], [sflag:$0x5], $0x40, s20, s23, $0xb8;
	[tilespmem:$0x17600] =	vst v63  }
0xc4: {  	_ =	swait.ge [sflag:s30], $0x2000  }
0xc5: {  	s7 =	sadd.s32 $0x80, s20;
	s16 =	smov.u32 s18;
	[sflag:s30] =	ssyncset.done $0x0  }
.LBB2_10:
0xc6: {  	s1 =	sadd.s32 $0x1, s1;
	[sflag:s30] =	ssyncadd.s32 $0xFFFFE000;
	s16 =	sadd.s32 $0x80, s16  }
0xc7: {  	[tilespmem:s21], [sflag:$0x1] =	stream.indirect.gather [hbm4b:s4+s23], $0x40, s16, s23, $0xb8;
	[tilespmem:$0x17600] =	vst v63  }
0xc8: {  	p2 =	slt.u32 s1, s5;
	_ =	swait.ge [sflag:s28], $0x2000  }
.Ltmp8:
0xc9: {  	[sflag:s28] =	ssyncset.done $0x0;
	(pc) =	sbr.rel @p2 .LBB2_10-.Ltmp8, $4  }
0xca: {  	[sflag:s28] =	ssyncadd.s32 $0xFFFFE000  }
0xcb: {  	[spmem:s2] =	stream.indirect.scatter.add.f32 [tilespmem:s21], [sflag:$0x5], $0x40, s7, s23, $0xb8;
	[tilespmem:$0x17600] =	vst v63  }
0xcc: {  	_ =	swait.ge [sflag:s30], $0x2000  }
0xcd: {  	s7 =	sadd.s32 $0x80, s7;
	[sflag:s30] =	ssyncset.done $0x0  }
.Ltmp9:
0xce: {  	_ = 	snop;
	(pc) =	sbr.rel .LBB2_11-.Ltmp9, $1  }
0xcf: {  	_ =	sdelay $0x3  }
.LBB2_5:
.Ltmp10:
0xd0: {  	(pc) =	sbr.rel .LBB2_8-.Ltmp10, $2  }
0xd1: {  	_ =	sdelay $0x2  }
0xd2: {  	s7 =	simm.s32 $0x800  }
.LBB2_13:
0xd3: {  	_ =	sfence.sel $0x180000  }
0xd4: {  	[bflag:$0x0] =	sbarrier.arrive $0xFFFF  }
0xd5: {  	_ =	strace $0x9000004A  }
0xd6: {  	s0 =	stileid.u32;
	[bflag:$0x2] =	sbarrier.arrive $0xFFFF  }
0xd7: {  	p0 =	sne.s32 s0, $0x0;
	s0 =	rddreg [dreg:$0x2]  }
0xd8: {  	s0 =	sadd.s32 @!p0 $0x100000, s0  }
0xd9: {  	[sflag:s0] =	ssyncadd.tile.s32 @!p0 $0x1;
	_ =	shalt  }
.Lfunc_end2:
_tile_overlayer_lowered:
.L_overlay_start_2:
0xda: {  	(tag) =	ssettag $0x2  }
0xdb: {  	s0 =	rddreg [dreg:$0x0];
	s2 =	stileid.u32  }
0xdc: {  	s1 =	rddreg [dreg:$0x1];
	p0 =	sne.s32 s2, $0x0  }
0xdd: {  	s3 =	rddreg [dreg:$0x2];
	[bflag:$0x3] =	sbarrier.arrive $0xFFFF;
	s2 =	simm.s32 @!p0 $0x1C06  }
0xde: {  	[timem:s3], [sflag:s2] =	dma.local @!p0 [hbm:s0], s1  }
0xdf: {  	s0 =	simm.s32 @!p0 $0x6  }
0xe0: {  	_ =	swait.ge @!p0 [sflag:s0], s1  }
0xe1: {  	s1 =	ssub.s32 @!p0 $0x0, s1;
	[sflag:s0] =	ssyncset.done @!p0 $0x0  }
0xe2: {  	[sflag:s0] =	ssyncadd.s32 @!p0 s1  }
0xe3: {  	[bflag:$0x3] =	sbarrier.arrive $0xFFFF  }
0xe4: {  	_ =	shalt  }

// kernel: kernel.15.cloned.1.call-start
scs
__scs_entry_jumppad:
0x0: {  	(pc) =	sbr.rel $0x88, $3  }
0x1: {  	(tag) =	ssettag $0x0;
	lr =	simm.s32 $0x1  }
0x2: {  	[smem:$0x3F98] =	sst lr;
	_ =	strace $0xD0000000  }
0x3: {  	_ = 	snop  }
0x4: {  	_ = 	snop  }
0x5: {  	_ = 	snop  }
0x6: {  	_ = 	snop  }
0x7: {  	_ = 	snop  }
__scs_overlays_trampoline_lowered:
0x8: {  	[smem:$0x3FA7] =	sst s0  }
0x9: {  	[smem:$0x3FA8] =	sst s1  }
0xa: {  	[smem:$0x3FA9] =	sst s2  }
0xb: {  	[smem:$0x3FAA] =	sst s3  }
0xc: {  	[smem:$0x3FAB] =	sst s4  }
0xd: {  	[smem:$0x3FAC] =	sst s5  }
0xe: {  	[smem:$0x3FAD] =	sst s6  }
0xf: {  	[smem:$0x3FAE] =	sst s7  }
0x10: {  	[smem:$0x3FAF] =	sst s8  }
0x11: {  	[smem:$0x3FB0] =	sst s9;
	s0 =	simm.s32 @!p0 $0x0  }
0x12: {  	s1 =	sld [smem:$0x3F96];
	s0 =	simm.s32 @p0 $0x1  }
0x13: {  	[smem:$0x3FB1] =	sst s0;
	s0 =	simm.s32 @!p1 $0x0  }
0x14: {  	s2 =	sld [smem:$0x3F95];
	s0 =	simm.s32 @p1 $0x1  }
0x15: {  	[smem:$0x3FB2] =	sst s0;
	s0 =	simm.s32 @!p2 $0x0  }
0x16: {  	s3 =	sld [smem:$0x3FDB];
	s0 =	simm.s32 @p2 $0x1  }
0x17: {  	s4 =	simm.s32 $0x1BF5;
	[smem:$0x3FB4] =	sst s0  }
0x18: {  	s0 =	sld [smem:$0x3F97];
	_ =	swait.ge [sflag:s4], $0x0  }
0x19: {  	s7 =	sld [smem:$0x3F98]  }
0x1a: {  	s8 =	sadd.s32 $0xFFFFE003, lr  }
0x1b: {  	s9 =	sadd.s32 $0xFFFFFEF7, lr;
	s5 =	simm.s32 $0xFFFFFFFF;
	p2 =	slt.u32 s8, $0xFFFFF086  }
0x1c: {  	p1 =	slt.u32 s9, $0xF7A;
	s5 =	simm.s32 @!p2 $0x0  }
0x1d: {  	s5 =	simm.s32 @p1 $0x1;
	p0 =	seq.s32 s7, s2  }
0x1e: {  	s7 =	smul.u32 @!p0 $0xF7A, s2;
	p2 =	seq.s32 @!p0 s5, $0x0  }
0x1f: {  	s9 =	smul.u32 $0xF7A, s1;
	s8 =	simm.s32 @!p0 $0x1BF5;
	p2 =	por !p2, p0  }
0x20: {  	[sflag:s8] =	ssyncset.s32 @!p0 $0xFFFFF086;
	s6 =	sadd.s32 @!p0 s3, s7;
	s7 =	simm.s32 @!p0 $0x108  }
0x21: {  	s3 =	sadd.s32 s3, s9;
	s6 =	sadd.s32 @!p0 $0x88, s6;
	s7 =	simm.s32 @p2 $0x1082  }
0x22: {  	[simem:s7], [sflag:s8] =	dma.local @!p0 [hbm:s6], $0xF7A  }
0x23: {  	s9 =	sor.u32 $0xD0000000, s2;
	s6 =	simm.s32 $0x108;
	_ =	swait.ge @!p0 [sflag:s8], $0x0  }
0x24: {  	s3 =	sadd.s32 $0x88, s3;
	s6 =	simm.s32 @!p1 $0x1082;
	[sflag:s4] =	ssyncset.s32 $0xFFFFF086  }
0x25: {  	[simem:s6], [sflag:s4] =	dma.local [hbm:s3], $0xF7A  }
0x26: {  	[smem:$0x3F98] =	sst s1;
	(tag) =	ssettag s2;
	_ =	strace s9  }
0x27: {  	s1 =	sld [smem:$0x3FA8]  }
0x28: {  	s2 =	sld [smem:$0x3FA9]  }
0x29: {  	s4 =	sld [smem:$0x3FAB]  }
0x2a: {  	p0 =	seq.s32 s5, $0x0;
	s5 =	sld [smem:$0x3FAC]  }
0x2b: {  	s6 =	sld [smem:$0x3FAD]  }
0x2c: {  	s7 =	sld [smem:$0x3FAE]  }
0x2d: {  	s3 =	simm.s32 $0x108;
	s8 =	sld [smem:$0x3FAF]  }
0x2e: {  	s3 =	simm.s32 @!p0 $0x1082;
	s9 =	sld [smem:$0x3FB0]  }
0x2f: {  	lr =	sadd.s32 s0, s3;
	s0 =	sld [smem:$0x3FA7]  }
0x30: {  	s3 =	sld [smem:$0x3FAA]  }
0x31: {  	[smem:$0x3FB3] =	sst s10  }
0x32: {  	s10 =	sld [smem:$0x3FB1];
	_ =	sdelay $0x3  }
0x33: {  	p0 =	seq.s32 s10, $0x1;
	s10 =	sld [smem:$0x3FB3];
	_ =	sdelay $0x3  }
0x34: {  	[smem:$0x3FB3] =	sst s10  }
0x35: {  	s10 =	sld [smem:$0x3FB2];
	_ =	sdelay $0x3  }
0x36: {  	p1 =	seq.s32 s10, $0x1;
	s10 =	sld [smem:$0x3FB3];
	_ =	sdelay $0x3  }
0x37: {  	[smem:$0x3FB3] =	sst s10  }
0x38: {  	s10 =	sld [smem:$0x3FB4]  }
0x39: {  	_ = 	snop;
	(pc) =	sbr.ind lr, $3  }
0x3a: {  	_ = 	snop  }
0x3b: {  	_ = 	snop  }
0x3c: {  	p2 =	seq.s32 s10, $0x1;
	s10 =	sld [smem:$0x3FB3]  }
0x3d: {  	_ =	shalt  }
0x3e: {  	_ =	shalt  }
0x3f: {  	_ =	shalt  }
0x40: {  	_ =	shalt  }
0x41: {  	_ =	shalt  }
0x42: {  	_ =	shalt  }
0x43: {  	_ =	shalt  }
0x44: {  	_ =	shalt  }
0x45: {  	_ =	shalt  }
0x46: {  	_ =	shalt  }
0x47: {  	_ =	shalt  }
0x48: {  	_ =	shalt  }
0x49: {  	_ =	shalt  }
0x4a: {  	_ =	shalt  }
0x4b: {  	_ =	shalt  }
0x4c: {  	_ =	shalt  }
0x4d: {  	_ =	shalt  }
0x4e: {  	_ =	shalt  }
0x4f: {  	_ =	shalt  }
0x50: {  	_ =	shalt  }
0x51: {  	_ =	shalt  }
0x52: {  	_ =	shalt  }
0x53: {  	_ =	shalt  }
0x54: {  	_ =	shalt  }
0x55: {  	_ =	shalt  }
0x56: {  	_ =	shalt  }
0x57: {  	_ =	shalt  }
0x58: {  	_ =	shalt  }
0x59: {  	_ =	shalt  }
0x5a: {  	_ =	shalt  }
0x5b: {  	_ =	shalt  }
0x5c: {  	_ =	shalt  }
0x5d: {  	_ =	shalt  }
0x5e: {  	_ =	shalt  }
0x5f: {  	_ =	shalt  }
0x60: {  	_ =	shalt  }
0x61: {  	_ =	shalt  }
0x62: {  	_ =	shalt  }
0x63: {  	_ =	shalt  }
0x64: {  	_ =	shalt  }
0x65: {  	_ =	shalt  }
0x66: {  	_ =	shalt  }
0x67: {  	_ =	shalt  }
0x68: {  	_ =	shalt  }
0x69: {  	_ =	shalt  }
0x6a: {  	_ =	shalt  }
0x6b: {  	_ =	shalt  }
0x6c: {  	_ =	shalt  }
0x6d: {  	_ =	shalt  }
0x6e: {  	_ =	shalt  }
0x6f: {  	_ =	shalt  }
0x70: {  	_ =	shalt  }
0x71: {  	_ =	shalt  }
0x72: {  	_ =	shalt  }
0x73: {  	_ =	shalt  }
0x74: {  	_ =	shalt  }
0x75: {  	_ =	shalt  }
0x76: {  	_ =	shalt  }
0x77: {  	_ =	shalt  }
0x78: {  	_ =	shalt  }
0x79: {  	_ =	shalt  }
0x7a: {  	_ =	shalt  }
0x7b: {  	_ =	shalt  }
0x7c: {  	_ =	shalt  }
0x7d: {  	_ =	shalt  }
0x7e: {  	_ =	shalt  }
0x7f: {  	_ =	shalt  }
0x80: {  	_ =	shalt  }
0x81: {  	_ =	shalt  }
0x82: {  	_ =	shalt  }
0x83: {  	_ =	shalt  }
0x84: {  	_ =	shalt  }
0x85: {  	_ =	shalt  }
0x86: {  	_ =	shalt  }
0x87: {  	_ =	shalt  }
.Lfunc_end0:
.L_simem_size_0:
called_computation.2_lowered:
.L_overlay_start_0:
0x88: {  	s2 =	sld [smem:$0x3FD9]  }
0x89: {  	s3 =	sld [smem:$0x3FFE];
	_ =	sdelay $0x1  }
0x8a: {  	s1 =	srdreg.scid  }
0x8b: {  	s0 =	sand.u32 $0x1, s1  }
0x8c: {  	s16 =	sshll.u32 s0, $0xA;
	s2 =	sadd.s32 s3, s2  }
0x8d: {  	s2 =	sadd.s32 s2, s16  }
0x8e: {  	[smem:$0x3FBF] =	sst s2  }
0x8f: {  	_ = 	snop  }
0x90: {  	(tm) =	ssettm $0x1  }
0x91: {  	s17 =	sld [smem:$0x3FFB];
	_ =	sdelay $0x3  }
0x92: {  	_ =	strace s17  }
0x93: {  	s2 =	sld [smem:$0x3FFC];
	_ =	sdelay $0x3  }
0x94: {  	_ =	strace s2  }
0x95: {  	s2 =	sld [smem:$0x3FFD];
	_ =	sdelay $0x3  }
0x96: {  	_ =	strace s2  }
0x97: {  	_ =	strace $0x8FFFFFFF  }
0x98: {  	s18 =	sld [smem:$0x3FDB];
	_ =	sdelay $0x1  }
0x99: {  	s19 =	simm.s32 $_scs_section_size  }
0x9a: {  	s4 =	simm.s32 $_size__tile_overlayer_lowered;
	s5 =	simm.s32 $_tile_overlayer_lowered  }
0x9b: {  	s22 =	simm.s32 $0x1BFF;
	s21 =	sshll.u32 s5, $0x1;
	s2 =	sadd.s32 s19, s18  }
0x9c: {  	s6 =	simm.s32 $0x0;
	s20 =	sshll.u32 s4, $0x1;
	s4 =	sadd.s32 s21, s2  }
0x9d: {  	[timem:s6], [sflag:s22] =	dma.local [hbm:s4], s20  }
0x9e: {  	_ =	swait.ge [sflag:s22], s20  }
0x9f: {  	s3 =	ssub.s32 $0x0, s20;
	[sflag:s22] =	ssyncset.done $0x0  }
0xa0: {  	[sflag:s22] =	ssyncadd.s32 s3;
	_ =	sdelay $0x1  }
0xa1: {  	s23 =	simm.s32 $0x1B8B  }
0xa2: {  	_ =	swait.ge [sflag:s23], $0x1  }
0xa3: {  	[sflag:s23] =	ssyncset.done $0x0  }
0xa4: {  	s25 =	simm.s32 $0x1B8E;
	s24 =	sld [smem:$0x3FFE];
	[sflag:s23] =	ssyncadd.s32 $0xFFFFFFFF  }
0xa5: {  	s26 =	simm.s32 $execute0_lowered;
	[smem:$0x3FD2] =	sst s25  }
0xa6: {  	s4 =	sshll.u32 s26, $0x1;
	_ =	strace $0x8000004C;
	[dreg:$0x1] =	wrdreg $0xFFFFFFFF  }
0xa7: {  	s28 =	simm.s32 $_size_execute0_lowered;
	s2 =	sadd.s32 s2, s4;
	[dreg:$0x0] =	wrdreg $0x0  }
0xa8: {  	s4 =	sshll.u32 s28, $0x1;
	[dreg:$0x2] =	wrdreg s2  }
0xa9: {  	[dreg:$0x3] =	wrdreg s4  }
0xaa: {  	[dreg:$0x4] =	wrdreg $0xC0  }
0xab: {  	_ =	task [dreg:s6], $0x5FFFF  }
0xac: {  	[dreg:$0x1] =	wrdreg $0xFFFFFFFF  }
0xad: {  	[dreg:$0x0] =	wrdreg $0x60  }
0xae: {  	[dreg:$0x2] =	wrdreg s24  }
0xaf: {  	[dreg:$0x3] =	wrdreg $0x96000  }
0xb0: {  	[dreg:$0x4] =	wrdreg $0x9  }
0xb1: {  	_ =	task.clear_ibuf [dreg:s6], $0x5FFFF;
	_ =	strace $0x9000004C  }
0xb2: {  	s29 =	simm.s32 $0x9;
	_ =	strace $0x8000004E  }
0xb3: {  	_ =	swait.ge [sflag:s29], $0x1  }
0xb4: {  	[sflag:s29] =	ssyncadd.s32 $0xFFFFFFFF  }
0xb5: {  	_ =	strace $0x9000004E  }
0xb6: {  	_ =	sfence  }
0xb7: {  	s30 =	sld [smem:$0x0];
	_ =	sdelay $0x2  }
0xb8: {  	s31 =	sshll.u32 s1, $0xD;
	s1 =	sshrl.u32 s1, $0x2  }
0xb9: {  	s3 =	sand.u32 $0x4000, s31;
	s1 =	sadd.s32 s1, s30  }
0xba: {  	s0 =	sor.u32 s3, s0;
	s1 =	sshll.u32 s1, $0x11  }
0xbb: {  	s0 =	sor.u32 s1, s0  }
0xbc: {  	s0 =	sadd.s32 $0x8F2B, s0  }
0xbd: {  	[sflag:s0] =	ssyncadd.remote.s32 $0x1  }
0xbe: {  	_ =	sfence.sel $0xFFFF  }
0xbf: {  	[dreg:$0x0] =	wrdreg $0xFFFFFFFF;
	(pc) =	sbr.abs _section_cstart, $3  }
0xc0: {  	[dreg:$0x1] =	wrdreg $0xFFFFFFFF  }
0xc1: {  	_ =	task.clear_ibuf [dreg:s6], $0x2FFFF;
	_ =	strace $0x9FFFFFFF  }
0xc2: {  	(tm) =	ssettm $0x7FFFFFFF  }
0xc3: {  	_ =	shalt  }
tec
execute0_lowered:
.L_overlay_start_1:
0x0: {  	(tag) =	ssettag $0x1  }
0x1: {  	s0 =	rddreg [dreg:$0x0]  }
0x2: {  	s2 =	rddreg [dreg:$0x1];
	s1 =	srdreg.scid  }
0x3: {  	s13 =	stileid.u32;
	s3 =	simm.s32 $0x0;
	s21 =	simm.s32 $0x5600  }
0x4: {  	s22 =	simm.s32 $0x6;
	s28 =	simm.s32 $0x1;
	s29 =	simm.s32 $0x2  }
0x5: {  	s30 =	simm.s32 $0x5;
	s31 =	simm.s32 $0x3;
	s6 =	smul.u32 $0x5000, s13  }
0x6: {  	s1 =	sand.u32 $0x1, s1;
	[smem:$0x7FF] =	sst s3;
	s23 =	smul.u32 $0x14000, s13  }
0x7: {  	s4 =	sadd.s32 $0x15800, s0;
	s7 =	sadd.s32 $0x1C00, s0;
	s24 =	smul.u32 $0x47, s13  }
0x8: {  	s14 =	sadd.s32 $0xBA00, s0;
	s10 =	smax.u32 s13, $0xC;
	s15 =	smul.u32 $0x550, s13  }
0x9: {  	p1 =	sgt.u32 s13, $0xB;
	s5 =	smul.u32 $0x50000, s1;
	s8 =	ssub.s32 $0x2, s1  }
0xa: {  	_ =	strace $0x8000004D;
	p0 =	seq.s32 s1, $0x0;
	s9 =	sshrl.u32 s8, $0x1  }
0xb: {  	s10 =	sadd.s32 s10, s24;
	s13 =	sadd.s32 s7, s15;
	s24 =	simm.s32 $0x6600  }
0xc: {  	s5 =	sadd.s32 s6, s5;
	s16 =	ssub.s32 s8, s9;
	s8 =	sshrl.u32 s23, $0x2  }
0xd: {  	s6 =	sadd.s32 s6, s2;
	s12 =	sshll.u32 s10, $0x4;
	s23 =	simm.s32 $0x80  }
0xe: {  	s5 =	sshrl.u32 s5, $0x3;
	s11 =	sadd.s32 s8, s2;
	s12 =	sadd.s32 $0x5440, s12  }
0xf: {  	s19 =	smax.u32 s16, $0x1;
	s0 =	sadd.s32 s5, s0;
	s5 =	simm.s32 $0x48  }
0x10: {  	s8 =	sadd.s32 $0x1000, s11;
	s25 =	sadd.s32 $0x2000, s11;
	s9 =	sadd.s32 $0x3000, s11  }
0x11: {  	s10 =	sadd.s32 $0x4000, s11;
	s11 =	sadd.s32 s7, s12;
	s12 =	sadd.s32 s14, s12  }
0x12: {  	s14 =	sadd.s32 s14, s15;
	s5 =	simm.s32 @!p1 $0x47;
	[dreg:$0x3] =	wrdreg s8  }
.Ltmp0:
0x13: {  	[dreg:$0x4] =	wrdreg s25;
	s5 =	simm.s32 @p0 $0x55;
	(pc) =	sbr.rel .LBB2_1-.Ltmp0, $4  }
0x14: {  	s25 =	simm.s32 $0x7600;
	p0 =	sne.s32 s1, $0x0;
	s17 =	sshll.u32 s5, $0x9  }
0x15: {  	s26 =	sand.u32 $0x5C, s5;
	s15 =	sand.u32 $0xB800, s17;
	s17 =	sadd.s32 $0x1F600, s0  }
0x16: {  	[dreg:$0x5] =	wrdreg s26;
	p1 =	seq.s32 s26, s5;
	s18 =	sshrl.u32 s15, $0x2  }
0x17: {  	v0 =	vimm.f32 $0.0e+00;
	s26 =	simm.s32 $0x8600;
	s0 =	simm.s32 $0x4;
	s20 =	sadd.s32 $0x2B00, s18  }
.LBB2_11:
0x18: {  	[sflag:s30] =	ssyncadd.s32 $0xFFFFF000  }
.LBB2_12:
0x19: {  	s1 =	stileid.u32;
	s3 =	sadd.s32 $0x1, s3  }
0x1a: {  	[bflag:$0x0] =	sbarrier.arrive $0xFFFF;
	s1 =	sshll.u32 s1, $0x6;
	p2 =	sne.s32 s3, s19  }
.Ltmp1:
0x1b: {  	s7 =	sshrl.u32 s6, $0x3;
	s1 =	sor.u32 $0x1C06, s1;
	(pc) =	sbr.rel @!p2 .LBB2_13-.Ltmp1, $4  }
0x1c: {  	[hbm:s17], [sflag:s1] =	dma.local [spmem:s7], $0xA00  }
0x1d: {  	_ =	swait.ge [sflag:s22], $0xA00  }
0x1e: {  	[sflag:s22] =	ssyncset.done $0x0  }
0x1f: {  	[sflag:s22] =	ssyncadd.s32 $0xFFFFF600  }
.LBB2_1:
0x20: {  	s1 =	simm.s32 $0x80;
	s7 =	simm.s32 $0x0  }
.LBB2_2:
0x21: {  	p2 =	sne.s32 s1, $0x3F80;
	[tilespmem:s7+$0x5600] =	vst v0;
	s16 =	smov.u32 s1;
	s1 =	sadd.s32 $0x80, s1  }
.Ltmp2:
0x22: {  	[tilespmem:s7+$0x5610] =	vst v0;
	(pc) =	sbr.rel @p2 .LBB2_2-.Ltmp2, $2  }
0x23: {  	_ =	sdelay $0x2  }
0x24: {  	s7 =	sshra.s32 s16, $0x2  }
0x25: {  	[tilespmem:s7+$0x5600] =	vst v0  }
0x26: {  	[tilespmem:s7+$0x5610] =	vst v0  }
0x27: {  	[spmem:s6] =	stream.linear.scatter [tilespmem:s21], [sflag:$0x6], $0x1000, $0x38;
	[tilespmem:$0xE600] =	vst v63  }
0x28: {  	_ =	swait.ge [sflag:s22], $0x1000  }
0x29: {  	[sflag:s22] =	ssyncset.done $0x0  }
0x2a: {  	s1 =	rddreg [dreg:$0x3];
	[sflag:s22] =	ssyncadd.s32 $0xFFFFF000  }
0x2b: {  	[spmem:s1] =	stream.linear.scatter [tilespmem:s21], [sflag:$0x6], $0x1000, $0x38;
	[tilespmem:$0xE600] =	vst v63  }
0x2c: {  	_ =	swait.ge [sflag:s22], $0x1000  }
0x2d: {  	[sflag:s22] =	ssyncset.done $0x0  }
0x2e: {  	s16 =	rddreg [dreg:$0x4];
	[sflag:s22] =	ssyncadd.s32 $0xFFFFF000  }
0x2f: {  	[spmem:s16] =	stream.linear.scatter [tilespmem:s21], [sflag:$0x6], $0x1000, $0x38;
	[tilespmem:$0xE600] =	vst v63  }
0x30: {  	_ =	swait.ge [sflag:s22], $0x1000  }
0x31: {  	[sflag:s22] =	ssyncset.done $0x0  }
0x32: {  	[sflag:s22] =	ssyncadd.s32 $0xFFFFF000  }
0x33: {  	[spmem:s9] =	stream.linear.scatter [tilespmem:s21], [sflag:$0x6], $0x1000, $0x38;
	[tilespmem:$0xE600] =	vst v63  }
0x34: {  	_ =	swait.ge [sflag:s22], $0x1000  }
0x35: {  	[sflag:s22] =	ssyncset.done $0x0  }
0x36: {  	[sflag:s22] =	ssyncadd.s32 $0xFFFFF000  }
0x37: {  	[spmem:s10] =	stream.linear.scatter [tilespmem:s21], [sflag:$0x6], $0x1000, $0x38;
	[tilespmem:$0xE600] =	vst v63  }
0x38: {  	_ =	swait.ge [sflag:s22], $0x1000  }
0x39: {  	[sflag:s22] =	ssyncset.done $0x0  }
0x3a: {  	s7 =	simm.s32 @p0 $0x6;
	s1 =	simm.s32 @p0 $0x0;
	[sflag:s22] =	ssyncadd.s32 $0xFFFFF000  }
0x3b: {  	[tilespmem:s1], [sflag:$0x6] =	stream.linear.gather @p0 [hbm4b:s11+s1], $0x2400, $0x38;
	[tilespmem:$0xE600] =	vst v63  }
0x3c: {  	_ =	swait.ge @p0 [sflag:s7], $0x2400  }
0x3d: {  	[sflag:s7] =	ssyncset.done @p0 $0x0  }
0x3e: {  	s16 =	simm.s32 @p0 $0x2B00;
	[sflag:s7] =	ssyncadd.s32 @p0 $0xFFFFDC00  }
0x3f: {  	[tilespmem:s16], [sflag:$0x6] =	stream.linear.gather @p0 [hbm4b:s12+s1], $0x2400, $0x38;
	[tilespmem:$0xE600] =	vst v63  }
0x40: {  	_ =	swait.ge @p0 [sflag:s7], $0x2400  }
0x41: {  	[sflag:s7] =	ssyncset.done @p0 $0x0  }
0x42: {  	s1 =	simm.s32 @!p0 $0x0;
	[sflag:s7] =	ssyncadd.s32 @p0 $0xFFFFDC00;
	s7 =	simm.s32 @!p0 $0x6  }
0x43: {  	[tilespmem:s1], [sflag:$0x6] =	stream.linear.gather @!p0 [hbm4b:s13+s1], $0x2A80, $0x38;
	[tilespmem:$0xE600] =	vst v63  }
0x44: {  	_ =	swait.ge @!p0 [sflag:s7], $0x2A80  }
0x45: {  	[sflag:s7] =	ssyncset.done @!p0 $0x0  }
0x46: {  	p3 =	sne.s32 s15, $0x800;
	s16 =	simm.s32 @!p0 $0x2B00;
	[sflag:s7] =	ssyncadd.s32 @!p0 $0xFFFFD580  }
0x47: {  	[tilespmem:s16], [sflag:$0x6] =	stream.linear.gather @!p0 [hbm4b:s14+s1], $0x2A80, $0x38;
	[tilespmem:$0xE600] =	vst v63  }
.Ltmp3:
0x48: {  	_ =	swait.ge @!p0 [sflag:s7], $0x2A80;
	(pc) =	sbr.rel @!p3 .LBB2_8-.Ltmp3, $4  }
0x49: {  	[sflag:s7] =	ssyncset.done @!p0 $0x0  }
0x4a: {  	[sflag:s7] =	ssyncadd.s32 @!p0 $0xFFFFD580  }
0x4b: {  	[bflag:$0x0] =	sbarrier.arrive $0xFFFF  }
0x4c: {  	p2 =	por $0x0, $0x0;
	s1 =	simm.s32 $0x800;
	s7 =	simm.s32 $0x0  }
0x4d: {  	s7 =	simm.s32 $0x0  }
0x4e: {  	[tilespmem:s21], [sflag:$0x1] =	stream.indirect.gather [hbm4b:s4+s23], $0x20, s7, s23, $0xb8;
	[tilespmem:$0xE600] =	vst v63  }
0x4f: {  	s16 =	simm.s32 $0x80  }
0x50: {  	[tilespmem:s24], [sflag:$0x2] =	stream.indirect.gather [hbm4b:s4+s23], $0x20, s16, s23, $0xb8;
	[tilespmem:$0xE600] =	vst v63  }
0x51: {  	s8 =	simm.s32 $0x100  }
0x52: {  	[tilespmem:s25], [sflag:$0x3] =	stream.indirect.gather [hbm4b:s4+s23], $0x20, s8, s23, $0xb8;
	[tilespmem:$0xE600] =	vst v63  }
0x53: {  	s16 =	simm.s32 $0x180  }
0x54: {  	[tilespmem:s26], [sflag:$0x4] =	stream.indirect.gather [hbm4b:s4+s23], $0x20, s16, s23, $0xb8;
	[tilespmem:$0xE600] =	vst v63  }
0x55: {  	_ =	swait.ge [sflag:s28], $0x1000  }
0x56: {  	[sflag:s28] =	ssyncset.done $0x0  }
0x57: {  	s8 =	simm.s32 $0x2B00;
	[sflag:s28] =	ssyncadd.s32 $0xFFFFF000  }
0x58: {  	[spmem:s2] =	stream.indirect.scatter.add.f32 [tilespmem:s21], [sflag:$0x5], $0x20, s8, s23, $0xb8;
	[tilespmem:$0xE600] =	vst v63  }
0x59: {  	_ =	swait.ge [sflag:s29], $0x1000  }
0x5a: {  	[sflag:s29] =	ssyncset.done $0x0  }
0x5b: {  	[sflag:s29] =	ssyncadd.s32 $0xFFFFF000  }
0x5c: {  	_ =	swait.ge [sflag:s30], $0x1000  }
0x5d: {  	[sflag:s30] =	ssyncset.done $0x0  }
0x5e: {  	s16 =	simm.s32 $0x2B80;
	[sflag:s30] =	ssyncadd.s32 $0xFFFFF000  }
0x5f: {  	[spmem:s2] =	stream.indirect.scatter.add.f32 [tilespmem:s24], [sflag:$0x5], $0x20, s16, s23, $0xb8;
	[tilespmem:$0xE600] =	vst v63  }
0x60: {  	_ =	swait.ge [sflag:s31], $0x1000  }
0x61: {  	[sflag:s31] =	ssyncset.done $0x0  }
0x62: {  	[sflag:s31] =	ssyncadd.s32 $0xFFFFF000  }
0x63: {  	_ =	swait.ge [sflag:s30], $0x1000  }
0x64: {  	[sflag:s30] =	ssyncset.done $0x0  }
0x65: {  	s8 =	simm.s32 $0x2C00;
	[sflag:s30] =	ssyncadd.s32 $0xFFFFF000  }
0x66: {  	[spmem:s2] =	stream.indirect.scatter.add.f32 [tilespmem:s25], [sflag:$0x5], $0x20, s8, s23, $0xb8;
	[tilespmem:$0xE600] =	vst v63  }
0x67: {  	_ =	swait.ge [sflag:s0], $0x1000  }
0x68: {  	[sflag:s0] =	ssyncset.done $0x0  }
0x69: {  	[sflag:s0] =	ssyncadd.s32 $0xFFFFF000  }
0x6a: {  	p3 =	sne.s32 s15, $0x1000;
	_ =	swait.ge [sflag:s30], $0x1000  }
.Ltmp4:
0x6b: {  	[sflag:s30] =	ssyncset.done $0x0;
	(pc) =	sbr.rel @!p3 .LBB2_5-.Ltmp4, $4  }
0x6c: {  	s16 =	simm.s32 $0x2C80;
	[sflag:s30] =	ssyncadd.s32 $0xFFFFF000  }
0x6d: {  	[spmem:s2] =	stream.indirect.scatter.add.f32 [tilespmem:s26], [sflag:$0x5], $0x20, s16, s23, $0xb8;
	[tilespmem:$0xE600] =	vst v63  }
0x6e: {  	_ =	swait.ge [sflag:s30], $0x1000  }
0x6f: {  	p2 =	por $0x1, $0x1;
	s16 =	simm.s32 $0x1000;
	[sflag:s30] =	ssyncset.done $0x0  }
.LBB2_6:
0x70: {  	s7 =	sshra.s32 s1, $0x2  }
0x71: {  	[sflag:s30] =	ssyncadd.s32 $0xFFFFF000;
	s1 =	smov.u32 s16;
	s16 =	sadd.s32 $0x800, s16  }
0x72: {  	[tilespmem:s21], [sflag:$0x1] =	stream.indirect.gather [hbm4b:s4+s23], $0x20, s7, s23, $0xb8;
	[tilespmem:$0xE600] =	vst v63  }
0x73: {  	p3 =	sne.s32 s15, s16;
	s8 =	sadd.s32 $0x80, s7  }
0x74: {  	[tilespmem:s24], [sflag:$0x2] =	stream.indirect.gather [hbm4b:s4+s23], $0x20, s8, s23, $0xb8;
	[tilespmem:$0xE600] =	vst v63  }
0x75: {  	s8 =	sadd.s32 $0x100, s7  }
0x76: {  	[tilespmem:s25], [sflag:$0x3] =	stream.indirect.gather [hbm4b:s4+s23], $0x20, s8, s23, $0xb8;
	[tilespmem:$0xE600] =	vst v63  }
0x77: {  	s8 =	sadd.s32 $0x180, s7  }
0x78: {  	[tilespmem:s26], [sflag:$0x4] =	stream.indirect.gather [hbm4b:s4+s23], $0x20, s8, s23, $0xb8;
	[tilespmem:$0xE600] =	vst v63  }
0x79: {  	_ =	swait.ge [sflag:s28], $0x1000  }
0x7a: {  	[sflag:s28] =	ssyncset.done $0x0  }
0x7b: {  	s8 =	sadd.s32 $0x2B00, s7;
	[sflag:s28] =	ssyncadd.s32 $0xFFFFF000  }
0x7c: {  	[spmem:s2] =	stream.indirect.scatter.add.f32 [tilespmem:s21], [sflag:$0x5], $0x20, s8, s23, $0xb8;
	[tilespmem:$0xE600] =	vst v63  }
0x7d: {  	_ =	swait.ge [sflag:s29], $0x1000  }
0x7e: {  	[sflag:s29] =	ssyncset.done $0x0  }
0x7f: {  	[sflag:s29] =	ssyncadd.s32 $0xFFFFF000  }
0x80: {  	_ =	swait.ge [sflag:s30], $0x1000  }
0x81: {  	[sflag:s30] =	ssyncset.done $0x0  }
0x82: {  	s8 =	sadd.s32 $0x2B80, s7;
	[sflag:s30] =	ssyncadd.s32 $0xFFFFF000  }
0x83: {  	[spmem:s2] =	stream.indirect.scatter.add.f32 [tilespmem:s24], [sflag:$0x5], $0x20, s8, s23, $0xb8;
	[tilespmem:$0xE600] =	vst v63  }
0x84: {  	_ =	swait.ge [sflag:s31], $0x1000  }
0x85: {  	[sflag:s31] =	ssyncset.done $0x0  }
0x86: {  	[sflag:s31] =	ssyncadd.s32 $0xFFFFF000  }
0x87: {  	_ =	swait.ge [sflag:s30], $0x1000  }
0x88: {  	[sflag:s30] =	ssyncset.done $0x0  }
0x89: {  	s8 =	sadd.s32 $0x2C00, s7;
	[sflag:s30] =	ssyncadd.s32 $0xFFFFF000  }
0x8a: {  	[spmem:s2] =	stream.indirect.scatter.add.f32 [tilespmem:s25], [sflag:$0x5], $0x20, s8, s23, $0xb8;
	[tilespmem:$0xE600] =	vst v63  }
0x8b: {  	_ =	swait.ge [sflag:s0], $0x1000  }
0x8c: {  	[sflag:s0] =	ssyncset.done $0x0  }
0x8d: {  	[sflag:s0] =	ssyncadd.s32 $0xFFFFF000  }
0x8e: {  	_ =	swait.ge [sflag:s30], $0x1000  }
.Ltmp5:
0x8f: {  	[sflag:s30] =	ssyncset.done $0x0;
	(pc) =	sbr.rel @p3 .LBB2_6-.Ltmp5, $4  }
0x90: {  	s7 =	sadd.s32 $0x2C80, s7;
	[sflag:s30] =	ssyncadd.s32 $0xFFFFF000  }
0x91: {  	[spmem:s2] =	stream.indirect.scatter.add.f32 [tilespmem:s26], [sflag:$0x5], $0x20, s7, s23, $0xb8;
	[tilespmem:$0xE600] =	vst v63  }
0x92: {  	_ =	swait.ge [sflag:s30], $0x1000  }
0x93: {  	[sflag:s30] =	ssyncset.done $0x0  }
0x94: {  	s7 =	smov.u32 s1  }
.LBB2_8:
0x95: {  	s1 =	sshra.s32 s7, $0x2;
	[sflag:s30] =	ssyncadd.s32 @p2 $0xFFFFF000  }
0x96: {  	[tilespmem:s21], [sflag:$0x1] =	stream.indirect.gather [hbm4b:s4+s23], $0x20, s1, s23, $0xb8;
	[tilespmem:$0xE600] =	vst v63  }
0x97: {  	s7 =	sadd.s32 $0x80, s1  }
0x98: {  	[tilespmem:s24], [sflag:$0x2] =	stream.indirect.gather [hbm4b:s4+s23], $0x20, s7, s23, $0xb8;
	[tilespmem:$0xE600] =	vst v63  }
0x99: {  	s16 =	sadd.s32 $0x100, s1  }
0x9a: {  	[tilespmem:s25], [sflag:$0x3] =	stream.indirect.gather [hbm4b:s4+s23], $0x20, s16, s23, $0xb8;
	[tilespmem:$0xE600] =	vst v63  }
0x9b: {  	s8 =	sadd.s32 $0x180, s1  }
0x9c: {  	[tilespmem:s26], [sflag:$0x4] =	stream.indirect.gather [hbm4b:s4+s23], $0x20, s8, s23, $0xb8;
	[tilespmem:$0xE600] =	vst v63  }
0x9d: {  	_ =	swait.ge [sflag:s28], $0x1000  }
0x9e: {  	[sflag:s28] =	ssyncset.done $0x0  }
0x9f: {  	s16 =	sadd.s32 $0x2B00, s1;
	[sflag:s28] =	ssyncadd.s32 $0xFFFFF000  }
0xa0: {  	[spmem:s2] =	stream.indirect.scatter.add.f32 [tilespmem:s21], [sflag:$0x5], $0x20, s16, s23, $0xb8;
	[tilespmem:$0xE600] =	vst v63  }
0xa1: {  	_ =	swait.ge [sflag:s29], $0x1000  }
0xa2: {  	[sflag:s29] =	ssyncset.done $0x0  }
0xa3: {  	[sflag:s29] =	ssyncadd.s32 $0xFFFFF000  }
0xa4: {  	_ =	swait.ge [sflag:s30], $0x1000  }
0xa5: {  	[sflag:s30] =	ssyncset.done $0x0  }
0xa6: {  	s8 =	sadd.s32 $0x2B80, s1;
	[sflag:s30] =	ssyncadd.s32 $0xFFFFF000  }
0xa7: {  	[spmem:s2] =	stream.indirect.scatter.add.f32 [tilespmem:s24], [sflag:$0x5], $0x20, s8, s23, $0xb8;
	[tilespmem:$0xE600] =	vst v63  }
0xa8: {  	_ =	swait.ge [sflag:s31], $0x1000  }
0xa9: {  	[sflag:s31] =	ssyncset.done $0x0  }
0xaa: {  	[sflag:s31] =	ssyncadd.s32 $0xFFFFF000  }
0xab: {  	_ =	swait.ge [sflag:s30], $0x1000  }
0xac: {  	[sflag:s30] =	ssyncset.done $0x0  }
0xad: {  	s16 =	sadd.s32 $0x2C00, s1;
	[sflag:s30] =	ssyncadd.s32 $0xFFFFF000  }
0xae: {  	[spmem:s2] =	stream.indirect.scatter.add.f32 [tilespmem:s25], [sflag:$0x5], $0x20, s16, s23, $0xb8;
	[tilespmem:$0xE600] =	vst v63  }
0xaf: {  	_ =	swait.ge [sflag:s0], $0x1000  }
0xb0: {  	[sflag:s0] =	ssyncset.done $0x0  }
0xb1: {  	[sflag:s0] =	ssyncadd.s32 $0xFFFFF000  }
0xb2: {  	_ =	swait.ge [sflag:s30], $0x1000  }
0xb3: {  	[sflag:s30] =	ssyncset.done $0x0  }
.Ltmp6:
0xb4: {  	s1 =	sadd.s32 $0x2C80, s1;
	[sflag:s30] =	ssyncadd.s32 $0xFFFFF000;
	(pc) =	sbr.rel @p1 .LBB2_12-.Ltmp6, $4  }
0xb5: {  	[spmem:s2] =	stream.indirect.scatter.add.f32 [tilespmem:s26], [sflag:$0x5], $0x20, s1, s23, $0xb8;
	[tilespmem:$0xE600] =	vst v63  }
0xb6: {  	_ =	swait.ge [sflag:s30], $0x1000  }
0xb7: {  	[sflag:s30] =	ssyncset.done $0x0  }
0xb8: {  	[sflag:s30] =	ssyncadd.s32 $0xFFFFF000  }
0xb9: {  	[tilespmem:s21], [sflag:$0x1] =	stream.indirect.gather [hbm4b:s4+s23], $0x20, s18, s23, $0xb8;
	[tilespmem:$0xE600] =	vst v63  }
0xba: {  	_ =	swait.ge [sflag:s28], $0x1000  }
0xbb: {  	s1 =	rddreg [dreg:$0x5]  }
0xbc: {  	s1 =	sadd.s32 $0x1, s1  }
0xbd: {  	p2 =	slt.u32 s1, s5  }
.Ltmp7:
0xbe: {  	[sflag:s28] =	ssyncset.done $0x0;
	(pc) =	sbr.rel @!p2 .LBB2_11-.Ltmp7, $4  }
0xbf: {  	[sflag:s28] =	ssyncadd.s32 $0xFFFFF000  }
0xc0: {  	[spmem:s2] =	stream.indirect.scatter.add.f32 [tilespmem:s21], [sflag:$0x5], $0x20, s20, s23, $0xb8;
	[tilespmem:$0xE600] =	vst v63  }
0xc1: {  	_ =	swait.ge [sflag:s30], $0x1000  }
0xc2: {  	s7 =	sadd.s32 $0x80, s20;
	s16 =	smov.u32 s18;
	[sflag:s30] =	ssyncset.done $0x0  }
.LBB2_10:
0xc3: {  	s1 =	sadd.s32 $0x1, s1;
	[sflag:s30] =	ssyncadd.s32 $0xFFFFF000;
	s16 =	sadd.s32 $0x80, s16  }
0xc4: {  	[tilespmem:s21], [sflag:$0x1] =	stream.indirect.gather [hbm4b:s4+s23], $0x20, s16, s23, $0xb8;
	[tilespmem:$0xE600] =	vst v63  }
0xc5: {  	p2 =	slt.u32 s1, s5;
	_ =	swait.ge [sflag:s28], $0x1000  }
.Ltmp8:
0xc6: {  	[sflag:s28] =	ssyncset.done $0x0;
	(pc) =	sbr.rel @p2 .LBB2_10-.Ltmp8, $4  }
0xc7: {  	[sflag:s28] =	ssyncadd.s32 $0xFFFFF000  }
0xc8: {  	[spmem:s2] =	stream.indirect.scatter.add.f32 [tilespmem:s21], [sflag:$0x5], $0x20, s7, s23, $0xb8;
	[tilespmem:$0xE600] =	vst v63  }
0xc9: {  	_ =	swait.ge [sflag:s30], $0x1000  }
0xca: {  	s7 =	sadd.s32 $0x80, s7;
	[sflag:s30] =	ssyncset.done $0x0  }
.Ltmp9:
0xcb: {  	_ = 	snop;
	(pc) =	sbr.rel .LBB2_11-.Ltmp9, $1  }
0xcc: {  	_ =	sdelay $0x3  }
.LBB2_5:
.Ltmp10:
0xcd: {  	(pc) =	sbr.rel .LBB2_8-.Ltmp10, $2  }
0xce: {  	_ =	sdelay $0x2  }
0xcf: {  	s7 =	simm.s32 $0x800  }
.LBB2_13:
0xd0: {  	_ =	sfence.sel $0x180000  }
0xd1: {  	[bflag:$0x0] =	sbarrier.arrive $0xFFFF  }
0xd2: {  	_ =	strace $0x9000004D  }
0xd3: {  	s0 =	stileid.u32;
	[bflag:$0x2] =	sbarrier.arrive $0xFFFF  }
0xd4: {  	p0 =	sne.s32 s0, $0x0;
	s0 =	rddreg [dreg:$0x2]  }
0xd5: {  	s0 =	sadd.s32 @!p0 $0x100000, s0  }
0xd6: {  	[sflag:s0] =	ssyncadd.tile.s32 @!p0 $0x1;
	_ =	shalt  }
.Lfunc_end2:
_tile_overlayer_lowered:
.L_overlay_start_2:
0xd7: {  	(tag) =	ssettag $0x2  }
0xd8: {  	s0 =	rddreg [dreg:$0x0];
	s2 =	stileid.u32  }
0xd9: {  	s1 =	rddreg [dreg:$0x1];
	p0 =	sne.s32 s2, $0x0  }
0xda: {  	s3 =	rddreg [dreg:$0x2];
	[bflag:$0x3] =	sbarrier.arrive $0xFFFF;
	s2 =	simm.s32 @!p0 $0x1C06  }
0xdb: {  	[timem:s3], [sflag:s2] =	dma.local @!p0 [hbm:s0], s1  }
0xdc: {  	s0 =	simm.s32 @!p0 $0x6  }
0xdd: {  	_ =	swait.ge @!p0 [sflag:s0], s1  }
0xde: {  	s1 =	ssub.s32 @!p0 $0x0, s1;
	[sflag:s0] =	ssyncset.done @!p0 $0x0  }
0xdf: {  	[sflag:s0] =	ssyncadd.s32 @!p0 s1  }
0xe0: {  	[bflag:$0x3] =	sbarrier.arrive $0xFFFF  }
0xe1: {  	_ =	shalt  }

// kernel: kernel.9.cloned.1.call-start
scs
__scs_entry_jumppad:
0x0: {  	(pc) =	sbr.rel $0x88, $3  }
0x1: {  	(tag) =	ssettag $0x0;
	lr =	simm.s32 $0x1  }
0x2: {  	[smem:$0x3F98] =	sst lr;
	_ =	strace $0xD0000000  }
0x3: {  	_ = 	snop  }
0x4: {  	_ = 	snop  }
0x5: {  	_ = 	snop  }
0x6: {  	_ = 	snop  }
0x7: {  	_ = 	snop  }
__scs_overlays_trampoline_lowered:
0x8: {  	[smem:$0x3FA7] =	sst s0  }
0x9: {  	[smem:$0x3FA8] =	sst s1  }
0xa: {  	[smem:$0x3FA9] =	sst s2  }
0xb: {  	[smem:$0x3FAA] =	sst s3  }
0xc: {  	[smem:$0x3FAB] =	sst s4  }
0xd: {  	[smem:$0x3FAC] =	sst s5  }
0xe: {  	[smem:$0x3FAD] =	sst s6  }
0xf: {  	[smem:$0x3FAE] =	sst s7  }
0x10: {  	[smem:$0x3FAF] =	sst s8  }
0x11: {  	[smem:$0x3FB0] =	sst s9;
	s0 =	simm.s32 @!p0 $0x0  }
0x12: {  	s1 =	sld [smem:$0x3F96];
	s0 =	simm.s32 @p0 $0x1  }
0x13: {  	[smem:$0x3FB1] =	sst s0;
	s0 =	simm.s32 @!p1 $0x0  }
0x14: {  	s2 =	sld [smem:$0x3F95];
	s0 =	simm.s32 @p1 $0x1  }
0x15: {  	[smem:$0x3FB2] =	sst s0;
	s0 =	simm.s32 @!p2 $0x0  }
0x16: {  	s3 =	sld [smem:$0x3FDB];
	s0 =	simm.s32 @p2 $0x1  }
0x17: {  	s4 =	simm.s32 $0x1BF5;
	[smem:$0x3FB4] =	sst s0  }
0x18: {  	s0 =	sld [smem:$0x3F97];
	_ =	swait.ge [sflag:s4], $0x0  }
0x19: {  	s7 =	sld [smem:$0x3F98]  }
0x1a: {  	s8 =	sadd.s32 $0xFFFFE003, lr  }
0x1b: {  	s9 =	sadd.s32 $0xFFFFFEF7, lr;
	s5 =	simm.s32 $0xFFFFFFFF;
	p2 =	slt.u32 s8, $0xFFFFF086  }
0x1c: {  	p1 =	slt.u32 s9, $0xF7A;
	s5 =	simm.s32 @!p2 $0x0  }
0x1d: {  	s5 =	simm.s32 @p1 $0x1;
	p0 =	seq.s32 s7, s2  }
0x1e: {  	s7 =	smul.u32 @!p0 $0xF7A, s2;
	p2 =	seq.s32 @!p0 s5, $0x0  }
0x1f: {  	s9 =	smul.u32 $0xF7A, s1;
	s8 =	simm.s32 @!p0 $0x1BF5;
	p2 =	por !p2, p0  }
0x20: {  	[sflag:s8] =	ssyncset.s32 @!p0 $0xFFFFF086;
	s6 =	sadd.s32 @!p0 s3, s7;
	s7 =	simm.s32 @!p0 $0x108  }
0x21: {  	s3 =	sadd.s32 s3, s9;
	s6 =	sadd.s32 @!p0 $0x88, s6;
	s7 =	simm.s32 @p2 $0x1082  }
0x22: {  	[simem:s7], [sflag:s8] =	dma.local @!p0 [hbm:s6], $0xF7A  }
0x23: {  	s9 =	sor.u32 $0xD0000000, s2;
	s6 =	simm.s32 $0x108;
	_ =	swait.ge @!p0 [sflag:s8], $0x0  }
0x24: {  	s3 =	sadd.s32 $0x88, s3;
	s6 =	simm.s32 @!p1 $0x1082;
	[sflag:s4] =	ssyncset.s32 $0xFFFFF086  }
0x25: {  	[simem:s6], [sflag:s4] =	dma.local [hbm:s3], $0xF7A  }
0x26: {  	[smem:$0x3F98] =	sst s1;
	(tag) =	ssettag s2;
	_ =	strace s9  }
0x27: {  	s1 =	sld [smem:$0x3FA8]  }
0x28: {  	s2 =	sld [smem:$0x3FA9]  }
0x29: {  	s4 =	sld [smem:$0x3FAB]  }
0x2a: {  	p0 =	seq.s32 s5, $0x0;
	s5 =	sld [smem:$0x3FAC]  }
0x2b: {  	s6 =	sld [smem:$0x3FAD]  }
0x2c: {  	s7 =	sld [smem:$0x3FAE]  }
0x2d: {  	s3 =	simm.s32 $0x108;
	s8 =	sld [smem:$0x3FAF]  }
0x2e: {  	s3 =	simm.s32 @!p0 $0x1082;
	s9 =	sld [smem:$0x3FB0]  }
0x2f: {  	lr =	sadd.s32 s0, s3;
	s0 =	sld [smem:$0x3FA7]  }
0x30: {  	s3 =	sld [smem:$0x3FAA]  }
0x31: {  	[smem:$0x3FB3] =	sst s10  }
0x32: {  	s10 =	sld [smem:$0x3FB1];
	_ =	sdelay $0x3  }
0x33: {  	p0 =	seq.s32 s10, $0x1;
	s10 =	sld [smem:$0x3FB3];
	_ =	sdelay $0x3  }
0x34: {  	[smem:$0x3FB3] =	sst s10  }
0x35: {  	s10 =	sld [smem:$0x3FB2];
	_ =	sdelay $0x3  }
0x36: {  	p1 =	seq.s32 s10, $0x1;
	s10 =	sld [smem:$0x3FB3];
	_ =	sdelay $0x3  }
0x37: {  	[smem:$0x3FB3] =	sst s10  }
0x38: {  	s10 =	sld [smem:$0x3FB4]  }
0x39: {  	_ = 	snop;
	(pc) =	sbr.ind lr, $3  }
0x3a: {  	_ = 	snop  }
0x3b: {  	_ = 	snop  }
0x3c: {  	p2 =	seq.s32 s10, $0x1;
	s10 =	sld [smem:$0x3FB3]  }
0x3d: {  	_ =	shalt  }
0x3e: {  	_ =	shalt  }
0x3f: {  	_ =	shalt  }
0x40: {  	_ =	shalt  }
0x41: {  	_ =	shalt  }
0x42: {  	_ =	shalt  }
0x43: {  	_ =	shalt  }
0x44: {  	_ =	shalt  }
0x45: {  	_ =	shalt  }
0x46: {  	_ =	shalt  }
0x47: {  	_ =	shalt  }
0x48: {  	_ =	shalt  }
0x49: {  	_ =	shalt  }
0x4a: {  	_ =	shalt  }
0x4b: {  	_ =	shalt  }
0x4c: {  	_ =	shalt  }
0x4d: {  	_ =	shalt  }
0x4e: {  	_ =	shalt  }
0x4f: {  	_ =	shalt  }
0x50: {  	_ =	shalt  }
0x51: {  	_ =	shalt  }
0x52: {  	_ =	shalt  }
0x53: {  	_ =	shalt  }
0x54: {  	_ =	shalt  }
0x55: {  	_ =	shalt  }
0x56: {  	_ =	shalt  }
0x57: {  	_ =	shalt  }
0x58: {  	_ =	shalt  }
0x59: {  	_ =	shalt  }
0x5a: {  	_ =	shalt  }
0x5b: {  	_ =	shalt  }
0x5c: {  	_ =	shalt  }
0x5d: {  	_ =	shalt  }
0x5e: {  	_ =	shalt  }
0x5f: {  	_ =	shalt  }
0x60: {  	_ =	shalt  }
0x61: {  	_ =	shalt  }
0x62: {  	_ =	shalt  }
0x63: {  	_ =	shalt  }
0x64: {  	_ =	shalt  }
0x65: {  	_ =	shalt  }
0x66: {  	_ =	shalt  }
0x67: {  	_ =	shalt  }
0x68: {  	_ =	shalt  }
0x69: {  	_ =	shalt  }
0x6a: {  	_ =	shalt  }
0x6b: {  	_ =	shalt  }
0x6c: {  	_ =	shalt  }
0x6d: {  	_ =	shalt  }
0x6e: {  	_ =	shalt  }
0x6f: {  	_ =	shalt  }
0x70: {  	_ =	shalt  }
0x71: {  	_ =	shalt  }
0x72: {  	_ =	shalt  }
0x73: {  	_ =	shalt  }
0x74: {  	_ =	shalt  }
0x75: {  	_ =	shalt  }
0x76: {  	_ =	shalt  }
0x77: {  	_ =	shalt  }
0x78: {  	_ =	shalt  }
0x79: {  	_ =	shalt  }
0x7a: {  	_ =	shalt  }
0x7b: {  	_ =	shalt  }
0x7c: {  	_ =	shalt  }
0x7d: {  	_ =	shalt  }
0x7e: {  	_ =	shalt  }
0x7f: {  	_ =	shalt  }
0x80: {  	_ =	shalt  }
0x81: {  	_ =	shalt  }
0x82: {  	_ =	shalt  }
0x83: {  	_ =	shalt  }
0x84: {  	_ =	shalt  }
0x85: {  	_ =	shalt  }
0x86: {  	_ =	shalt  }
0x87: {  	_ =	shalt  }
.Lfunc_end0:
.L_simem_size_0:
called_computation_lowered:
.L_overlay_start_0:
0x88: {  	s2 =	sld [smem:$0x3FD9]  }
0x89: {  	s3 =	sld [smem:$0x3FFE];
	_ =	sdelay $0x1  }
0x8a: {  	s1 =	srdreg.scid  }
0x8b: {  	s0 =	sand.u32 $0x1, s1  }
0x8c: {  	s16 =	sshll.u32 s0, $0xA;
	s2 =	sadd.s32 s3, s2  }
0x8d: {  	s2 =	sadd.s32 s2, s16  }
0x8e: {  	[smem:$0x3FBF] =	sst s2  }
0x8f: {  	_ = 	snop  }
0x90: {  	(tm) =	ssettm $0x1  }
0x91: {  	s17 =	sld [smem:$0x3FFB];
	_ =	sdelay $0x3  }
0x92: {  	_ =	strace s17  }
0x93: {  	s2 =	sld [smem:$0x3FFC];
	_ =	sdelay $0x3  }
0x94: {  	_ =	strace s2  }
0x95: {  	s2 =	sld [smem:$0x3FFD];
	_ =	sdelay $0x3  }
0x96: {  	_ =	strace s2  }
0x97: {  	_ =	strace $0x8FFFFFFF  }
0x98: {  	s18 =	sld [smem:$0x3FDB];
	_ =	sdelay $0x1  }
0x99: {  	s19 =	simm.s32 $_scs_section_size  }
0x9a: {  	s4 =	simm.s32 $_size__tile_overlayer_lowered;
	s5 =	simm.s32 $_tile_overlayer_lowered  }
0x9b: {  	s22 =	simm.s32 $0x1BFF;
	s21 =	sshll.u32 s5, $0x1;
	s2 =	sadd.s32 s19, s18  }
0x9c: {  	s6 =	simm.s32 $0x0;
	s20 =	sshll.u32 s4, $0x1;
	s4 =	sadd.s32 s21, s2  }
0x9d: {  	[timem:s6], [sflag:s22] =	dma.local [hbm:s4], s20  }
0x9e: {  	_ =	swait.ge [sflag:s22], s20  }
0x9f: {  	s3 =	ssub.s32 $0x0, s20;
	[sflag:s22] =	ssyncset.done $0x0  }
0xa0: {  	[sflag:s22] =	ssyncadd.s32 s3;
	_ =	sdelay $0x1  }
0xa1: {  	s23 =	simm.s32 $0x1B8B  }
0xa2: {  	_ =	swait.ge [sflag:s23], $0x1  }
0xa3: {  	[sflag:s23] =	ssyncset.done $0x0  }
0xa4: {  	s25 =	simm.s32 $0x1B8E;
	s24 =	sld [smem:$0x3FFE];
	[sflag:s23] =	ssyncadd.s32 $0xFFFFFFFF  }
0xa5: {  	s26 =	simm.s32 $execute0_lowered;
	[smem:$0x3FD2] =	sst s25  }
0xa6: {  	s4 =	sshll.u32 s26, $0x1;
	_ =	strace $0x80000046;
	[dreg:$0x1] =	wrdreg $0xFFFFFFFF  }
0xa7: {  	s28 =	simm.s32 $_size_execute0_lowered;
	s2 =	sadd.s32 s2, s4;
	[dreg:$0x0] =	wrdreg $0x0  }
0xa8: {  	s4 =	sshll.u32 s28, $0x1;
	[dreg:$0x2] =	wrdreg s2  }
0xa9: {  	[dreg:$0x3] =	wrdreg s4  }
0xaa: {  	[dreg:$0x4] =	wrdreg $0xC0  }
0xab: {  	_ =	task [dreg:s6], $0x5FFFF  }
0xac: {  	[dreg:$0x1] =	wrdreg $0xFFFFFFFF  }
0xad: {  	[dreg:$0x0] =	wrdreg $0x60  }
0xae: {  	[dreg:$0x2] =	wrdreg s24  }
0xaf: {  	[dreg:$0x3] =	wrdreg $0x2F800  }
0xb0: {  	[dreg:$0x4] =	wrdreg $0x9  }
0xb1: {  	_ =	task.clear_ibuf [dreg:s6], $0x5FFFF;
	_ =	strace $0x90000046  }
0xb2: {  	s29 =	simm.s32 $0x9;
	_ =	strace $0x80000048  }
0xb3: {  	_ =	swait.ge [sflag:s29], $0x1  }
0xb4: {  	[sflag:s29] =	ssyncadd.s32 $0xFFFFFFFF  }
0xb5: {  	_ =	strace $0x90000048  }
0xb6: {  	_ =	sfence  }
0xb7: {  	s30 =	sld [smem:$0x0];
	_ =	sdelay $0x2  }
0xb8: {  	s31 =	sshll.u32 s1, $0xD;
	s1 =	sshrl.u32 s1, $0x2  }
0xb9: {  	s3 =	sand.u32 $0x4000, s31;
	s1 =	sadd.s32 s1, s30  }
0xba: {  	s0 =	sor.u32 s3, s0;
	s1 =	sshll.u32 s1, $0x11  }
0xbb: {  	s0 =	sor.u32 s1, s0  }
0xbc: {  	s0 =	sadd.s32 $0x8F2B, s0  }
0xbd: {  	[sflag:s0] =	ssyncadd.remote.s32 $0x1  }
0xbe: {  	_ =	sfence.sel $0xFFFF  }
0xbf: {  	[dreg:$0x0] =	wrdreg $0xFFFFFFFF;
	(pc) =	sbr.abs _section_cstart, $3  }
0xc0: {  	[dreg:$0x1] =	wrdreg $0xFFFFFFFF  }
0xc1: {  	_ =	task.clear_ibuf [dreg:s6], $0x2FFFF;
	_ =	strace $0x9FFFFFFF  }
0xc2: {  	(tm) =	ssettm $0x7FFFFFFF  }
0xc3: {  	_ =	shalt  }
tec
execute0_lowered:
.L_overlay_start_1:
0x0: {  	(tag) =	ssettag $0x1  }
0x1: {  	s9 =	rddreg [dreg:$0x0]  }
0x2: {  	s1 =	srdreg.scid;
	s0 =	stileid.u32  }
0x3: {  	s2 =	rddreg [dreg:$0x1];
	s3 =	simm.s32 $0x0;
	s14 =	simm.s32 $0x2  }
0x4: {  	s15 =	simm.s32 $0x80;
	s4 =	sand.u32 $0x1, s1;
	s1 =	rddreg [dreg:$0x2]  }
0x5: {  	s16 =	simm.s32 $0x1;
	s5 =	smul.u32 $0x2800, s0;
	[smem:$0x7FF] =	sst s3  }
0x6: {  	s7 =	sshll.u32 s0, $0x1;
	s8 =	smul.u32 $0xA000, s0;
	p0 =	sgt.u32 s0, $0xD  }
0x7: {  	s17 =	sshll.u32 s0, $0x6;
	s6 =	smul.u32 $0x28000, s4;
	_ =	strace $0x80000047  }
0x8: {  	s28 =	ssub.s32 $0x2, s4;
	s4 =	sor.u32 s4, s7;
	s17 =	sor.u32 $0x1C02, s17  }
0x9: {  	s29 =	sshrl.u32 s28, $0x1;
	s8 =	sshrl.u32 s8, $0x2;
	s10 =	smul.u32 $0x4E, s4  }
0xa: {  	s30 =	smax.u32 s4, $0x1C;
	s4 =	sadd.s32 s5, s2;
	s6 =	sadd.s32 s5, s6  }
0xb: {  	s12 =	ssub.s32 s28, s29;
	s13 =	sadd.s32 s8, s2;
	s8 =	simm.s32 $0x4F  }
0xc: {  	s18 =	sshrl.u32 s4, $0x3;
	s6 =	sshrl.u32 s6, $0x3;
	s5 =	sadd.s32 $0x800, s13  }
0xd: {  	s31 =	sadd.s32 s10, s30;
	s7 =	sadd.s32 $0x1800, s13;
	s8 =	simm.s32 @!p0 $0x4E  }
0xe: {  	s12 =	smax.u32 s12, $0x1;
	s11 =	sadd.s32 s6, s9;
	s10 =	sshll.u32 s31, $0x4  }
0xf: {  	s6 =	sadd.s32 $0x1000, s13;
	s10 =	sadd.s32 s9, s10;
	s9 =	sadd.s32 $0x2000, s13  }
0x10: {  	v0 =	vimm.f32 $0.0e+00;
	v1 =	vimm.f32 $1.000000000e+00;
	s11 =	sadd.s32 $0x15800, s11;
	s13 =	simm.s32 $0x2780;
	s10 =	sadd.s32 $0xB840, s10  }
.LBB2_1:
0x11: {  	s19 =	simm.s32 $0x40;
	s20 =	simm.s32 $0x0  }
.LBB2_2:
0x12: {  	p0 =	sne.s32 s19, $0x1FC0;
	[tilespmem:s20+$0x2780] =	vst v0;
	s20 =	smov.u32 s19;
	s19 =	sadd.s32 $0x40, s19  }
.Ltmp0:
0x13: {  	(pc) =	sbr.rel @p0 .LBB2_2-.Ltmp0, $2  }
0x14: {  	_ =	sdelay $0x2  }
0x15: {  	s20 =	sshra.s32 s20, $0x2  }
0x16: {  	[tilespmem:s20+$0x2780] =	vst v0  }
0x17: {  	[spmem:s4] =	stream.linear.scatter [tilespmem:s13], [sflag:$0x2], $0x800, $0x38;
	[tilespmem:$0x5780] =	vst v63  }
0x18: {  	_ =	swait.ge [sflag:s14], $0x800  }
0x19: {  	[sflag:s14] =	ssyncset.done $0x0  }
0x1a: {  	[sflag:s14] =	ssyncadd.s32 $0xFFFFF800  }
0x1b: {  	[spmem:s5] =	stream.linear.scatter [tilespmem:s13], [sflag:$0x2], $0x800, $0x38;
	[tilespmem:$0x5780] =	vst v63  }
0x1c: {  	_ =	swait.ge [sflag:s14], $0x800  }
0x1d: {  	[sflag:s14] =	ssyncset.done $0x0  }
0x1e: {  	[sflag:s14] =	ssyncadd.s32 $0xFFFFF800  }
0x1f: {  	[spmem:s6] =	stream.linear.scatter [tilespmem:s13], [sflag:$0x2], $0x800, $0x38;
	[tilespmem:$0x5780] =	vst v63  }
0x20: {  	_ =	swait.ge [sflag:s14], $0x800  }
0x21: {  	[sflag:s14] =	ssyncset.done $0x0  }
0x22: {  	[sflag:s14] =	ssyncadd.s32 $0xFFFFF800  }
0x23: {  	[spmem:s7] =	stream.linear.scatter [tilespmem:s13], [sflag:$0x2], $0x800, $0x38;
	[tilespmem:$0x5780] =	vst v63  }
0x24: {  	_ =	swait.ge [sflag:s14], $0x800  }
0x25: {  	[sflag:s14] =	ssyncset.done $0x0  }
0x26: {  	[sflag:s14] =	ssyncadd.s32 $0xFFFFF800  }
0x27: {  	[spmem:s9] =	stream.linear.scatter [tilespmem:s13], [sflag:$0x2], $0x800, $0x38;
	[tilespmem:$0x5780] =	vst v63  }
0x28: {  	_ =	swait.ge [sflag:s14], $0x800  }
0x29: {  	[sflag:s14] =	ssyncset.done $0x0  }
0x2a: {  	s19 =	simm.s32 $0x0;
	[sflag:s14] =	ssyncadd.s32 $0xFFFFF800  }
0x2b: {  	[tilespmem:s19], [sflag:$0x2] =	stream.linear.gather [hbm4b:s10+s19], $0x2780, $0x38;
	[tilespmem:$0x5780] =	vst v63  }
0x2c: {  	_ =	swait.ge [sflag:s14], $0x2780  }
0x2d: {  	[sflag:s14] =	ssyncset.done $0x0  }
0x2e: {  	s20 =	simm.s32 $0x0;
	s19 =	simm.s32 $0x40;
	[sflag:s14] =	ssyncadd.s32 $0xFFFFD880  }
.LBB2_4:
0x2f: {  	p0 =	sne.s32 s19, $0x1FC0;
	[tilespmem:s20+$0x2780] =	vst v1;
	s20 =	smov.u32 s19;
	s19 =	sadd.s32 $0x40, s19  }
.Ltmp1:
0x30: {  	(pc) =	sbr.rel @p0 .LBB2_4-.Ltmp1, $2  }
0x31: {  	_ =	sdelay $0x2  }
0x32: {  	s20 =	sshra.s32 s20, $0x2  }
0x33: {  	p0 =	sne.s32 s8, $0x1  }
.Ltmp2:
0x34: {  	[tilespmem:s20+$0x2780] =	vst v1;
	(pc) =	sbr.rel @!p0 .LBB2_7-.Ltmp2, $4  }
0x35: {  	s19 =	simm.s32 $0x0;
	[bflag:$0x0] =	sbarrier.arrive $0xFFFF  }
0x36: {  	[spmem:s2] =	stream.indirect.scatter.add.f32 [tilespmem:s13], [sflag:$0x1], $0x10, s19, s15, $0xb8;
	[tilespmem:$0x5780] =	vst v63  }
0x37: {  	_ =	swait.ge [sflag:s16], $0x800  }
0x38: {  	s20 =	sadd.s32 $0xFFFFFFFF, s8;
	[sflag:s16] =	ssyncset.done $0x0  }
.LBB2_6:
0x39: {  	p0 =	sne.s32 s20, $0x1;
	[sflag:s16] =	ssyncadd.s32 $0xFFFFF800;
	s19 =	sadd.s32 $0x80, s19  }
.Ltmp3:
0x3a: {  	s20 =	sadd.s32 $0xFFFFFFFF, s20;
	(pc) =	sbr.rel @p0 .LBB2_6-.Ltmp3, $4  }
0x3b: {  	_ = 	snop  }
0x3c: {  	[spmem:s2] =	stream.indirect.scatter.add.f32 [tilespmem:s13], [sflag:$0x1], $0x10, s19, s15, $0xb8;
	[tilespmem:$0x5780] =	vst v63  }
0x3d: {  	_ =	swait.ge [sflag:s16], $0x800  }
0x3e: {  	[sflag:s16] =	ssyncset.done $0x0  }
.LBB2_7:
0x3f: {  	s3 =	sadd.s32 $0x1, s3  }
0x40: {  	[sflag:s16] =	ssyncadd.s32 $0xFFFFF800;
	p0 =	sne.s32 s3, s12  }
.Ltmp4:
0x41: {  	[bflag:$0x0] =	sbarrier.arrive $0xFFFF;
	(pc) =	sbr.rel @p0 .LBB2_1-.Ltmp4, $4  }
0x42: {  	[hbm:s11], [sflag:s17] =	dma.local [spmem:s18], $0x500  }
0x43: {  	_ =	swait.ge [sflag:s14], $0x500  }
0x44: {  	[sflag:s14] =	ssyncset.done $0x0  }
0x45: {  	[sflag:s14] =	ssyncadd.s32 $0xFFFFFB00  }
0x46: {  	_ =	sfence.sel $0x180000  }
0x47: {  	[bflag:$0x0] =	sbarrier.arrive $0xFFFF  }
0x48: {  	p0 =	sne.s32 s0, $0x0;
	_ =	strace $0x90000047  }
0x49: {  	s0 =	sadd.s32 @!p0 $0x100000, s1;
	[bflag:$0x2] =	sbarrier.arrive $0xFFFF  }
0x4a: {  	[sflag:s0] =	ssyncadd.tile.s32 @!p0 $0x1;
	_ =	shalt  }
.Lfunc_end2:
_tile_overlayer_lowered:
.L_overlay_start_2:
0x4b: {  	(tag) =	ssettag $0x2  }
0x4c: {  	s0 =	rddreg [dreg:$0x0];
	s2 =	stileid.u32  }
0x4d: {  	s1 =	rddreg [dreg:$0x1];
	p0 =	sne.s32 s2, $0x0  }
0x4e: {  	s3 =	rddreg [dreg:$0x2];
	[bflag:$0x3] =	sbarrier.arrive $0xFFFF;
	s2 =	simm.s32 @!p0 $0x1C02  }
0x4f: {  	[timem:s3], [sflag:s2] =	dma.local @!p0 [hbm:s0], s1  }
0x50: {  	s0 =	simm.s32 @!p0 $0x2  }
0x51: {  	_ =	swait.ge @!p0 [sflag:s0], s1  }
0x52: {  	s1 =	ssub.s32 @!p0 $0x0, s1;
	[sflag:s0] =	ssyncset.done @!p0 $0x0  }
0x53: {  	[sflag:s0] =	ssyncadd.s32 @!p0 s1  }
0x54: {  	[bflag:$0x3] =	sbarrier.arrive $0xFFFF  }
0x55: {  	_ =	shalt  }

</sc_bundles>
